<compile_context>
chip_gen: v7x
topology: tpu7x:2x2x1
jax: 0.10.2.dev20260603
libtpu: 0.0.44.dev20260713+nightly
codegen_flags: <defaults>
</compile_context>

<pallas_src>
import functools

import jax
import jax.numpy as jnp
from jax import lax
from jax.experimental import pallas as pl
from jax.experimental.pallas import tpu as pltpu
from jax.experimental.pallas import tpu_sc as plsc

N = 10000
NP = 10240
D = 128
DH = D // 2
E = 320000
CH = 128
PAD_IDX = 10200
STR = NP // 16

NCH_C = 80
EP = 32 * NCH_C * CH

NCH_A = 160

_MESH = plsc.VectorSubcoreMesh(core_axis_name="c", subcore_axis_name="s")
_SC_PARAMS = pltpu.CompilerParams(use_tc_tiling_on_sc=False)


@functools.partial(
    pl.kernel,
    out_type=jax.ShapeDtypeStruct((2, NP, 16), jnp.float32),
    mesh=_MESH,
    scratch_types=[
        pltpu.VMEM((NCH_C, CH), jnp.int32),
        pltpu.VMEM((CH, 16), jnp.float32),
        pltpu.VMEM((CH, 16), jnp.float32),
        pltpu.VMEM_SHARED((NP, 16), jnp.float32),
        pltpu.SemaphoreType.DMA,
    ],
    compiler_params=_SC_PARAMS,
)
def _sc_count(dst_hbm, out_hbm, dst_v, ones_v, zb, cnt, sem):
    cid = lax.axis_index("c")
    sid = lax.axis_index("s")
    wid = cid * 16 + sid
    pltpu.sync_copy(dst_hbm.at[wid], dst_v)

    @pl.loop(0, CH)
    def _(i):
        ones_v[i, :] = jnp.ones((16,), jnp.float32)
        zb[i, :] = jnp.zeros((16,), jnp.float32)

    base = sid * STR
    for i in range(STR // CH):
        pltpu.sync_copy(zb, cnt.at[pl.ds(base + i * CH, CH)])
    plsc.subcore_barrier()

    @pl.loop(0, 8)
    def _(j):
        pltpu.async_copy(ones_v, cnt.at[dst_v.at[j]], sem, add=True)

    @pl.loop(8, NCH_C)
    def _(j):
        pltpu.make_async_copy(ones_v, cnt.at[dst_v.at[0]], sem).wait()
        pltpu.async_copy(ones_v, cnt.at[dst_v.at[j]], sem, add=True)

    @pl.loop(0, 8)
    def _(j):
        pltpu.make_async_copy(ones_v, cnt.at[dst_v.at[0]], sem).wait()

    plsc.subcore_barrier()
    pltpu.sync_copy(cnt.at[pl.ds(base, STR)], out_hbm.at[cid, pl.ds(base, STR)])


@functools.partial(
    pl.kernel,
    out_type=jax.ShapeDtypeStruct((2, NP, DH), jnp.float32),
    mesh=_MESH,
    scratch_types=[
        pltpu.VMEM((NCH_A, CH), jnp.int32),
        pltpu.VMEM((NCH_A, CH), jnp.int32),
        pltpu.VMEM((CH, DH), jnp.float32),
        pltpu.VMEM((CH, DH), jnp.float32),
        pltpu.VMEM((CH, DH), jnp.float32),
        pltpu.VMEM((CH, DH), jnp.float32),
        pltpu.VMEM_SHARED((NP, DH), jnp.float32),
        ((pltpu.SemaphoreType.DMA,) * 4),
        ((pltpu.SemaphoreType.DMA,) * 4),
    ],
    compiler_params=_SC_PARAMS,
)
def _sc_agg(g_hbm, src_hbm, dst_hbm, out_hbm,
            src_v, dst_v, rb0, rb1, rb2, rb3, acc, gss, sss):
    cid = lax.axis_index("c")
    sid = lax.axis_index("s")
    pltpu.sync_copy(src_hbm.at[sid], src_v)
    pltpu.sync_copy(dst_hbm.at[sid], dst_v)

    @pl.loop(0, CH)
    def _(i):
        for k in range(DH // 16):
            rb0[i, pl.ds(k * 16, 16)] = jnp.zeros((16,), jnp.float32)

    base = sid * STR
    for i in range(STR // CH):
        pltpu.sync_copy(rb0, acc.at[pl.ds(base + i * CH, CH)])
    plsc.subcore_barrier()

    @pl.loop(0, NCH_A)
    def _(i):
        for k in range(CH // 16):
            v = lax.iota(jnp.int32, 16) + i * CH + k * 16
            v = jnp.where(v >= NP, v - NP, v)
            src_v[i, pl.ds(k * 16, 16)] = v

    table = g_hbm.at[cid]
    rbs = (rb0, rb1, rb2, rb3)
    NB = 4

    def start_gather(j, b):
        pltpu.async_copy(table.at[src_v.at[j]], rbs[b], gss[b])

    def wait_gather(b):
        pltpu.make_async_copy(table.at[src_v.at[0]], rbs[b], gss[b]).wait()

    def start_scatter(j, b):
        pass

    def wait_scatter(b):
        pass

    for b in range(NB):
        start_gather(b, b)

    @pl.loop(NB, NCH_A, step=NB)
    def _(jj):
        for b in range(NB):
            wait_gather(b)
            start_scatter(jj - NB + b, b)
        for b in range(NB):
            wait_scatter(b)
            start_gather(jj + b, b)

    for b in range(NB):
        wait_gather(b)
        start_scatter(NCH_A - NB + b, b)
    for b in range(NB):
        wait_scatter(b)

    plsc.subcore_barrier()
    pltpu.sync_copy(acc.at[pl.ds(base, STR)], out_hbm.at[cid, pl.ds(base, STR)])


def _tc_first(xp, W, c0, c1):
    def body(x_ref, w_ref, c0_ref, c1_ref, dis_ref, g_ref):
        deg = c0_ref[:, :1] + c1_ref[:, :1] + 1.0
        dis = 1.0 / jnp.sqrt(deg)
        dis_ref[:] = dis
        gm = jnp.dot(x_ref[:], w_ref[:],
                     preferred_element_type=jnp.float32) * dis
        g_ref[0] = lax.slice(gm, (0, 0), (NP, DH))
        g_ref[1] = lax.slice(gm, (0, DH), (NP, D))

    return pl.pallas_call(
        body,
        out_shape=(jax.ShapeDtypeStruct((NP, 1), jnp.float32),
                   jax.ShapeDtypeStruct((2, NP, DH), jnp.float32)),
    )(xp, W, c0, c1)


def _tc_mid(dis, g, p, b, W):
    def body(dis_ref, g_ref, p_ref, b_ref, w_ref, o_ref):
        s = jnp.concatenate([p_ref[0] + g_ref[0], p_ref[1] + g_ref[1]], axis=1)
        z = jnp.maximum(dis_ref[:] * s + b_ref[:], 0.0)
        gm = jnp.dot(z, w_ref[:],
                     preferred_element_type=jnp.float32) * dis_ref[:]
        o_ref[0] = lax.slice(gm, (0, 0), (NP, DH))
        o_ref[1] = lax.slice(gm, (0, DH), (NP, D))

    return pl.pallas_call(
        body,
        out_shape=jax.ShapeDtypeStruct((2, NP, DH), jnp.float32),
    )(dis, g, p, b, W)


def _tc_last(dis, g, p, b):
    def body(dis_ref, g_ref, p_ref, b_ref, o_ref):
        s = jnp.concatenate([p_ref[0] + g_ref[0], p_ref[1] + g_ref[1]], axis=1)
        z = dis_ref[:] * s + b_ref[:]
        o_ref[:] = lax.slice(z, (0, 0), (N, D))

    return pl.pallas_call(
        body,
        out_shape=jax.ShapeDtypeStruct((N, D), jnp.float32),
    )(dis, g, p, b)


def kernel(x, edge_index, W1, b1, W2, b2, W3, b3):
    src = edge_index[0]
    dst = edge_index[1]
    pad = jnp.full((EP - E,), PAD_IDX, jnp.int32)
    srcp = jnp.concatenate([src, pad])
    dstp = jnp.concatenate([dst, pad])
    srcp_a = srcp.reshape(16, NCH_A, CH)
    dstp_a = dstp.reshape(16, NCH_A, CH)
    dstp_c = dstp.reshape(32, NCH_C, CH)
    xp = jnp.pad(x, ((0, NP - N), (0, 0)))

    counts = _sc_count(dstp_c)
    dis, g1 = _tc_first(xp, W1, counts[0], counts[1])
    p = _sc_agg(g1, srcp_a, dstp_a)
    g2 = _tc_mid(dis, g1, p, b1.reshape(1, D), W2)
    q = _sc_agg(g2, srcp_a, dstp_a)
    g3 = _tc_mid(dis, g2, q, b2.reshape(1, D), W3)
    r = _sc_agg(g3, srcp_a, dstp_a)
    return _tc_last(dis, g3, r, b3.reshape(1, D))

# --- scband reference (transcript-rebuilt; emitter-appended) ---
"""Pipeline reference for scband-encoder-73332271612284 (READ-ONLY COPY).

The authoritative reference and input builder live on the scoring server;
editing this copy changes nothing except your own understanding.
"""

import jax, jax.numpy as jnp
import numpy as np

N = 10000
E = 320000
D_IN = 128
D_H = 128


def _glorot(key, fan_in, fan_out):
    scale = jnp.sqrt(6.0 / (fan_in + fan_out))
    return (jax.random.uniform(key, (fan_in, fan_out), dtype=jnp.float32) * 2.0 - 1.0) * scale


def setup_inputs(seed: int = 0) -> dict:
    key = jax.random.key(seed)
    ks = jax.random.split(key, 8)
    x = jax.random.normal(ks[0], (N, D_IN), dtype=jnp.float32)
    edge_index = jax.random.randint(ks[1], (2, E), 0, N, dtype=jnp.int32)
    W1 = _glorot(ks[2], D_IN, D_H)
    b1 = jnp.zeros((D_H,), dtype=jnp.float32)
    W2 = _glorot(ks[3], D_H, D_H)
    b2 = jnp.zeros((D_H,), dtype=jnp.float32)
    W3 = _glorot(ks[4], D_H, D_H)
    b3 = jnp.zeros((D_H,), dtype=jnp.float32)
    return {"x": x, "edge_index": edge_index, "W1": W1, "b1": b1, "W2": W2, "b2": b2, "W3": W3, "b3": b3}


def _gcn_conv(x, W, b, src, dst, norm):
    h = x @ W
    msg = h[src] * norm[:, None]
    agg = jax.ops.segment_sum(msg, dst, num_segments=N)
    return agg + b


def reference(x, edge_index, W1, b1, W2, b2, W3, b3):
    src0 = edge_index[0]
    dst0 = edge_index[1]
    loops = jnp.arange(N, dtype=src0.dtype)
    src = jnp.concatenate([src0, loops])
    dst = jnp.concatenate([dst0, loops])
    deg = jax.ops.segment_sum(jnp.ones((src.shape[0],), dtype=jnp.float32), dst, num_segments=N)
    dis = jnp.where(deg > 0, 1.0 / jnp.sqrt(jnp.maximum(deg, 1e-12)), 0.0)
    norm = dis[src] * dis[dst]
    z = jax.nn.relu(_gcn_conv(x, W1, b1, src, dst, norm))
    z = jax.nn.relu(_gcn_conv(z, W2, b2, src, dst, norm))
    z = _gcn_conv(z, W3, b3, src, dst, norm)
    return z

if __name__ == "__main__":
    import jax
    _d = setup_inputs()
    print(jax.jit(kernel)(*tuple(_d.values())))

</pallas_src>

<mosaic_0001>
#map = affine_map<(d0, d1) -> (0, 0, 0)>
module attributes {stable_mosaic.version = 14 : i64} {
  func.func @_sc_agg(%arg0: i32, %arg1: i32, %arg2: memref<2x10240x64xf32, #tpu.memory_space<hbm>>, %arg3: memref<16x160x128xi32, #tpu.memory_space<hbm>>, %arg4: memref<16x160x128xi32, #tpu.memory_space<hbm>>, %arg5: memref<2x10240x64xf32, #tpu.memory_space<hbm>>, %arg6: memref<160x128xi32, #tpu.memory_space<vmem>>, %arg7: memref<160x128xi32, #tpu.memory_space<vmem>>, %arg8: memref<128x64xf32, #tpu.memory_space<vmem>>, %arg9: memref<128x64xf32, #tpu.memory_space<vmem>>, %arg10: memref<128x64xf32, #tpu.memory_space<vmem>>, %arg11: memref<128x64xf32, #tpu.memory_space<vmem>>, %arg12: memref<10240x64xf32, #tpu.memory_space<vmem_shared>>, %arg13: memref<!tpu.dma_semaphore, #tpu.memory_space<semaphore_mem>>, %arg14: memref<!tpu.dma_semaphore, #tpu.memory_space<semaphore_mem>>, %arg15: memref<!tpu.dma_semaphore, #tpu.memory_space<semaphore_mem>>, %arg16: memref<!tpu.dma_semaphore, #tpu.memory_space<semaphore_mem>>, %arg17: memref<!tpu.dma_semaphore, #tpu.memory_space<semaphore_mem>>, %arg18: memref<!tpu.dma_semaphore, #tpu.memory_space<semaphore_mem>>, %arg19: memref<!tpu.dma_semaphore, #tpu.memory_space<semaphore_mem>>, %arg20: memref<!tpu.dma_semaphore, #tpu.memory_space<semaphore_mem>>) attributes {dimension_semantics = [#tpu.dimension_semantics<core_parallel>, #tpu.dimension_semantics<subcore_parallel>], iteration_bounds = array<i64: 2, 16>, scalar_prefetch = 0 : i64, scratch_operands = 15 : i64, tpu.core_type = #tpu.core_type<sc_vector_subcore>, window_params = [{transform_indices = #map}, {transform_indices = #map}, {transform_indices = #map}, {transform_indices = #map}]} {
    "tpu.region"() ({
      %run_scoped3A = tpu.sem_alloc : memref<!tpu.dma_semaphore, #tpu.memory_space<semaphore_mem>>
      %dma_start3A_111 = arith.constant 0 : i32
      %dma_start3A_112 = arith.constant 0 : i32
      %dma_start3A_113 = tpu.memref_slice %arg3[%arg1, %dma_start3A_111, %dma_start3A_112] : memref<16x160x128xi32, #tpu.memory_space<hbm>> -> memref<1x160x128xi32, #tpu.memory_space<hbm>>
      %dma_start3A_114 = tpu.memref_squeeze %dma_start3A_113 : memref<1x160x128xi32, #tpu.memory_space<hbm>> -> memref<160x128xi32, #tpu.memory_space<hbm>>
      %dma_start3A_115 = arith.constant 0 : i32
      %dma_start3A_116 = arith.constant 0 : i32
      %dma_start3A_117 = tpu.memref_slice %arg3[%arg1, %dma_start3A_115, %dma_start3A_116] : memref<16x160x128xi32, #tpu.memory_space<hbm>> -> memref<1x160x128xi32, #tpu.memory_space<hbm>>
      %dma_start3A_118 = tpu.memref_squeeze %dma_start3A_117 : memref<1x160x128xi32, #tpu.memory_space<hbm>> -> memref<160x128xi32, #tpu.memory_space<hbm>>
      tpu.enqueue_dma source(%dma_start3A_118 : memref<160x128xi32, #tpu.memory_space<hbm>>) target(%arg6 : memref<160x128xi32, #tpu.memory_space<vmem>>) target_semaphore(%run_scoped3A : memref<!tpu.dma_semaphore, #tpu.memory_space<semaphore_mem>>)
      %dma_wait3A_119 = arith.constant 0 : i32
      %dma_wait3A_120 = arith.constant 0 : i32
      %dma_wait3A_121 = tpu.memref_slice %arg3[%arg1, %dma_wait3A_119, %dma_wait3A_120] : memref<16x160x128xi32, #tpu.memory_space<hbm>> -> memref<1x160x128xi32, #tpu.memory_space<hbm>>
      %dma_wait3A_122 = tpu.memref_squeeze %dma_wait3A_121 : memref<1x160x128xi32, #tpu.memory_space<hbm>> -> memref<160x128xi32, #tpu.memory_space<hbm>>
      %dma_wait3A_123 = arith.constant 0 : i32
      %dma_wait3A_124 = arith.constant 0 : i32
      %dma_wait3A_125 = tpu.memref_slice %arg3[%arg1, %dma_wait3A_123, %dma_wait3A_124] : memref<16x160x128xi32, #tpu.memory_space<hbm>> -> memref<1x160x128xi32, #tpu.memory_space<hbm>>
      %dma_wait3A_126 = tpu.memref_squeeze %dma_wait3A_125 : memref<1x160x128xi32, #tpu.memory_space<hbm>> -> memref<160x128xi32, #tpu.memory_space<hbm>>
      tpu.wait_dma2 semaphore(%run_scoped3A : memref<!tpu.dma_semaphore, #tpu.memory_space<semaphore_mem>>) src(%dma_wait3A_126 : memref<160x128xi32, #tpu.memory_space<hbm>>) dst(%arg6 : memref<160x128xi32, #tpu.memory_space<vmem>>)
      tpu.yield
    }) : () -> ()
    "tpu.region"() ({
      %run_scoped3A = tpu.sem_alloc : memref<!tpu.dma_semaphore, #tpu.memory_space<semaphore_mem>>
      %dma_start3A_111 = arith.constant 0 : i32
      %dma_start3A_112 = arith.constant 0 : i32
      %dma_start3A_113 = tpu.memref_slice %arg4[%arg1, %dma_start3A_111, %dma_start3A_112] : memref<16x160x128xi32, #tpu.memory_space<hbm>> -> memref<1x160x128xi32, #tpu.memory_space<hbm>>
      %dma_start3A_114 = tpu.memref_squeeze %dma_start3A_113 : memref<1x160x128xi32, #tpu.memory_space<hbm>> -> memref<160x128xi32, #tpu.memory_space<hbm>>
      %dma_start3A_115 = arith.constant 0 : i32
      %dma_start3A_116 = arith.constant 0 : i32
      %dma_start3A_117 = tpu.memref_slice %arg4[%arg1, %dma_start3A_115, %dma_start3A_116] : memref<16x160x128xi32, #tpu.memory_space<hbm>> -> memref<1x160x128xi32, #tpu.memory_space<hbm>>
      %dma_start3A_118 = tpu.memref_squeeze %dma_start3A_117 : memref<1x160x128xi32, #tpu.memory_space<hbm>> -> memref<160x128xi32, #tpu.memory_space<hbm>>
      tpu.enqueue_dma source(%dma_start3A_118 : memref<160x128xi32, #tpu.memory_space<hbm>>) target(%arg7 : memref<160x128xi32, #tpu.memory_space<vmem>>) target_semaphore(%run_scoped3A : memref<!tpu.dma_semaphore, #tpu.memory_space<semaphore_mem>>)
      %dma_wait3A_119 = arith.constant 0 : i32
      %dma_wait3A_120 = arith.constant 0 : i32
      %dma_wait3A_121 = tpu.memref_slice %arg4[%arg1, %dma_wait3A_119, %dma_wait3A_120] : memref<16x160x128xi32, #tpu.memory_space<hbm>> -> memref<1x160x128xi32, #tpu.memory_space<hbm>>
      %dma_wait3A_122 = tpu.memref_squeeze %dma_wait3A_121 : memref<1x160x128xi32, #tpu.memory_space<hbm>> -> memref<160x128xi32, #tpu.memory_space<hbm>>
      %dma_wait3A_123 = arith.constant 0 : i32
      %dma_wait3A_124 = arith.constant 0 : i32
      %dma_wait3A_125 = tpu.memref_slice %arg4[%arg1, %dma_wait3A_123, %dma_wait3A_124] : memref<16x160x128xi32, #tpu.memory_space<hbm>> -> memref<1x160x128xi32, #tpu.memory_space<hbm>>
      %dma_wait3A_126 = tpu.memref_squeeze %dma_wait3A_125 : memref<1x160x128xi32, #tpu.memory_space<hbm>> -> memref<160x128xi32, #tpu.memory_space<hbm>>
      tpu.wait_dma2 semaphore(%run_scoped3A : memref<!tpu.dma_semaphore, #tpu.memory_space<semaphore_mem>>) src(%dma_wait3A_126 : memref<160x128xi32, #tpu.memory_space<hbm>>) dst(%arg7 : memref<160x128xi32, #tpu.memory_space<vmem>>)
      tpu.yield
    }) : () -> ()
    %scan3A = arith.constant 0 : i32
    %scan3A_0 = arith.constant 128 : i32
    %scan3A_1 = arith.addi %scan3A, %scan3A_0 : i32
    %scan3A_2 = arith.constant 1 : i32
    scf.for %scan3A_111 = %scan3A to %scan3A_1 step %scan3A_2  : i32 {
      %mul3A_112 = arith.constant 1 : i32
      %mul3A_113 = arith.muli %scan3A_111, %mul3A_112 : i32
      %add3A_114 = arith.constant 0 : i32
      %add3A_115 = arith.addi %add3A_114, %mul3A_113 : i32
      %broadcast_in_dim3A = arith.constant 0.000000e+00 : f32
      %broadcast_in_dim3A_116 = vector.broadcast %broadcast_in_dim3A : f32 to vector<16xf32>
      %swap3A = arith.index_cast %add3A_115 : i32 to index
      %swap3A_117 = arith.constant 0 : index
      %swap3A_118 = tpu.vector_load %arg8[%swap3A, %swap3A_117] {strides = array<i32>} : memref<128x64xf32, #tpu.memory_space<vmem>>, vector<1x16xf32>,
      %swap3A_119 = vector.shape_cast %swap3A_118 : vector<1x16xf32> to vector<16xf32>
      %swap3A_120 = vector.shape_cast %broadcast_in_dim3A_116 : vector<16xf32> to vector<1x16xf32>
      tpu.vector_store %arg8[%swap3A, %swap3A_117], %swap3A_120 {strides = array<i32>} : memref<128x64xf32, #tpu.memory_space<vmem>>, vector<1x16xf32>,
      %broadcast_in_dim3A_121 = arith.constant 0.000000e+00 : f32
      %broadcast_in_dim3A_122 = vector.broadcast %broadcast_in_dim3A_121 : f32 to vector<16xf32>
      %swap3A_123 = arith.index_cast %add3A_115 : i32 to index
      %swap3A_124 = arith.constant 16 : index
      %swap3A_125 = tpu.vector_load %arg8[%swap3A_123, %swap3A_124] {strides = array<i32>} : memref<128x64xf32, #tpu.memory_space<vmem>>, vector<1x16xf32>,
      %swap3A_126 = vector.shape_cast %swap3A_125 : vector<1x16xf32> to vector<16xf32>
      %swap3A_127 = vector.shape_cast %broadcast_in_dim3A_122 : vector<16xf32> to vector<1x16xf32>
      tpu.vector_store %arg8[%swap3A_123, %swap3A_124], %swap3A_127 {strides = array<i32>} : memref<128x64xf32, #tpu.memory_space<vmem>>, vector<1x16xf32>,
      %broadcast_in_dim3A_128 = arith.constant 0.000000e+00 : f32
      %broadcast_in_dim3A_129 = vector.broadcast %broadcast_in_dim3A_128 : f32 to vector<16xf32>
      %swap3A_130 = arith.index_cast %add3A_115 : i32 to index
      %swap3A_131 = arith.constant 32 : index
      %swap3A_132 = tpu.vector_load %arg8[%swap3A_130, %swap3A_131] {strides = array<i32>} : memref<128x64xf32, #tpu.memory_space<vmem>>, vector<1x16xf32>,
      %swap3A_133 = vector.shape_cast %swap3A_132 : vector<1x16xf32> to vector<16xf32>
      %swap3A_134 = vector.shape_cast %broadcast_in_dim3A_129 : vector<16xf32> to vector<1x16xf32>
      tpu.vector_store %arg8[%swap3A_130, %swap3A_131], %swap3A_134 {strides = array<i32>} : memref<128x64xf32, #tpu.memory_space<vmem>>, vector<1x16xf32>,
      %broadcast_in_dim3A_135 = arith.constant 0.000000e+00 : f32
      %broadcast_in_dim3A_136 = vector.broadcast %broadcast_in_dim3A_135 : f32 to vector<16xf32>
      %swap3A_137 = arith.index_cast %add3A_115 : i32 to index
      %swap3A_138 = arith.constant 48 : index
      %swap3A_139 = tpu.vector_load %arg8[%swap3A_137, %swap3A_138] {strides = array<i32>} : memref<128x64xf32, #tpu.memory_space<vmem>>, vector<1x16xf32>,
      %swap3A_140 = vector.shape_cast %swap3A_139 : vector<1x16xf32> to vector<16xf32>
      %swap3A_141 = vector.shape_cast %broadcast_in_dim3A_136 : vector<16xf32> to vector<1x16xf32>
      tpu.vector_store %arg8[%swap3A_137, %swap3A_138], %swap3A_141 {strides = array<i32>} : memref<128x64xf32, #tpu.memory_space<vmem>>, vector<1x16xf32>,
    }
    %scan3A_3 = arith.constant 128 : i32
    %mul3A = arith.constant 640 : i32
    %mul3A_4 = arith.muli %arg1, %mul3A : i32
    %add3A = arith.constant 0 : i32
    %add3A_5 = arith.addi %mul3A_4, %add3A : i32
    "tpu.region"() ({
      %run_scoped3A = tpu.sem_alloc : memref<!tpu.dma_semaphore, #tpu.memory_space<semaphore_mem>>
      %dma_start3A_111 = arith.constant 0 : i32
      %dma_start3A_112 = tpu.memref_slice %arg12[%add3A_5, %dma_start3A_111] : memref<10240x64xf32, #tpu.memory_space<vmem_shared>> -> memref<128x64xf32, #tpu.memory_space<vmem_shared>>
      %dma_start3A_113 = arith.constant 0 : i32
      %dma_start3A_114 = tpu.memref_slice %arg12[%add3A_5, %dma_start3A_113] : memref<10240x64xf32, #tpu.memory_space<vmem_shared>> -> memref<128x64xf32, #tpu.memory_space<vmem_shared>>
      tpu.enqueue_dma source(%arg8 : memref<128x64xf32, #tpu.memory_space<vmem>>) target(%dma_start3A_114 : memref<128x64xf32, #tpu.memory_space<vmem_shared>>) target_semaphore(%run_scoped3A : memref<!tpu.dma_semaphore, #tpu.memory_space<semaphore_mem>>)
      %dma_wait3A_115 = arith.constant 0 : i32
      %dma_wait3A_116 = tpu.memref_slice %arg12[%add3A_5, %dma_wait3A_115] : memref<10240x64xf32, #tpu.memory_space<vmem_shared>> -> memref<128x64xf32, #tpu.memory_space<vmem_shared>>
      %dma_wait3A_117 = arith.constant 0 : i32
      %dma_wait3A_118 = tpu.memref_slice %arg12[%add3A_5, %dma_wait3A_117] : memref<10240x64xf32, #tpu.memory_space<vmem_shared>> -> memref<128x64xf32, #tpu.memory_space<vmem_shared>>
      tpu.wait_dma2 semaphore(%run_scoped3A : memref<!tpu.dma_semaphore, #tpu.memory_space<semaphore_mem>>) src(%arg8 : memref<128x64xf32, #tpu.memory_space<vmem>>) dst(%dma_wait3A_118 : memref<128x64xf32, #tpu.memory_space<vmem_shared>>)
      tpu.yield
    }) : () -> ()
    %add3A_6 = arith.constant 128 : i32
    %add3A_7 = arith.addi %mul3A_4, %add3A_6 : i32
    "tpu.region"() ({
      %run_scoped3A = tpu.sem_alloc : memref<!tpu.dma_semaphore, #tpu.memory_space<semaphore_mem>>
      %dma_start3A_111 = arith.constant 0 : i32
      %dma_start3A_112 = tpu.memref_slice %arg12[%add3A_7, %dma_start3A_111] : memref<10240x64xf32, #tpu.memory_space<vmem_shared>> -> memref<128x64xf32, #tpu.memory_space<vmem_shared>>
      %dma_start3A_113 = arith.constant 0 : i32
      %dma_start3A_114 = tpu.memref_slice %arg12[%add3A_7, %dma_start3A_113] : memref<10240x64xf32, #tpu.memory_space<vmem_shared>> -> memref<128x64xf32, #tpu.memory_space<vmem_shared>>
      tpu.enqueue_dma source(%arg8 : memref<128x64xf32, #tpu.memory_space<vmem>>) target(%dma_start3A_114 : memref<128x64xf32, #tpu.memory_space<vmem_shared>>) target_semaphore(%run_scoped3A : memref<!tpu.dma_semaphore, #tpu.memory_space<semaphore_mem>>)
      %dma_wait3A_115 = arith.constant 0 : i32
      %dma_wait3A_116 = tpu.memref_slice %arg12[%add3A_7, %dma_wait3A_115] : memref<10240x64xf32, #tpu.memory_space<vmem_shared>> -> memref<128x64xf32, #tpu.memory_space<vmem_shared>>
      %dma_wait3A_117 = arith.constant 0 : i32
      %dma_wait3A_118 = tpu.memref_slice %arg12[%add3A_7, %dma_wait3A_117] : memref<10240x64xf32, #tpu.memory_space<vmem_shared>> -> memref<128x64xf32, #tpu.memory_space<vmem_shared>>
      tpu.wait_dma2 semaphore(%run_scoped3A : memref<!tpu.dma_semaphore, #tpu.memory_space<semaphore_mem>>) src(%arg8 : memref<128x64xf32, #tpu.memory_space<vmem>>) dst(%dma_wait3A_118 : memref<128x64xf32, #tpu.memory_space<vmem_shared>>)
      tpu.yield
    }) : () -> ()
    %add3A_8 = arith.constant 256 : i32
    %add3A_9 = arith.addi %mul3A_4, %add3A_8 : i32
    "tpu.region"() ({
      %run_scoped3A = tpu.sem_alloc : memref<!tpu.dma_semaphore, #tpu.memory_space<semaphore_mem>>
      %dma_start3A_111 = arith.constant 0 : i32
      %dma_start3A_112 = tpu.memref_slice %arg12[%add3A_9, %dma_start3A_111] : memref<10240x64xf32, #tpu.memory_space<vmem_shared>> -> memref<128x64xf32, #tpu.memory_space<vmem_shared>>
      %dma_start3A_113 = arith.constant 0 : i32
      %dma_start3A_114 = tpu.memref_slice %arg12[%add3A_9, %dma_start3A_113] : memref<10240x64xf32, #tpu.memory_space<vmem_shared>> -> memref<128x64xf32, #tpu.memory_space<vmem_shared>>
      tpu.enqueue_dma source(%arg8 : memref<128x64xf32, #tpu.memory_space<vmem>>) target(%dma_start3A_114 : memref<128x64xf32, #tpu.memory_space<vmem_shared>>) target_semaphore(%run_scoped3A : memref<!tpu.dma_semaphore, #tpu.memory_space<semaphore_mem>>)
      %dma_wait3A_115 = arith.constant 0 : i32
      %dma_wait3A_116 = tpu.memref_slice %arg12[%add3A_9, %dma_wait3A_115] : memref<10240x64xf32, #tpu.memory_space<vmem_shared>> -> memref<128x64xf32, #tpu.memory_space<vmem_shared>>
      %dma_wait3A_117 = arith.constant 0 : i32
      %dma_wait3A_118 = tpu.memref_slice %arg12[%add3A_9, %dma_wait3A_117] : memref<10240x64xf32, #tpu.memory_space<vmem_shared>> -> memref<128x64xf32, #tpu.memory_space<vmem_shared>>
      tpu.wait_dma2 semaphore(%run_scoped3A : memref<!tpu.dma_semaphore, #tpu.memory_space<semaphore_mem>>) src(%arg8 : memref<128x64xf32, #tpu.memory_space<vmem>>) dst(%dma_wait3A_118 : memref<128x64xf32, #tpu.memory_space<vmem_shared>>)
      tpu.yield
    }) : () -> ()
    %add3A_10 = arith.constant 384 : i32
    %add3A_11 = arith.addi %mul3A_4, %add3A_10 : i32
    "tpu.region"() ({
      %run_scoped3A = tpu.sem_alloc : memref<!tpu.dma_semaphore, #tpu.memory_space<semaphore_mem>>
      %dma_start3A_111 = arith.constant 0 : i32
      %dma_start3A_112 = tpu.memref_slice %arg12[%add3A_11, %dma_start3A_111] : memref<10240x64xf32, #tpu.memory_space<vmem_shared>> -> memref<128x64xf32, #tpu.memory_space<vmem_shared>>
      %dma_start3A_113 = arith.constant 0 : i32
      %dma_start3A_114 = tpu.memref_slice %arg12[%add3A_11, %dma_start3A_113] : memref<10240x64xf32, #tpu.memory_space<vmem_shared>> -> memref<128x64xf32, #tpu.memory_space<vmem_shared>>
      tpu.enqueue_dma source(%arg8 : memref<128x64xf32, #tpu.memory_space<vmem>>) target(%dma_start3A_114 : memref<128x64xf32, #tpu.memory_space<vmem_shared>>) target_semaphore(%run_scoped3A : memref<!tpu.dma_semaphore, #tpu.memory_space<semaphore_mem>>)
      %dma_wait3A_115 = arith.constant 0 : i32
      %dma_wait3A_116 = tpu.memref_slice %arg12[%add3A_11, %dma_wait3A_115] : memref<10240x64xf32, #tpu.memory_space<vmem_shared>> -> memref<128x64xf32, #tpu.memory_space<vmem_shared>>
      %dma_wait3A_117 = arith.constant 0 : i32
      %dma_wait3A_118 = tpu.memref_slice %arg12[%add3A_11, %dma_wait3A_117] : memref<10240x64xf32, #tpu.memory_space<vmem_shared>> -> memref<128x64xf32, #tpu.memory_space<vmem_shared>>
      tpu.wait_dma2 semaphore(%run_scoped3A : memref<!tpu.dma_semaphore, #tpu.memory_space<semaphore_mem>>) src(%arg8 : memref<128x64xf32, #tpu.memory_space<vmem>>) dst(%dma_wait3A_118 : memref<128x64xf32, #tpu.memory_space<vmem_shared>>)
      tpu.yield
    }) : () -> ()
    %add3A_12 = arith.constant 512 : i32
    %add3A_13 = arith.addi %mul3A_4, %add3A_12 : i32
    "tpu.region"() ({
      %run_scoped3A = tpu.sem_alloc : memref<!tpu.dma_semaphore, #tpu.memory_space<semaphore_mem>>
      %dma_start3A_111 = arith.constant 0 : i32
      %dma_start3A_112 = tpu.memref_slice %arg12[%add3A_13, %dma_start3A_111] : memref<10240x64xf32, #tpu.memory_space<vmem_shared>> -> memref<128x64xf32, #tpu.memory_space<vmem_shared>>
      %dma_start3A_113 = arith.constant 0 : i32
      %dma_start3A_114 = tpu.memref_slice %arg12[%add3A_13, %dma_start3A_113] : memref<10240x64xf32, #tpu.memory_space<vmem_shared>> -> memref<128x64xf32, #tpu.memory_space<vmem_shared>>
      tpu.enqueue_dma source(%arg8 : memref<128x64xf32, #tpu.memory_space<vmem>>) target(%dma_start3A_114 : memref<128x64xf32, #tpu.memory_space<vmem_shared>>) target_semaphore(%run_scoped3A : memref<!tpu.dma_semaphore, #tpu.memory_space<semaphore_mem>>)
      %dma_wait3A_115 = arith.constant 0 : i32
      %dma_wait3A_116 = tpu.memref_slice %arg12[%add3A_13, %dma_wait3A_115] : memref<10240x64xf32, #tpu.memory_space<vmem_shared>> -> memref<128x64xf32, #tpu.memory_space<vmem_shared>>
      %dma_wait3A_117 = arith.constant 0 : i32
      %dma_wait3A_118 = tpu.memref_slice %arg12[%add3A_13, %dma_wait3A_117] : memref<10240x64xf32, #tpu.memory_space<vmem_shared>> -> memref<128x64xf32, #tpu.memory_space<vmem_shared>>
      tpu.wait_dma2 semaphore(%run_scoped3A : memref<!tpu.dma_semaphore, #tpu.memory_space<semaphore_mem>>) src(%arg8 : memref<128x64xf32, #tpu.memory_space<vmem>>) dst(%dma_wait3A_118 : memref<128x64xf32, #tpu.memory_space<vmem_shared>>)
      tpu.yield
    }) : () -> ()
    %barrier3A = arith.constant 0 : index
    tpu.barrier barrier_id(%barrier3A)
    %scan3A_14 = arith.constant 0 : i32
    %scan3A_15 = arith.constant 160 : i32
    %scan3A_16 = arith.addi %scan3A_14, %scan3A_15 : i32
    %scan3A_17 = arith.constant 1 : i32
    scf.for %scan3A_111 = %scan3A_14 to %scan3A_16 step %scan3A_17  : i32 {
      %mul3A_112 = arith.constant 1 : i32
      %mul3A_113 = arith.muli %scan3A_111, %mul3A_112 : i32
      %add3A_114 = arith.constant 0 : i32
      %add3A_115 = arith.addi %add3A_114, %mul3A_113 : i32
      %iota3A = tpu.iota {dimensions = array<i32: 0>} : vector<16xi32>
      %mul3A_116 = arith.constant 128 : i32
      %mul3A_117 = arith.muli %add3A_115, %mul3A_116 : i32
      %add3A_118 = vector.broadcast %mul3A_117 : i32 to vector<16xi32>
      %add3A_119 = arith.addi %iota3A, %add3A_118 : vector<16xi32>
      %add3A_120 = arith.constant 0 : i32
      %add3A_121 = vector.broadcast %add3A_120 : i32 to vector<16xi32>
      %add3A_122 = arith.addi %add3A_119, %add3A_121 : vector<16xi32>
      %ge3A = arith.constant 10240 : i32
      %ge3A_123 = vector.broadcast %ge3A : i32 to vector<16xi32>
      %ge3A_124 = arith.cmpi sge, %add3A_122, %ge3A_123 : vector<16xi32>
      %sub3A = arith.constant 10240 : i32
      %sub3A_125 = vector.broadcast %sub3A : i32 to vector<16xi32>
      %sub3A_126 = arith.subi %add3A_122, %sub3A_125 : vector<16xi32>
      %select_n3A = arith.select %ge3A_124, %sub3A_126, %add3A_122 : vector<16xi1>, vector<16xi32>
      %swap3A = arith.index_cast %add3A_115 : i32 to index
      %swap3A_127 = arith.constant 0 : index
      %swap3A_128 = tpu.vector_load %arg6[%swap3A, %swap3A_127] {strides = array<i32>} : memref<160x128xi32, #tpu.memory_space<vmem>>, vector<1x16xi32>,
      %swap3A_129 = vector.shape_cast %swap3A_128 : vector<1x16xi32> to vector<16xi32>
      %swap3A_130 = vector.shape_cast %select_n3A : vector<16xi32> to vector<1x16xi32>
      tpu.vector_store %arg6[%swap3A, %swap3A_127], %swap3A_130 {strides = array<i32>} : memref<160x128xi32, #tpu.memory_space<vmem>>, vector<1x16xi32>,
      %iota3A_131 = tpu.iota {dimensions = array<i32: 0>} : vector<16xi32>
      %mul3A_132 = arith.constant 128 : i32
      %mul3A_133 = arith.muli %add3A_115, %mul3A_132 : i32
      %add3A_134 = vector.broadcast %mul3A_133 : i32 to vector<16xi32>
      %add3A_135 = arith.addi %iota3A_131, %add3A_134 : vector<16xi32>
      %add3A_136 = arith.constant 16 : i32
      %add3A_137 = vector.broadcast %add3A_136 : i32 to vector<16xi32>
      %add3A_138 = arith.addi %add3A_135, %add3A_137 : vector<16xi32>
      %ge3A_139 = arith.constant 10240 : i32
      %ge3A_140 = vector.broadcast %ge3A_139 : i32 to vector<16xi32>
      %ge3A_141 = arith.cmpi sge, %add3A_138, %ge3A_140 : vector<16xi32>
      %sub3A_142 = arith.constant 10240 : i32
      %sub3A_143 = vector.broadcast %sub3A_142 : i32 to vector<16xi32>
      %sub3A_144 = arith.subi %add3A_138, %sub3A_143 : vector<16xi32>
      %select_n3A_145 = arith.select %ge3A_141, %sub3A_144, %add3A_138 : vector<16xi1>, vector<16xi32>
      %swap3A_146 = arith.index_cast %add3A_115 : i32 to index
      %swap3A_147 = arith.constant 16 : index
      %swap3A_148 = tpu.vector_load %arg6[%swap3A_146, %swap3A_147] {strides = array<i32>} : memref<160x128xi32, #tpu.memory_space<vmem>>, vector<1x16xi32>,
      %swap3A_149 = vector.shape_cast %swap3A_148 : vector<1x16xi32> to vector<16xi32>
      %swap3A_150 = vector.shape_cast %select_n3A_145 : vector<16xi32> to vector<1x16xi32>
      tpu.vector_store %arg6[%swap3A_146, %swap3A_147], %swap3A_150 {strides = array<i32>} : memref<160x128xi32, #tpu.memory_space<vmem>>, vector<1x16xi32>,
      %iota3A_151 = tpu.iota {dimensions = array<i32: 0>} : vector<16xi32>
      %mul3A_152 = arith.constant 128 : i32
      %mul3A_153 = arith.muli %add3A_115, %mul3A_152 : i32
      %add3A_154 = vector.broadcast %mul3A_153 : i32 to vector<16xi32>
      %add3A_155 = arith.addi %iota3A_151, %add3A_154 : vector<16xi32>
      %add3A_156 = arith.constant 32 : i32
      %add3A_157 = vector.broadcast %add3A_156 : i32 to vector<16xi32>
      %add3A_158 = arith.addi %add3A_155, %add3A_157 : vector<16xi32>
      %ge3A_159 = arith.constant 10240 : i32
      %ge3A_160 = vector.broadcast %ge3A_159 : i32 to vector<16xi32>
      %ge3A_161 = arith.cmpi sge, %add3A_158, %ge3A_160 : vector<16xi32>
      %sub3A_162 = arith.constant 10240 : i32
      %sub3A_163 = vector.broadcast %sub3A_162 : i32 to vector<16xi32>
      %sub3A_164 = arith.subi %add3A_158, %sub3A_163 : vector<16xi32>
      %select_n3A_165 = arith.select %ge3A_161, %sub3A_164, %add3A_158 : vector<16xi1>, vector<16xi32>
      %swap3A_166 = arith.index_cast %add3A_115 : i32 to index
      %swap3A_167 = arith.constant 32 : index
      %swap3A_168 = tpu.vector_load %arg6[%swap3A_166, %swap3A_167] {strides = array<i32>} : memref<160x128xi32, #tpu.memory_space<vmem>>, vector<1x16xi32>,
      %swap3A_169 = vector.shape_cast %swap3A_168 : vector<1x16xi32> to vector<16xi32>
      %swap3A_170 = vector.shape_cast %select_n3A_165 : vector<16xi32> to vector<1x16xi32>
      tpu.vector_store %arg6[%swap3A_166, %swap3A_167], %swap3A_170 {strides = array<i32>} : memref<160x128xi32, #tpu.memory_space<vmem>>, vector<1x16xi32>,
      %iota3A_171 = tpu.iota {dimensions = array<i32: 0>} : vector<16xi32>
      %mul3A_172 = arith.constant 128 : i32
      %mul3A_173 = arith.muli %add3A_115, %mul3A_172 : i32
      %add3A_174 = vector.broadcast %mul3A_173 : i32 to vector<16xi32>
      %add3A_175 = arith.addi %iota3A_171, %add3A_174 : vector<16xi32>
      %add3A_176 = arith.constant 48 : i32
      %add3A_177 = vector.broadcast %add3A_176 : i32 to vector<16xi32>
      %add3A_178 = arith.addi %add3A_175, %add3A_177 : vector<16xi32>
      %ge3A_179 = arith.constant 10240 : i32
      %ge3A_180 = vector.broadcast %ge3A_179 : i32 to vector<16xi32>
      %ge3A_181 = arith.cmpi sge, %add3A_178, %ge3A_180 : vector<16xi32>
      %sub3A_182 = arith.constant 10240 : i32
      %sub3A_183 = vector.broadcast %sub3A_182 : i32 to vector<16xi32>
      %sub3A_184 = arith.subi %add3A_178, %sub3A_183 : vector<16xi32>
      %select_n3A_185 = arith.select %ge3A_181, %sub3A_184, %add3A_178 : vector<16xi1>, vector<16xi32>
      %swap3A_186 = arith.index_cast %add3A_115 : i32 to index
      %swap3A_187 = arith.constant 48 : index
      %swap3A_188 = tpu.vector_load %arg6[%swap3A_186, %swap3A_187] {strides = array<i32>} : memref<160x128xi32, #tpu.memory_space<vmem>>, vector<1x16xi32>,
      %swap3A_189 = vector.shape_cast %swap3A_188 : vector<1x16xi32> to vector<16xi32>
      %swap3A_190 = vector.shape_cast %select_n3A_185 : vector<16xi32> to vector<1x16xi32>
      tpu.vector_store %arg6[%swap3A_186, %swap3A_187], %swap3A_190 {strides = array<i32>} : memref<160x128xi32, #tpu.memory_space<vmem>>, vector<1x16xi32>,
      %iota3A_191 = tpu.iota {dimensions = array<i32: 0>} : vector<16xi32>
      %mul3A_192 = arith.constant 128 : i32
      %mul3A_193 = arith.muli %add3A_115, %mul3A_192 : i32
      %add3A_194 = vector.broadcast %mul3A_193 : i32 to vector<16xi32>
      %add3A_195 = arith.addi %iota3A_191, %add3A_194 : vector<16xi32>
      %add3A_196 = arith.constant 64 : i32
      %add3A_197 = vector.broadcast %add3A_196 : i32 to vector<16xi32>
      %add3A_198 = arith.addi %add3A_195, %add3A_197 : vector<16xi32>
      %ge3A_199 = arith.constant 10240 : i32
      %ge3A_200 = vector.broadcast %ge3A_199 : i32 to vector<16xi32>
      %ge3A_201 = arith.cmpi sge, %add3A_198, %ge3A_200 : vector<16xi32>
      %sub3A_202 = arith.constant 10240 : i32
      %sub3A_203 = vector.broadcast %sub3A_202 : i32 to vector<16xi32>
      %sub3A_204 = arith.subi %add3A_198, %sub3A_203 : vector<16xi32>
      %select_n3A_205 = arith.select %ge3A_201, %sub3A_204, %add3A_198 : vector<16xi1>, vector<16xi32>
      %swap3A_206 = arith.index_cast %add3A_115 : i32 to index
      %swap3A_207 = arith.constant 64 : index
      %swap3A_208 = tpu.vector_load %arg6[%swap3A_206, %swap3A_207] {strides = array<i32>} : memref<160x128xi32, #tpu.memory_space<vmem>>, vector<1x16xi32>,
      %swap3A_209 = vector.shape_cast %swap3A_208 : vector<1x16xi32> to vector<16xi32>
      %swap3A_210 = vector.shape_cast %select_n3A_205 : vector<16xi32> to vector<1x16xi32>
      tpu.vector_store %arg6[%swap3A_206, %swap3A_207], %swap3A_210 {strides = array<i32>} : memref<160x128xi32, #tpu.memory_space<vmem>>, vector<1x16xi32>,
      %iota3A_211 = tpu.iota {dimensions = array<i32: 0>} : vector<16xi32>
      %mul3A_212 = arith.constant 128 : i32
      %mul3A_213 = arith.muli %add3A_115, %mul3A_212 : i32
      %add3A_214 = vector.broadcast %mul3A_213 : i32 to vector<16xi32>
      %add3A_215 = arith.addi %iota3A_211, %add3A_214 : vector<16xi32>
      %add3A_216 = arith.constant 80 : i32
      %add3A_217 = vector.broadcast %add3A_216 : i32 to vector<16xi32>
      %add3A_218 = arith.addi %add3A_215, %add3A_217 : vector<16xi32>
      %ge3A_219 = arith.constant 10240 : i32
      %ge3A_220 = vector.broadcast %ge3A_219 : i32 to vector<16xi32>
      %ge3A_221 = arith.cmpi sge, %add3A_218, %ge3A_220 : vector<16xi32>
      %sub3A_222 = arith.constant 10240 : i32
      %sub3A_223 = vector.broadcast %sub3A_222 : i32 to vector<16xi32>
      %sub3A_224 = arith.subi %add3A_218, %sub3A_223 : vector<16xi32>
      %select_n3A_225 = arith.select %ge3A_221, %sub3A_224, %add3A_218 : vector<16xi1>, vector<16xi32>
      %swap3A_226 = arith.index_cast %add3A_115 : i32 to index
      %swap3A_227 = arith.constant 80 : index
      %swap3A_228 = tpu.vector_load %arg6[%swap3A_226, %swap3A_227] {strides = array<i32>} : memref<160x128xi32, #tpu.memory_space<vmem>>, vector<1x16xi32>,
      %swap3A_229 = vector.shape_cast %swap3A_228 : vector<1x16xi32> to vector<16xi32>
      %swap3A_230 = vector.shape_cast %select_n3A_225 : vector<16xi32> to vector<1x16xi32>
      tpu.vector_store %arg6[%swap3A_226, %swap3A_227], %swap3A_230 {strides = array<i32>} : memref<160x128xi32, #tpu.memory_space<vmem>>, vector<1x16xi32>,
      %iota3A_231 = tpu.iota {dimensions = array<i32: 0>} : vector<16xi32>
      %mul3A_232 = arith.constant 128 : i32
      %mul3A_233 = arith.muli %add3A_115, %mul3A_232 : i32
      %add3A_234 = vector.broadcast %mul3A_233 : i32 to vector<16xi32>
      %add3A_235 = arith.addi %iota3A_231, %add3A_234 : vector<16xi32>
      %add3A_236 = arith.constant 96 : i32
      %add3A_237 = vector.broadcast %add3A_236 : i32 to vector<16xi32>
      %add3A_238 = arith.addi %add3A_235, %add3A_237 : vector<16xi32>
      %ge3A_239 = arith.constant 10240 : i32
      %ge3A_240 = vector.broadcast %ge3A_239 : i32 to vector<16xi32>
      %ge3A_241 = arith.cmpi sge, %add3A_238, %ge3A_240 : vector<16xi32>
      %sub3A_242 = arith.constant 10240 : i32
      %sub3A_243 = vector.broadcast %sub3A_242 : i32 to vector<16xi32>
      %sub3A_244 = arith.subi %add3A_238, %sub3A_243 : vector<16xi32>
      %select_n3A_245 = arith.select %ge3A_241, %sub3A_244, %add3A_238 : vector<16xi1>, vector<16xi32>
      %swap3A_246 = arith.index_cast %add3A_115 : i32 to index
      %swap3A_247 = arith.constant 96 : index
      %swap3A_248 = tpu.vector_load %arg6[%swap3A_246, %swap3A_247] {strides = array<i32>} : memref<160x128xi32, #tpu.memory_space<vmem>>, vector<1x16xi32>,
      %swap3A_249 = vector.shape_cast %swap3A_248 : vector<1x16xi32> to vector<16xi32>
      %swap3A_250 = vector.shape_cast %select_n3A_245 : vector<16xi32> to vector<1x16xi32>
      tpu.vector_store %arg6[%swap3A_246, %swap3A_247], %swap3A_250 {strides = array<i32>} : memref<160x128xi32, #tpu.memory_space<vmem>>, vector<1x16xi32>,
      %iota3A_251 = tpu.iota {dimensions = array<i32: 0>} : vector<16xi32>
      %mul3A_252 = arith.constant 128 : i32
      %mul3A_253 = arith.muli %add3A_115, %mul3A_252 : i32
      %add3A_254 = vector.broadcast %mul3A_253 : i32 to vector<16xi32>
      %add3A_255 = arith.addi %iota3A_251, %add3A_254 : vector<16xi32>
      %add3A_256 = arith.constant 112 : i32
      %add3A_257 = vector.broadcast %add3A_256 : i32 to vector<16xi32>
      %add3A_258 = arith.addi %add3A_255, %add3A_257 : vector<16xi32>
      %ge3A_259 = arith.constant 10240 : i32
      %ge3A_260 = vector.broadcast %ge3A_259 : i32 to vector<16xi32>
      %ge3A_261 = arith.cmpi sge, %add3A_258, %ge3A_260 : vector<16xi32>
      %sub3A_262 = arith.constant 10240 : i32
      %sub3A_263 = vector.broadcast %sub3A_262 : i32 to vector<16xi32>
      %sub3A_264 = arith.subi %add3A_258, %sub3A_263 : vector<16xi32>
      %select_n3A_265 = arith.select %ge3A_261, %sub3A_264, %add3A_258 : vector<16xi1>, vector<16xi32>
      %swap3A_266 = arith.index_cast %add3A_115 : i32 to index
      %swap3A_267 = arith.constant 112 : index
      %swap3A_268 = tpu.vector_load %arg6[%swap3A_266, %swap3A_267] {strides = array<i32>} : memref<160x128xi32, #tpu.memory_space<vmem>>, vector<1x16xi32>,
      %swap3A_269 = vector.shape_cast %swap3A_268 : vector<1x16xi32> to vector<16xi32>
      %swap3A_270 = vector.shape_cast %select_n3A_265 : vector<16xi32> to vector<1x16xi32>
      tpu.vector_store %arg6[%swap3A_266, %swap3A_267], %swap3A_270 {strides = array<i32>} : memref<160x128xi32, #tpu.memory_space<vmem>>, vector<1x16xi32>,
    }
    %scan3A_18 = arith.constant 160 : i32
    %dma_start3A = arith.constant 0 : i32
    %dma_start3A_19 = arith.constant 0 : i32
    %dma_start3A_20 = tpu.memref_slice %arg6[%dma_start3A, %dma_start3A_19] : memref<160x128xi32, #tpu.memory_space<vmem>> -> memref<1x128xi32, #tpu.memory_space<vmem>>
    %dma_start3A_21 = tpu.memref_squeeze %dma_start3A_20 : memref<1x128xi32, #tpu.memory_space<vmem>> -> memref<128xi32, #tpu.memory_space<vmem>>
    %dma_start3A_22 = arith.constant 0 : i32
    %dma_start3A_23 = arith.constant 0 : i32
    %dma_start3A_24 = tpu.memref_slice %arg2[%arg0, %dma_start3A_22, %dma_start3A_23] : memref<2x10240x64xf32, #tpu.memory_space<hbm>> -> memref<1x10240x64xf32, #tpu.memory_space<hbm>>
    %dma_start3A_25 = tpu.memref_squeeze %dma_start3A_24 : memref<1x10240x64xf32, #tpu.memory_space<hbm>> -> memref<10240x64xf32, #tpu.memory_space<hbm>>
    %dma_start3A_26 = arith.constant 0 : i32
    %dma_start3A_27 = arith.constant 0 : i32
    %dma_start3A_28 = tpu.memref_slice %dma_start3A_25[%dma_start3A_26, %dma_start3A_27] : memref<10240x64xf32, #tpu.memory_space<hbm>> -> memref<10240x64xf32, #tpu.memory_space<hbm>>
    tpu.enqueue_indirect_dma source(%dma_start3A_28 : memref<10240x64xf32, #tpu.memory_space<hbm>>) target(%arg8 : memref<128x64xf32, #tpu.memory_space<vmem>>) offsets(%dma_start3A_21 : memref<128xi32, #tpu.memory_space<vmem>>) semaphore(%arg13 : memref<!tpu.dma_semaphore, #tpu.memory_space<semaphore_mem>>)
    %dma_start3A_29 = arith.constant 1 : i32
    %dma_start3A_30 = arith.constant 0 : i32
    %dma_start3A_31 = tpu.memref_slice %arg6[%dma_start3A_29, %dma_start3A_30] : memref<160x128xi32, #tpu.memory_space<vmem>> -> memref<1x128xi32, #tpu.memory_space<vmem>>
    %dma_start3A_32 = tpu.memref_squeeze %dma_start3A_31 : memref<1x128xi32, #tpu.memory_space<vmem>> -> memref<128xi32, #tpu.memory_space<vmem>>
    %dma_start3A_33 = arith.constant 0 : i32
    %dma_start3A_34 = arith.constant 0 : i32
    %dma_start3A_35 = tpu.memref_slice %arg2[%arg0, %dma_start3A_33, %dma_start3A_34] : memref<2x10240x64xf32, #tpu.memory_space<hbm>> -> memref<1x10240x64xf32, #tpu.memory_space<hbm>>
    %dma_start3A_36 = tpu.memref_squeeze %dma_start3A_35 : memref<1x10240x64xf32, #tpu.memory_space<hbm>> -> memref<10240x64xf32, #tpu.memory_space<hbm>>
    %dma_start3A_37 = arith.constant 0 : i32
    %dma_start3A_38 = arith.constant 0 : i32
    %dma_start3A_39 = tpu.memref_slice %dma_start3A_36[%dma_start3A_37, %dma_start3A_38] : memref<10240x64xf32, #tpu.memory_space<hbm>> -> memref<10240x64xf32, #tpu.memory_space<hbm>>
    tpu.enqueue_indirect_dma source(%dma_start3A_39 : memref<10240x64xf32, #tpu.memory_space<hbm>>) target(%arg9 : memref<128x64xf32, #tpu.memory_space<vmem>>) offsets(%dma_start3A_32 : memref<128xi32, #tpu.memory_space<vmem>>) semaphore(%arg14 : memref<!tpu.dma_semaphore, #tpu.memory_space<semaphore_mem>>)
    %dma_start3A_40 = arith.constant 2 : i32
    %dma_start3A_41 = arith.constant 0 : i32
    %dma_start3A_42 = tpu.memref_slice %arg6[%dma_start3A_40, %dma_start3A_41] : memref<160x128xi32, #tpu.memory_space<vmem>> -> memref<1x128xi32, #tpu.memory_space<vmem>>
    %dma_start3A_43 = tpu.memref_squeeze %dma_start3A_42 : memref<1x128xi32, #tpu.memory_space<vmem>> -> memref<128xi32, #tpu.memory_space<vmem>>
    %dma_start3A_44 = arith.constant 0 : i32
    %dma_start3A_45 = arith.constant 0 : i32
    %dma_start3A_46 = tpu.memref_slice %arg2[%arg0, %dma_start3A_44, %dma_start3A_45] : memref<2x10240x64xf32, #tpu.memory_space<hbm>> -> memref<1x10240x64xf32, #tpu.memory_space<hbm>>
    %dma_start3A_47 = tpu.memref_squeeze %dma_start3A_46 : memref<1x10240x64xf32, #tpu.memory_space<hbm>> -> memref<10240x64xf32, #tpu.memory_space<hbm>>
    %dma_start3A_48 = arith.constant 0 : i32
    %dma_start3A_49 = arith.constant 0 : i32
    %dma_start3A_50 = tpu.memref_slice %dma_start3A_47[%dma_start3A_48, %dma_start3A_49] : memref<10240x64xf32, #tpu.memory_space<hbm>> -> memref<10240x64xf32, #tpu.memory_space<hbm>>
    tpu.enqueue_indirect_dma source(%dma_start3A_50 : memref<10240x64xf32, #tpu.memory_space<hbm>>) target(%arg10 : memref<128x64xf32, #tpu.memory_space<vmem>>) offsets(%dma_start3A_43 : memref<128xi32, #tpu.memory_space<vmem>>) semaphore(%arg15 : memref<!tpu.dma_semaphore, #tpu.memory_space<semaphore_mem>>)
    %dma_start3A_51 = arith.constant 3 : i32
    %dma_start3A_52 = arith.constant 0 : i32
    %dma_start3A_53 = tpu.memref_slice %arg6[%dma_start3A_51, %dma_start3A_52] : memref<160x128xi32, #tpu.memory_space<vmem>> -> memref<1x128xi32, #tpu.memory_space<vmem>>
    %dma_start3A_54 = tpu.memref_squeeze %dma_start3A_53 : memref<1x128xi32, #tpu.memory_space<vmem>> -> memref<128xi32, #tpu.memory_space<vmem>>
    %dma_start3A_55 = arith.constant 0 : i32
    %dma_start3A_56 = arith.constant 0 : i32
    %dma_start3A_57 = tpu.memref_slice %arg2[%arg0, %dma_start3A_55, %dma_start3A_56] : memref<2x10240x64xf32, #tpu.memory_space<hbm>> -> memref<1x10240x64xf32, #tpu.memory_space<hbm>>
    %dma_start3A_58 = tpu.memref_squeeze %dma_start3A_57 : memref<1x10240x64xf32, #tpu.memory_space<hbm>> -> memref<10240x64xf32, #tpu.memory_space<hbm>>
    %dma_start3A_59 = arith.constant 0 : i32
    %dma_start3A_60 = arith.constant 0 : i32
    %dma_start3A_61 = tpu.memref_slice %dma_start3A_58[%dma_start3A_59, %dma_start3A_60] : memref<10240x64xf32, #tpu.memory_space<hbm>> -> memref<10240x64xf32, #tpu.memory_space<hbm>>
    tpu.enqueue_indirect_dma source(%dma_start3A_61 : memref<10240x64xf32, #tpu.memory_space<hbm>>) target(%arg11 : memref<128x64xf32, #tpu.memory_space<vmem>>) offsets(%dma_start3A_54 : memref<128xi32, #tpu.memory_space<vmem>>) semaphore(%arg16 : memref<!tpu.dma_semaphore, #tpu.memory_space<semaphore_mem>>)
    %scan3A_62 = arith.constant 0 : i32
    %scan3A_63 = arith.constant 39 : i32
    %scan3A_64 = arith.addi %scan3A_62, %scan3A_63 : i32
    %scan3A_65 = arith.constant 1 : i32
    scf.for %scan3A_111 = %scan3A_62 to %scan3A_64 step %scan3A_65  : i32 {
      %mul3A_112 = arith.constant 4 : i32
      %mul3A_113 = arith.muli %scan3A_111, %mul3A_112 : i32
      %add3A_114 = arith.constant 4 : i32
      %add3A_115 = arith.addi %add3A_114, %mul3A_113 : i32
      %dma_wait3A_116 = arith.constant 0 : i32
      %dma_wait3A_117 = arith.constant 0 : i32
      %dma_wait3A_118 = tpu.memref_slice %arg6[%dma_wait3A_116, %dma_wait3A_117] : memref<160x128xi32, #tpu.memory_space<vmem>> -> memref<1x128xi32, #tpu.memory_space<vmem>>
      %dma_wait3A_119 = tpu.memref_squeeze %dma_wait3A_118 : memref<1x128xi32, #tpu.memory_space<vmem>> -> memref<128xi32, #tpu.memory_space<vmem>>
      %dma_wait3A_120 = arith.constant 0 : i32
      %dma_wait3A_121 = arith.constant 0 : i32
      %dma_wait3A_122 = tpu.memref_slice %arg2[%arg0, %dma_wait3A_120, %dma_wait3A_121] : memref<2x10240x64xf32, #tpu.memory_space<hbm>> -> memref<1x10240x64xf32, #tpu.memory_space<hbm>>
      %dma_wait3A_123 = tpu.memref_squeeze %dma_wait3A_122 : memref<1x10240x64xf32, #tpu.memory_space<hbm>> -> memref<10240x64xf32, #tpu.memory_space<hbm>>
      %dma_wait3A_124 = arith.constant 0 : i32
      %dma_wait3A_125 = arith.constant 0 : i32
      %dma_wait3A_126 = tpu.memref_slice %dma_wait3A_123[%dma_wait3A_124, %dma_wait3A_125] : memref<10240x64xf32, #tpu.memory_space<hbm>> -> memref<10240x64xf32, #tpu.memory_space<hbm>>
      tpu.wait_indirect_dma semaphore(%arg13 : memref<!tpu.dma_semaphore, #tpu.memory_space<semaphore_mem>>) src(%dma_wait3A_126 : memref<10240x64xf32, #tpu.memory_space<hbm>>) dst(%arg8 : memref<128x64xf32, #tpu.memory_space<vmem>>)
      %sub3A = arith.constant 4 : i32
      %sub3A_127 = arith.subi %add3A_115, %sub3A : i32
      %add3A_128 = arith.constant 0 : i32
      %add3A_129 = arith.addi %sub3A_127, %add3A_128 : i32
      %dma_wait3A_130 = arith.constant 0 : i32
      %dma_wait3A_131 = arith.constant 0 : i32
      %dma_wait3A_132 = tpu.memref_slice %arg6[%dma_wait3A_130, %dma_wait3A_131] : memref<160x128xi32, #tpu.memory_space<vmem>> -> memref<1x128xi32, #tpu.memory_space<vmem>>
      %dma_wait3A_133 = tpu.memref_squeeze %dma_wait3A_132 : memref<1x128xi32, #tpu.memory_space<vmem>> -> memref<128xi32, #tpu.memory_space<vmem>>
      %dma_wait3A_134 = arith.constant 0 : i32
      %dma_wait3A_135 = arith.constant 0 : i32
      %dma_wait3A_136 = tpu.memref_slice %arg2[%arg0, %dma_wait3A_134, %dma_wait3A_135] : memref<2x10240x64xf32, #tpu.memory_space<hbm>> -> memref<1x10240x64xf32, #tpu.memory_space<hbm>>
      %dma_wait3A_137 = tpu.memref_squeeze %dma_wait3A_136 : memref<1x10240x64xf32, #tpu.memory_space<hbm>> -> memref<10240x64xf32, #tpu.memory_space<hbm>>
      %dma_wait3A_138 = arith.constant 0 : i32
      %dma_wait3A_139 = arith.constant 0 : i32
      %dma_wait3A_140 = tpu.memref_slice %dma_wait3A_137[%dma_wait3A_138, %dma_wait3A_139] : memref<10240x64xf32, #tpu.memory_space<hbm>> -> memref<10240x64xf32, #tpu.memory_space<hbm>>
      tpu.wait_indirect_dma semaphore(%arg14 : memref<!tpu.dma_semaphore, #tpu.memory_space<semaphore_mem>>) src(%dma_wait3A_140 : memref<10240x64xf32, #tpu.memory_space<hbm>>) dst(%arg9 : memref<128x64xf32, #tpu.memory_space<vmem>>)
      %sub3A_141 = arith.constant 4 : i32
      %sub3A_142 = arith.subi %add3A_115, %sub3A_141 : i32
      %add3A_143 = arith.constant 1 : i32
      %add3A_144 = arith.addi %sub3A_142, %add3A_143 : i32
      %dma_wait3A_145 = arith.constant 0 : i32
      %dma_wait3A_146 = arith.constant 0 : i32
      %dma_wait3A_147 = tpu.memref_slice %arg6[%dma_wait3A_145, %dma_wait3A_146] : memref<160x128xi32, #tpu.memory_space<vmem>> -> memref<1x128xi32, #tpu.memory_space<vmem>>
      %dma_wait3A_148 = tpu.memref_squeeze %dma_wait3A_147 : memref<1x128xi32, #tpu.memory_space<vmem>> -> memref<128xi32, #tpu.memory_space<vmem>>
      %dma_wait3A_149 = arith.constant 0 : i32
      %dma_wait3A_150 = arith.constant 0 : i32
      %dma_wait3A_151 = tpu.memref_slice %arg2[%arg0, %dma_wait3A_149, %dma_wait3A_150] : memref<2x10240x64xf32, #tpu.memory_space<hbm>> -> memref<1x10240x64xf32, #tpu.memory_space<hbm>>
      %dma_wait3A_152 = tpu.memref_squeeze %dma_wait3A_151 : memref<1x10240x64xf32, #tpu.memory_space<hbm>> -> memref<10240x64xf32, #tpu.memory_space<hbm>>
      %dma_wait3A_153 = arith.constant 0 : i32
      %dma_wait3A_154 = arith.constant 0 : i32
      %dma_wait3A_155 = tpu.memref_slice %dma_wait3A_152[%dma_wait3A_153, %dma_wait3A_154] : memref<10240x64xf32, #tpu.memory_space<hbm>> -> memref<10240x64xf32, #tpu.memory_space<hbm>>
      tpu.wait_indirect_dma semaphore(%arg15 : memref<!tpu.dma_semaphore, #tpu.memory_space<semaphore_mem>>) src(%dma_wait3A_155 : memref<10240x64xf32, #tpu.memory_space<hbm>>) dst(%arg10 : memref<128x64xf32, #tpu.memory_space<vmem>>)
      %sub3A_156 = arith.constant 4 : i32
      %sub3A_157 = arith.subi %add3A_115, %sub3A_156 : i32
      %add3A_158 = arith.constant 2 : i32
      %add3A_159 = arith.addi %sub3A_157, %add3A_158 : i32
      %dma_wait3A_160 = arith.constant 0 : i32
      %dma_wait3A_161 = arith.constant 0 : i32
      %dma_wait3A_162 = tpu.memref_slice %arg6[%dma_wait3A_160, %dma_wait3A_161] : memref<160x128xi32, #tpu.memory_space<vmem>> -> memref<1x128xi32, #tpu.memory_space<vmem>>
      %dma_wait3A_163 = tpu.memref_squeeze %dma_wait3A_162 : memref<1x128xi32, #tpu.memory_space<vmem>> -> memref<128xi32, #tpu.memory_space<vmem>>
      %dma_wait3A_164 = arith.constant 0 : i32
      %dma_wait3A_165 = arith.constant 0 : i32
      %dma_wait3A_166 = tpu.memref_slice %arg2[%arg0, %dma_wait3A_164, %dma_wait3A_165] : memref<2x10240x64xf32, #tpu.memory_space<hbm>> -> memref<1x10240x64xf32, #tpu.memory_space<hbm>>
      %dma_wait3A_167 = tpu.memref_squeeze %dma_wait3A_166 : memref<1x10240x64xf32, #tpu.memory_space<hbm>> -> memref<10240x64xf32, #tpu.memory_space<hbm>>
      %dma_wait3A_168 = arith.constant 0 : i32
      %dma_wait3A_169 = arith.constant 0 : i32
      %dma_wait3A_170 = tpu.memref_slice %dma_wait3A_167[%dma_wait3A_168, %dma_wait3A_169] : memref<10240x64xf32, #tpu.memory_space<hbm>> -> memref<10240x64xf32, #tpu.memory_space<hbm>>
      tpu.wait_indirect_dma semaphore(%arg16 : memref<!tpu.dma_semaphore, #tpu.memory_space<semaphore_mem>>) src(%dma_wait3A_170 : memref<10240x64xf32, #tpu.memory_space<hbm>>) dst(%arg11 : memref<128x64xf32, #tpu.memory_space<vmem>>)
      %sub3A_171 = arith.constant 4 : i32
      %sub3A_172 = arith.subi %add3A_115, %sub3A_171 : i32
      %add3A_173 = arith.constant 3 : i32
      %add3A_174 = arith.addi %sub3A_172, %add3A_173 : i32
      %add3A_175 = arith.constant 0 : i32
      %add3A_176 = arith.addi %add3A_115, %add3A_175 : i32
      %dma_start3A_177 = arith.constant 0 : i32
      %dma_start3A_178 = tpu.memref_slice %arg6[%add3A_176, %dma_start3A_177] : memref<160x128xi32, #tpu.memory_space<vmem>> -> memref<1x128xi32, #tpu.memory_space<vmem>>
      %dma_start3A_179 = tpu.memref_squeeze %dma_start3A_178 : memref<1x128xi32, #tpu.memory_space<vmem>> -> memref<128xi32, #tpu.memory_space<vmem>>
      %dma_start3A_180 = arith.constant 0 : i32
      %dma_start3A_181 = arith.constant 0 : i32
      %dma_start3A_182 = tpu.memref_slice %arg2[%arg0, %dma_start3A_180, %dma_start3A_181] : memref<2x10240x64xf32, #tpu.memory_space<hbm>> -> memref<1x10240x64xf32, #tpu.memory_space<hbm>>
      %dma_start3A_183 = tpu.memref_squeeze %dma_start3A_182 : memref<1x10240x64xf32, #tpu.memory_space<hbm>> -> memref<10240x64xf32, #tpu.memory_space<hbm>>
      %dma_start3A_184 = arith.constant 0 : i32
      %dma_start3A_185 = arith.constant 0 : i32
      %dma_start3A_186 = tpu.memref_slice %dma_start3A_183[%dma_start3A_184, %dma_start3A_185] : memref<10240x64xf32, #tpu.memory_space<hbm>> -> memref<10240x64xf32, #tpu.memory_space<hbm>>
      tpu.enqueue_indirect_dma source(%dma_start3A_186 : memref<10240x64xf32, #tpu.memory_space<hbm>>) target(%arg8 : memref<128x64xf32, #tpu.memory_space<vmem>>) offsets(%dma_start3A_179 : memref<128xi32, #tpu.memory_space<vmem>>) semaphore(%arg13 : memref<!tpu.dma_semaphore, #tpu.memory_space<semaphore_mem>>)
      %add3A_187 = arith.constant 1 : i32
      %add3A_188 = arith.addi %add3A_115, %add3A_187 : i32
      %dma_start3A_189 = arith.constant 0 : i32
      %dma_start3A_190 = tpu.memref_slice %arg6[%add3A_188, %dma_start3A_189] : memref<160x128xi32, #tpu.memory_space<vmem>> -> memref<1x128xi32, #tpu.memory_space<vmem>>
      %dma_start3A_191 = tpu.memref_squeeze %dma_start3A_190 : memref<1x128xi32, #tpu.memory_space<vmem>> -> memref<128xi32, #tpu.memory_space<vmem>>
      %dma_start3A_192 = arith.constant 0 : i32
      %dma_start3A_193 = arith.constant 0 : i32
      %dma_start3A_194 = tpu.memref_slice %arg2[%arg0, %dma_start3A_192, %dma_start3A_193] : memref<2x10240x64xf32, #tpu.memory_space<hbm>> -> memref<1x10240x64xf32, #tpu.memory_space<hbm>>
      %dma_start3A_195 = tpu.memref_squeeze %dma_start3A_194 : memref<1x10240x64xf32, #tpu.memory_space<hbm>> -> memref<10240x64xf32, #tpu.memory_space<hbm>>
      %dma_start3A_196 = arith.constant 0 : i32
      %dma_start3A_197 = arith.constant 0 : i32
      %dma_start3A_198 = tpu.memref_slice %dma_start3A_195[%dma_start3A_196, %dma_start3A_197] : memref<10240x64xf32, #tpu.memory_space<hbm>> -> memref<10240x64xf32, #tpu.memory_space<hbm>>
      tpu.enqueue_indirect_dma source(%dma_start3A_198 : memref<10240x64xf32, #tpu.memory_space<hbm>>) target(%arg9 : memref<128x64xf32, #tpu.memory_space<vmem>>) offsets(%dma_start3A_191 : memref<128xi32, #tpu.memory_space<vmem>>) semaphore(%arg14 : memref<!tpu.dma_semaphore, #tpu.memory_space<semaphore_mem>>)
      %add3A_199 = arith.constant 2 : i32
      %add3A_200 = arith.addi %add3A_115, %add3A_199 : i32
      %dma_start3A_201 = arith.constant 0 : i32
      %dma_start3A_202 = tpu.memref_slice %arg6[%add3A_200, %dma_start3A_201] : memref<160x128xi32, #tpu.memory_space<vmem>> -> memref<1x128xi32, #tpu.memory_space<vmem>>
      %dma_start3A_203 = tpu.memref_squeeze %dma_start3A_202 : memref<1x128xi32, #tpu.memory_space<vmem>> -> memref<128xi32, #tpu.memory_space<vmem>>
      %dma_start3A_204 = arith.constant 0 : i32
      %dma_start3A_205 = arith.constant 0 : i32
      %dma_start3A_206 = tpu.memref_slice %arg2[%arg0, %dma_start3A_204, %dma_start3A_205] : memref<2x10240x64xf32, #tpu.memory_space<hbm>> -> memref<1x10240x64xf32, #tpu.memory_space<hbm>>
      %dma_start3A_207 = tpu.memref_squeeze %dma_start3A_206 : memref<1x10240x64xf32, #tpu.memory_space<hbm>> -> memref<10240x64xf32, #tpu.memory_space<hbm>>
      %dma_start3A_208 = arith.constant 0 : i32
      %dma_start3A_209 = arith.constant 0 : i32
      %dma_start3A_210 = tpu.memref_slice %dma_start3A_207[%dma_start3A_208, %dma_start3A_209] : memref<10240x64xf32, #tpu.memory_space<hbm>> -> memref<10240x64xf32, #tpu.memory_space<hbm>>
      tpu.enqueue_indirect_dma source(%dma_start3A_210 : memref<10240x64xf32, #tpu.memory_space<hbm>>) target(%arg10 : memref<128x64xf32, #tpu.memory_space<vmem>>) offsets(%dma_start3A_203 : memref<128xi32, #tpu.memory_space<vmem>>) semaphore(%arg15 : memref<!tpu.dma_semaphore, #tpu.memory_space<semaphore_mem>>)
      %add3A_211 = arith.constant 3 : i32
      %add3A_212 = arith.addi %add3A_115, %add3A_211 : i32
      %dma_start3A_213 = arith.constant 0 : i32
      %dma_start3A_214 = tpu.memref_slice %arg6[%add3A_212, %dma_start3A_213] : memref<160x128xi32, #tpu.memory_space<vmem>> -> memref<1x128xi32, #tpu.memory_space<vmem>>
      %dma_start3A_215 = tpu.memref_squeeze %dma_start3A_214 : memref<1x128xi32, #tpu.memory_space<vmem>> -> memref<128xi32, #tpu.memory_space<vmem>>
      %dma_start3A_216 = arith.constant 0 : i32
      %dma_start3A_217 = arith.constant 0 : i32
      %dma_start3A_218 = tpu.memref_slice %arg2[%arg0, %dma_start3A_216, %dma_start3A_217] : memref<2x10240x64xf32, #tpu.memory_space<hbm>> -> memref<1x10240x64xf32, #tpu.memory_space<hbm>>
      %dma_start3A_219 = tpu.memref_squeeze %dma_start3A_218 : memref<1x10240x64xf32, #tpu.memory_space<hbm>> -> memref<10240x64xf32, #tpu.memory_space<hbm>>
      %dma_start3A_220 = arith.constant 0 : i32
      %dma_start3A_221 = arith.constant 0 : i32
      %dma_start3A_222 = tpu.memref_slice %dma_start3A_219[%dma_start3A_220, %dma_start3A_221] : memref<10240x64xf32, #tpu.memory_space<hbm>> -> memref<10240x64xf32, #tpu.memory_space<hbm>>
      tpu.enqueue_indirect_dma source(%dma_start3A_222 : memref<10240x64xf32, #tpu.memory_space<hbm>>) target(%arg11 : memref<128x64xf32, #tpu.memory_space<vmem>>) offsets(%dma_start3A_215 : memref<128xi32, #tpu.memory_space<vmem>>) semaphore(%arg16 : memref<!tpu.dma_semaphore, #tpu.memory_space<semaphore_mem>>)
    }
    %scan3A_66 = arith.constant 39 : i32
    %dma_wait3A = arith.constant 0 : i32
    %dma_wait3A_67 = arith.constant 0 : i32
    %dma_wait3A_68 = tpu.memref_slice %arg6[%dma_wait3A, %dma_wait3A_67] : memref<160x128xi32, #tpu.memory_space<vmem>> -> memref<1x128xi32, #tpu.memory_space<vmem>>
    %dma_wait3A_69 = tpu.memref_squeeze %dma_wait3A_68 : memref<1x128xi32, #tpu.memory_space<vmem>> -> memref<128xi32, #tpu.memory_space<vmem>>
    %dma_wait3A_70 = arith.constant 0 : i32
    %dma_wait3A_71 = arith.constant 0 : i32
    %dma_wait3A_72 = tpu.memref_slice %arg2[%arg0, %dma_wait3A_70, %dma_wait3A_71] : memref<2x10240x64xf32, #tpu.memory_space<hbm>> -> memref<1x10240x64xf32, #tpu.memory_space<hbm>>
    %dma_wait3A_73 = tpu.memref_squeeze %dma_wait3A_72 : memref<1x10240x64xf32, #tpu.memory_space<hbm>> -> memref<10240x64xf32, #tpu.memory_space<hbm>>
    %dma_wait3A_74 = arith.constant 0 : i32
    %dma_wait3A_75 = arith.constant 0 : i32
    %dma_wait3A_76 = tpu.memref_slice %dma_wait3A_73[%dma_wait3A_74, %dma_wait3A_75] : memref<10240x64xf32, #tpu.memory_space<hbm>> -> memref<10240x64xf32, #tpu.memory_space<hbm>>
    tpu.wait_indirect_dma semaphore(%arg13 : memref<!tpu.dma_semaphore, #tpu.memory_space<semaphore_mem>>) src(%dma_wait3A_76 : memref<10240x64xf32, #tpu.memory_space<hbm>>) dst(%arg8 : memref<128x64xf32, #tpu.memory_space<vmem>>)
    %dma_wait3A_77 = arith.constant 0 : i32
    %dma_wait3A_78 = arith.constant 0 : i32
    %dma_wait3A_79 = tpu.memref_slice %arg6[%dma_wait3A_77, %dma_wait3A_78] : memref<160x128xi32, #tpu.memory_space<vmem>> -> memref<1x128xi32, #tpu.memory_space<vmem>>
    %dma_wait3A_80 = tpu.memref_squeeze %dma_wait3A_79 : memref<1x128xi32, #tpu.memory_space<vmem>> -> memref<128xi32, #tpu.memory_space<vmem>>
    %dma_wait3A_81 = arith.constant 0 : i32
    %dma_wait3A_82 = arith.constant 0 : i32
    %dma_wait3A_83 = tpu.memref_slice %arg2[%arg0, %dma_wait3A_81, %dma_wait3A_82] : memref<2x10240x64xf32, #tpu.memory_space<hbm>> -> memref<1x10240x64xf32, #tpu.memory_space<hbm>>
    %dma_wait3A_84 = tpu.memref_squeeze %dma_wait3A_83 : memref<1x10240x64xf32, #tpu.memory_space<hbm>> -> memref<10240x64xf32, #tpu.memory_space<hbm>>
    %dma_wait3A_85 = arith.constant 0 : i32
    %dma_wait3A_86 = arith.constant 0 : i32
    %dma_wait3A_87 = tpu.memref_slice %dma_wait3A_84[%dma_wait3A_85, %dma_wait3A_86] : memref<10240x64xf32, #tpu.memory_space<hbm>> -> memref<10240x64xf32, #tpu.memory_space<hbm>>
    tpu.wait_indirect_dma semaphore(%arg14 : memref<!tpu.dma_semaphore, #tpu.memory_space<semaphore_mem>>) src(%dma_wait3A_87 : memref<10240x64xf32, #tpu.memory_space<hbm>>) dst(%arg9 : memref<128x64xf32, #tpu.memory_space<vmem>>)
    %dma_wait3A_88 = arith.constant 0 : i32
    %dma_wait3A_89 = arith.constant 0 : i32
    %dma_wait3A_90 = tpu.memref_slice %arg6[%dma_wait3A_88, %dma_wait3A_89] : memref<160x128xi32, #tpu.memory_space<vmem>> -> memref<1x128xi32, #tpu.memory_space<vmem>>
    %dma_wait3A_91 = tpu.memref_squeeze %dma_wait3A_90 : memref<1x128xi32, #tpu.memory_space<vmem>> -> memref<128xi32, #tpu.memory_space<vmem>>
    %dma_wait3A_92 = arith.constant 0 : i32
    %dma_wait3A_93 = arith.constant 0 : i32
    %dma_wait3A_94 = tpu.memref_slice %arg2[%arg0, %dma_wait3A_92, %dma_wait3A_93] : memref<2x10240x64xf32, #tpu.memory_space<hbm>> -> memref<1x10240x64xf32, #tpu.memory_space<hbm>>
    %dma_wait3A_95 = tpu.memref_squeeze %dma_wait3A_94 : memref<1x10240x64xf32, #tpu.memory_space<hbm>> -> memref<10240x64xf32, #tpu.memory_space<hbm>>
    %dma_wait3A_96 = arith.constant 0 : i32
    %dma_wait3A_97 = arith.constant 0 : i32
    %dma_wait3A_98 = tpu.memref_slice %dma_wait3A_95[%dma_wait3A_96, %dma_wait3A_97] : memref<10240x64xf32, #tpu.memory_space<hbm>> -> memref<10240x64xf32, #tpu.memory_space<hbm>>
    tpu.wait_indirect_dma semaphore(%arg15 : memref<!tpu.dma_semaphore, #tpu.memory_space<semaphore_mem>>) src(%dma_wait3A_98 : memref<10240x64xf32, #tpu.memory_space<hbm>>) dst(%arg10 : memref<128x64xf32, #tpu.memory_space<vmem>>)
    %dma_wait3A_99 = arith.constant 0 : i32
    %dma_wait3A_100 = arith.constant 0 : i32
    %dma_wait3A_101 = tpu.memref_slice %arg6[%dma_wait3A_99, %dma_wait3A_100] : memref<160x128xi32, #tpu.memory_space<vmem>> -> memref<1x128xi32, #tpu.memory_space<vmem>>
    %dma_wait3A_102 = tpu.memref_squeeze %dma_wait3A_101 : memref<1x128xi32, #tpu.memory_space<vmem>> -> memref<128xi32, #tpu.memory_space<vmem>>
    %dma_wait3A_103 = arith.constant 0 : i32
    %dma_wait3A_104 = arith.constant 0 : i32
    %dma_wait3A_105 = tpu.memref_slice %arg2[%arg0, %dma_wait3A_103, %dma_wait3A_104] : memref<2x10240x64xf32, #tpu.memory_space<hbm>> -> memref<1x10240x64xf32, #tpu.memory_space<hbm>>
    %dma_wait3A_106 = tpu.memref_squeeze %dma_wait3A_105 : memref<1x10240x64xf32, #tpu.memory_space<hbm>> -> memref<10240x64xf32, #tpu.memory_space<hbm>>
    %dma_wait3A_107 = arith.constant 0 : i32
    %dma_wait3A_108 = arith.constant 0 : i32
    %dma_wait3A_109 = tpu.memref_slice %dma_wait3A_106[%dma_wait3A_107, %dma_wait3A_108] : memref<10240x64xf32, #tpu.memory_space<hbm>> -> memref<10240x64xf32, #tpu.memory_space<hbm>>
    tpu.wait_indirect_dma semaphore(%arg16 : memref<!tpu.dma_semaphore, #tpu.memory_space<semaphore_mem>>) src(%dma_wait3A_109 : memref<10240x64xf32, #tpu.memory_space<hbm>>) dst(%arg11 : memref<128x64xf32, #tpu.memory_space<vmem>>)
    %barrier3A_110 = arith.constant 0 : index
    tpu.barrier barrier_id(%barrier3A_110)
    "tpu.region"() ({
      %run_scoped3A = tpu.sem_alloc : memref<!tpu.dma_semaphore, #tpu.memory_space<semaphore_mem>>
      %dma_start3A_111 = arith.constant 0 : i32
      %dma_start3A_112 = tpu.memref_slice %arg5[%arg0, %mul3A_4, %dma_start3A_111] : memref<2x10240x64xf32, #tpu.memory_space<hbm>> -> memref<1x640x64xf32, #tpu.memory_space<hbm>>
      %dma_start3A_113 = tpu.memref_squeeze %dma_start3A_112 : memref<1x640x64xf32, #tpu.memory_space<hbm>> -> memref<640x64xf32, #tpu.memory_space<hbm>>
      %dma_start3A_114 = arith.constant 0 : i32
      %dma_start3A_115 = tpu.memref_slice %arg12[%mul3A_4, %dma_start3A_114] : memref<10240x64xf32, #tpu.memory_space<vmem_shared>> -> memref<640x64xf32, #tpu.memory_space<vmem_shared>>
      tpu.enqueue_dma source(%dma_start3A_115 : memref<640x64xf32, #tpu.memory_space<vmem_shared>>) target(%dma_start3A_113 : memref<640x64xf32, #tpu.memory_space<hbm>>) target_semaphore(%run_scoped3A : memref<!tpu.dma_semaphore, #tpu.memory_space<semaphore_mem>>)
      %dma_wait3A_116 = arith.constant 0 : i32
      %dma_wait3A_117 = tpu.memref_slice %arg5[%arg0, %mul3A_4, %dma_wait3A_116] : memref<2x10240x64xf32, #tpu.memory_space<hbm>> -> memref<1x640x64xf32, #tpu.memory_space<hbm>>
      %dma_wait3A_118 = tpu.memref_squeeze %dma_wait3A_117 : memref<1x640x64xf32, #tpu.memory_space<hbm>> -> memref<640x64xf32, #tpu.memory_space<hbm>>
      %dma_wait3A_119 = arith.constant 0 : i32
      %dma_wait3A_120 = tpu.memref_slice %arg12[%mul3A_4, %dma_wait3A_119] : memref<10240x64xf32, #tpu.memory_space<vmem_shared>> -> memref<640x64xf32, #tpu.memory_space<vmem_shared>>
      tpu.wait_dma2 semaphore(%run_scoped3A : memref<!tpu.dma_semaphore, #tpu.memory_space<semaphore_mem>>) src(%dma_wait3A_120 : memref<640x64xf32, #tpu.memory_space<vmem_shared>>) dst(%dma_wait3A_118 : memref<640x64xf32, #tpu.memory_space<hbm>>)
      tpu.yield
    }) : () -> ()
    return
  }
}

#map = affine_map<(d0, d1) -> (0, 0, 0)>
module attributes {stable_mosaic.version = 14 : i64} {
  func.func @_sc_count(%arg0: i32, %arg1: i32, %arg2: memref<32x80x128xi32, #tpu.memory_space<hbm>>, %arg3: memref<2x10240x16xf32, #tpu.memory_space<hbm>>, %arg4: memref<80x128xi32, #tpu.memory_space<vmem>>, %arg5: memref<128x16xf32, #tpu.memory_space<vmem>>, %arg6: memref<128x16xf32, #tpu.memory_space<vmem>>, %arg7: memref<10240x16xf32, #tpu.memory_space<vmem_shared>>, %arg8: memref<!tpu.dma_semaphore, #tpu.memory_space<semaphore_mem>>) attributes {dimension_semantics = [#tpu.dimension_semantics<core_parallel>, #tpu.dimension_semantics<subcore_parallel>], iteration_bounds = array<i64: 2, 16>, scalar_prefetch = 0 : i64, scratch_operands = 5 : i64, tpu.core_type = #tpu.core_type<sc_vector_subcore>, window_params = [{transform_indices = #map}, {transform_indices = #map}]} {
    %mul3A = arith.constant 16 : i32
    %mul3A_0 = arith.muli %arg0, %mul3A : i32
    %add3A = arith.addi %mul3A_0, %arg1 : i32
    "tpu.region"() ({
      %run_scoped3A = tpu.sem_alloc : memref<!tpu.dma_semaphore, #tpu.memory_space<semaphore_mem>>
      %dma_start3A = arith.constant 0 : i32
      %dma_start3A_33 = arith.constant 0 : i32
      %dma_start3A_34 = tpu.memref_slice %arg2[%add3A, %dma_start3A, %dma_start3A_33] : memref<32x80x128xi32, #tpu.memory_space<hbm>> -> memref<1x80x128xi32, #tpu.memory_space<hbm>>
      %dma_start3A_35 = tpu.memref_squeeze %dma_start3A_34 : memref<1x80x128xi32, #tpu.memory_space<hbm>> -> memref<80x128xi32, #tpu.memory_space<hbm>>
      %dma_start3A_36 = arith.constant 0 : i32
      %dma_start3A_37 = arith.constant 0 : i32
      %dma_start3A_38 = tpu.memref_slice %arg2[%add3A, %dma_start3A_36, %dma_start3A_37] : memref<32x80x128xi32, #tpu.memory_space<hbm>> -> memref<1x80x128xi32, #tpu.memory_space<hbm>>
      %dma_start3A_39 = tpu.memref_squeeze %dma_start3A_38 : memref<1x80x128xi32, #tpu.memory_space<hbm>> -> memref<80x128xi32, #tpu.memory_space<hbm>>
      tpu.enqueue_dma source(%dma_start3A_39 : memref<80x128xi32, #tpu.memory_space<hbm>>) target(%arg4 : memref<80x128xi32, #tpu.memory_space<vmem>>) target_semaphore(%run_scoped3A : memref<!tpu.dma_semaphore, #tpu.memory_space<semaphore_mem>>)
      %dma_wait3A = arith.constant 0 : i32
      %dma_wait3A_40 = arith.constant 0 : i32
      %dma_wait3A_41 = tpu.memref_slice %arg2[%add3A, %dma_wait3A, %dma_wait3A_40] : memref<32x80x128xi32, #tpu.memory_space<hbm>> -> memref<1x80x128xi32, #tpu.memory_space<hbm>>
      %dma_wait3A_42 = tpu.memref_squeeze %dma_wait3A_41 : memref<1x80x128xi32, #tpu.memory_space<hbm>> -> memref<80x128xi32, #tpu.memory_space<hbm>>
      %dma_wait3A_43 = arith.constant 0 : i32
      %dma_wait3A_44 = arith.constant 0 : i32
      %dma_wait3A_45 = tpu.memref_slice %arg2[%add3A, %dma_wait3A_43, %dma_wait3A_44] : memref<32x80x128xi32, #tpu.memory_space<hbm>> -> memref<1x80x128xi32, #tpu.memory_space<hbm>>
      %dma_wait3A_46 = tpu.memref_squeeze %dma_wait3A_45 : memref<1x80x128xi32, #tpu.memory_space<hbm>> -> memref<80x128xi32, #tpu.memory_space<hbm>>
      tpu.wait_dma2 semaphore(%run_scoped3A : memref<!tpu.dma_semaphore, #tpu.memory_space<semaphore_mem>>) src(%dma_wait3A_46 : memref<80x128xi32, #tpu.memory_space<hbm>>) dst(%arg4 : memref<80x128xi32, #tpu.memory_space<vmem>>)
      tpu.yield
    }) : () -> ()
    %scan3A = arith.constant 0 : i32
    %scan3A_1 = arith.constant 128 : i32
    %scan3A_2 = arith.addi %scan3A, %scan3A_1 : i32
    %scan3A_3 = arith.constant 1 : i32
    scf.for %scan3A_33 = %scan3A to %scan3A_2 step %scan3A_3  : i32 {
      %mul3A_34 = arith.constant 1 : i32
      %mul3A_35 = arith.muli %scan3A_33, %mul3A_34 : i32
      %add3A_36 = arith.constant 0 : i32
      %add3A_37 = arith.addi %add3A_36, %mul3A_35 : i32
      %broadcast_in_dim3A = arith.constant 1.000000e+00 : f32
      %broadcast_in_dim3A_38 = vector.broadcast %broadcast_in_dim3A : f32 to vector<16xf32>
      %swap3A = arith.index_cast %add3A_37 : i32 to index
      %swap3A_39 = arith.constant 0 : index
      %swap3A_40 = tpu.vector_load %arg5[%swap3A, %swap3A_39] {strides = array<i32>} : memref<128x16xf32, #tpu.memory_space<vmem>>, vector<1x16xf32>,
      %swap3A_41 = vector.shape_cast %swap3A_40 : vector<1x16xf32> to vector<16xf32>
      %swap3A_42 = vector.shape_cast %broadcast_in_dim3A_38 : vector<16xf32> to vector<1x16xf32>
      tpu.vector_store %arg5[%swap3A, %swap3A_39], %swap3A_42 {strides = array<i32>} : memref<128x16xf32, #tpu.memory_space<vmem>>, vector<1x16xf32>,
      %broadcast_in_dim3A_43 = arith.constant 0.000000e+00 : f32
      %broadcast_in_dim3A_44 = vector.broadcast %broadcast_in_dim3A_43 : f32 to vector<16xf32>
      %swap3A_45 = arith.index_cast %add3A_37 : i32 to index
      %swap3A_46 = arith.constant 0 : index
      %swap3A_47 = tpu.vector_load %arg6[%swap3A_45, %swap3A_46] {strides = array<i32>} : memref<128x16xf32, #tpu.memory_space<vmem>>, vector<1x16xf32>,
      %swap3A_48 = vector.shape_cast %swap3A_47 : vector<1x16xf32> to vector<16xf32>
      %swap3A_49 = vector.shape_cast %broadcast_in_dim3A_44 : vector<16xf32> to vector<1x16xf32>
      tpu.vector_store %arg6[%swap3A_45, %swap3A_46], %swap3A_49 {strides = array<i32>} : memref<128x16xf32, #tpu.memory_space<vmem>>, vector<1x16xf32>,
    }
    %scan3A_4 = arith.constant 128 : i32
    %mul3A_5 = arith.constant 640 : i32
    %mul3A_6 = arith.muli %arg1, %mul3A_5 : i32
    %add3A_7 = arith.constant 0 : i32
    %add3A_8 = arith.addi %mul3A_6, %add3A_7 : i32
    "tpu.region"() ({
      %run_scoped3A = tpu.sem_alloc : memref<!tpu.dma_semaphore, #tpu.memory_space<semaphore_mem>>
      %dma_start3A = arith.constant 0 : i32
      %dma_start3A_33 = tpu.memref_slice %arg7[%add3A_8, %dma_start3A] : memref<10240x16xf32, #tpu.memory_space<vmem_shared>> -> memref<128x16xf32, #tpu.memory_space<vmem_shared>>
      %dma_start3A_34 = arith.constant 0 : i32
      %dma_start3A_35 = tpu.memref_slice %arg7[%add3A_8, %dma_start3A_34] : memref<10240x16xf32, #tpu.memory_space<vmem_shared>> -> memref<128x16xf32, #tpu.memory_space<vmem_shared>>
      tpu.enqueue_dma source(%arg6 : memref<128x16xf32, #tpu.memory_space<vmem>>) target(%dma_start3A_35 : memref<128x16xf32, #tpu.memory_space<vmem_shared>>) target_semaphore(%run_scoped3A : memref<!tpu.dma_semaphore, #tpu.memory_space<semaphore_mem>>)
      %dma_wait3A = arith.constant 0 : i32
      %dma_wait3A_36 = tpu.memref_slice %arg7[%add3A_8, %dma_wait3A] : memref<10240x16xf32, #tpu.memory_space<vmem_shared>> -> memref<128x16xf32, #tpu.memory_space<vmem_shared>>
      %dma_wait3A_37 = arith.constant 0 : i32
      %dma_wait3A_38 = tpu.memref_slice %arg7[%add3A_8, %dma_wait3A_37] : memref<10240x16xf32, #tpu.memory_space<vmem_shared>> -> memref<128x16xf32, #tpu.memory_space<vmem_shared>>
      tpu.wait_dma2 semaphore(%run_scoped3A : memref<!tpu.dma_semaphore, #tpu.memory_space<semaphore_mem>>) src(%arg6 : memref<128x16xf32, #tpu.memory_space<vmem>>) dst(%dma_wait3A_38 : memref<128x16xf32, #tpu.memory_space<vmem_shared>>)
      tpu.yield
    }) : () -> ()
    %add3A_9 = arith.constant 128 : i32
    %add3A_10 = arith.addi %mul3A_6, %add3A_9 : i32
    "tpu.region"() ({
      %run_scoped3A = tpu.sem_alloc : memref<!tpu.dma_semaphore, #tpu.memory_space<semaphore_mem>>
      %dma_start3A = arith.constant 0 : i32
      %dma_start3A_33 = tpu.memref_slice %arg7[%add3A_10, %dma_start3A] : memref<10240x16xf32, #tpu.memory_space<vmem_shared>> -> memref<128x16xf32, #tpu.memory_space<vmem_shared>>
      %dma_start3A_34 = arith.constant 0 : i32
      %dma_start3A_35 = tpu.memref_slice %arg7[%add3A_10, %dma_start3A_34] : memref<10240x16xf32, #tpu.memory_space<vmem_shared>> -> memref<128x16xf32, #tpu.memory_space<vmem_shared>>
      tpu.enqueue_dma source(%arg6 : memref<128x16xf32, #tpu.memory_space<vmem>>) target(%dma_start3A_35 : memref<128x16xf32, #tpu.memory_space<vmem_shared>>) target_semaphore(%run_scoped3A : memref<!tpu.dma_semaphore, #tpu.memory_space<semaphore_mem>>)
      %dma_wait3A = arith.constant 0 : i32
      %dma_wait3A_36 = tpu.memref_slice %arg7[%add3A_10, %dma_wait3A] : memref<10240x16xf32, #tpu.memory_space<vmem_shared>> -> memref<128x16xf32, #tpu.memory_space<vmem_shared>>
      %dma_wait3A_37 = arith.constant 0 : i32
      %dma_wait3A_38 = tpu.memref_slice %arg7[%add3A_10, %dma_wait3A_37] : memref<10240x16xf32, #tpu.memory_space<vmem_shared>> -> memref<128x16xf32, #tpu.memory_space<vmem_shared>>
      tpu.wait_dma2 semaphore(%run_scoped3A : memref<!tpu.dma_semaphore, #tpu.memory_space<semaphore_mem>>) src(%arg6 : memref<128x16xf32, #tpu.memory_space<vmem>>) dst(%dma_wait3A_38 : memref<128x16xf32, #tpu.memory_space<vmem_shared>>)
      tpu.yield
    }) : () -> ()
    %add3A_11 = arith.constant 256 : i32
    %add3A_12 = arith.addi %mul3A_6, %add3A_11 : i32
    "tpu.region"() ({
      %run_scoped3A = tpu.sem_alloc : memref<!tpu.dma_semaphore, #tpu.memory_space<semaphore_mem>>
      %dma_start3A = arith.constant 0 : i32
      %dma_start3A_33 = tpu.memref_slice %arg7[%add3A_12, %dma_start3A] : memref<10240x16xf32, #tpu.memory_space<vmem_shared>> -> memref<128x16xf32, #tpu.memory_space<vmem_shared>>
      %dma_start3A_34 = arith.constant 0 : i32
      %dma_start3A_35 = tpu.memref_slice %arg7[%add3A_12, %dma_start3A_34] : memref<10240x16xf32, #tpu.memory_space<vmem_shared>> -> memref<128x16xf32, #tpu.memory_space<vmem_shared>>
      tpu.enqueue_dma source(%arg6 : memref<128x16xf32, #tpu.memory_space<vmem>>) target(%dma_start3A_35 : memref<128x16xf32, #tpu.memory_space<vmem_shared>>) target_semaphore(%run_scoped3A : memref<!tpu.dma_semaphore, #tpu.memory_space<semaphore_mem>>)
      %dma_wait3A = arith.constant 0 : i32
      %dma_wait3A_36 = tpu.memref_slice %arg7[%add3A_12, %dma_wait3A] : memref<10240x16xf32, #tpu.memory_space<vmem_shared>> -> memref<128x16xf32, #tpu.memory_space<vmem_shared>>
      %dma_wait3A_37 = arith.constant 0 : i32
      %dma_wait3A_38 = tpu.memref_slice %arg7[%add3A_12, %dma_wait3A_37] : memref<10240x16xf32, #tpu.memory_space<vmem_shared>> -> memref<128x16xf32, #tpu.memory_space<vmem_shared>>
      tpu.wait_dma2 semaphore(%run_scoped3A : memref<!tpu.dma_semaphore, #tpu.memory_space<semaphore_mem>>) src(%arg6 : memref<128x16xf32, #tpu.memory_space<vmem>>) dst(%dma_wait3A_38 : memref<128x16xf32, #tpu.memory_space<vmem_shared>>)
      tpu.yield
    }) : () -> ()
    %add3A_13 = arith.constant 384 : i32
    %add3A_14 = arith.addi %mul3A_6, %add3A_13 : i32
    "tpu.region"() ({
      %run_scoped3A = tpu.sem_alloc : memref<!tpu.dma_semaphore, #tpu.memory_space<semaphore_mem>>
      %dma_start3A = arith.constant 0 : i32
      %dma_start3A_33 = tpu.memref_slice %arg7[%add3A_14, %dma_start3A] : memref<10240x16xf32, #tpu.memory_space<vmem_shared>> -> memref<128x16xf32, #tpu.memory_space<vmem_shared>>
      %dma_start3A_34 = arith.constant 0 : i32
      %dma_start3A_35 = tpu.memref_slice %arg7[%add3A_14, %dma_start3A_34] : memref<10240x16xf32, #tpu.memory_space<vmem_shared>> -> memref<128x16xf32, #tpu.memory_space<vmem_shared>>
      tpu.enqueue_dma source(%arg6 : memref<128x16xf32, #tpu.memory_space<vmem>>) target(%dma_start3A_35 : memref<128x16xf32, #tpu.memory_space<vmem_shared>>) target_semaphore(%run_scoped3A : memref<!tpu.dma_semaphore, #tpu.memory_space<semaphore_mem>>)
      %dma_wait3A = arith.constant 0 : i32
      %dma_wait3A_36 = tpu.memref_slice %arg7[%add3A_14, %dma_wait3A] : memref<10240x16xf32, #tpu.memory_space<vmem_shared>> -> memref<128x16xf32, #tpu.memory_space<vmem_shared>>
      %dma_wait3A_37 = arith.constant 0 : i32
      %dma_wait3A_38 = tpu.memref_slice %arg7[%add3A_14, %dma_wait3A_37] : memref<10240x16xf32, #tpu.memory_space<vmem_shared>> -> memref<128x16xf32, #tpu.memory_space<vmem_shared>>
      tpu.wait_dma2 semaphore(%run_scoped3A : memref<!tpu.dma_semaphore, #tpu.memory_space<semaphore_mem>>) src(%arg6 : memref<128x16xf32, #tpu.memory_space<vmem>>) dst(%dma_wait3A_38 : memref<128x16xf32, #tpu.memory_space<vmem_shared>>)
      tpu.yield
    }) : () -> ()
    %add3A_15 = arith.constant 512 : i32
    %add3A_16 = arith.addi %mul3A_6, %add3A_15 : i32
    "tpu.region"() ({
      %run_scoped3A = tpu.sem_alloc : memref<!tpu.dma_semaphore, #tpu.memory_space<semaphore_mem>>
      %dma_start3A = arith.constant 0 : i32
      %dma_start3A_33 = tpu.memref_slice %arg7[%add3A_16, %dma_start3A] : memref<10240x16xf32, #tpu.memory_space<vmem_shared>> -> memref<128x16xf32, #tpu.memory_space<vmem_shared>>
      %dma_start3A_34 = arith.constant 0 : i32
      %dma_start3A_35 = tpu.memref_slice %arg7[%add3A_16, %dma_start3A_34] : memref<10240x16xf32, #tpu.memory_space<vmem_shared>> -> memref<128x16xf32, #tpu.memory_space<vmem_shared>>
      tpu.enqueue_dma source(%arg6 : memref<128x16xf32, #tpu.memory_space<vmem>>) target(%dma_start3A_35 : memref<128x16xf32, #tpu.memory_space<vmem_shared>>) target_semaphore(%run_scoped3A : memref<!tpu.dma_semaphore, #tpu.memory_space<semaphore_mem>>)
      %dma_wait3A = arith.constant 0 : i32
      %dma_wait3A_36 = tpu.memref_slice %arg7[%add3A_16, %dma_wait3A] : memref<10240x16xf32, #tpu.memory_space<vmem_shared>> -> memref<128x16xf32, #tpu.memory_space<vmem_shared>>
      %dma_wait3A_37 = arith.constant 0 : i32
      %dma_wait3A_38 = tpu.memref_slice %arg7[%add3A_16, %dma_wait3A_37] : memref<10240x16xf32, #tpu.memory_space<vmem_shared>> -> memref<128x16xf32, #tpu.memory_space<vmem_shared>>
      tpu.wait_dma2 semaphore(%run_scoped3A : memref<!tpu.dma_semaphore, #tpu.memory_space<semaphore_mem>>) src(%arg6 : memref<128x16xf32, #tpu.memory_space<vmem>>) dst(%dma_wait3A_38 : memref<128x16xf32, #tpu.memory_space<vmem_shared>>)
      tpu.yield
    }) : () -> ()
    %barrier3A = arith.constant 0 : index
    tpu.barrier barrier_id(%barrier3A)
    %scan3A_17 = arith.constant 0 : i32
    %scan3A_18 = arith.constant 8 : i32
    %scan3A_19 = arith.addi %scan3A_17, %scan3A_18 : i32
    %scan3A_20 = arith.constant 1 : i32
    scf.for %scan3A_33 = %scan3A_17 to %scan3A_19 step %scan3A_20  : i32 {
      %mul3A_34 = arith.constant 1 : i32
      %mul3A_35 = arith.muli %scan3A_33, %mul3A_34 : i32
      %add3A_36 = arith.constant 0 : i32
      %add3A_37 = arith.addi %add3A_36, %mul3A_35 : i32
      %dma_start3A = arith.constant 0 : i32
      %dma_start3A_38 = tpu.memref_slice %arg4[%add3A_37, %dma_start3A] : memref<80x128xi32, #tpu.memory_space<vmem>> -> memref<1x128xi32, #tpu.memory_space<vmem>>
      %dma_start3A_39 = tpu.memref_squeeze %dma_start3A_38 : memref<1x128xi32, #tpu.memory_space<vmem>> -> memref<128xi32, #tpu.memory_space<vmem>>
      %dma_start3A_40 = arith.constant 0 : i32
      %dma_start3A_41 = arith.constant 0 : i32
      %dma_start3A_42 = tpu.memref_slice %arg7[%dma_start3A_40, %dma_start3A_41] : memref<10240x16xf32, #tpu.memory_space<vmem_shared>> -> memref<10240x16xf32, #tpu.memory_space<vmem_shared>>
      tpu.enqueue_indirect_dma source(%arg5 : memref<128x16xf32, #tpu.memory_space<vmem>>) target(%dma_start3A_42 : memref<10240x16xf32, #tpu.memory_space<vmem_shared>>) offsets(%dma_start3A_39 : memref<128xi32, #tpu.memory_space<vmem>>) semaphore(%arg8 : memref<!tpu.dma_semaphore, #tpu.memory_space<semaphore_mem>>) {add = true}
    }
    %scan3A_21 = arith.constant 8 : i32
    %scan3A_22 = arith.constant 0 : i32
    %scan3A_23 = arith.constant 72 : i32
    %scan3A_24 = arith.addi %scan3A_22, %scan3A_23 : i32
    %scan3A_25 = arith.constant 1 : i32
    scf.for %scan3A_33 = %scan3A_22 to %scan3A_24 step %scan3A_25  : i32 {
      %mul3A_34 = arith.constant 1 : i32
      %mul3A_35 = arith.muli %scan3A_33, %mul3A_34 : i32
      %add3A_36 = arith.constant 8 : i32
      %add3A_37 = arith.addi %add3A_36, %mul3A_35 : i32
      %dma_wait3A = arith.constant 0 : i32
      %dma_wait3A_38 = arith.constant 0 : i32
      %dma_wait3A_39 = tpu.memref_slice %arg4[%dma_wait3A, %dma_wait3A_38] : memref<80x128xi32, #tpu.memory_space<vmem>> -> memref<1x128xi32, #tpu.memory_space<vmem>>
      %dma_wait3A_40 = tpu.memref_squeeze %dma_wait3A_39 : memref<1x128xi32, #tpu.memory_space<vmem>> -> memref<128xi32, #tpu.memory_space<vmem>>
      %dma_wait3A_41 = arith.constant 0 : i32
      %dma_wait3A_42 = arith.constant 0 : i32
      %dma_wait3A_43 = tpu.memref_slice %arg7[%dma_wait3A_41, %dma_wait3A_42] : memref<10240x16xf32, #tpu.memory_space<vmem_shared>> -> memref<10240x16xf32, #tpu.memory_space<vmem_shared>>
      tpu.wait_indirect_dma semaphore(%arg8 : memref<!tpu.dma_semaphore, #tpu.memory_space<semaphore_mem>>) src(%arg5 : memref<128x16xf32, #tpu.memory_space<vmem>>) dst(%dma_wait3A_43 : memref<10240x16xf32, #tpu.memory_space<vmem_shared>>)
      %dma_start3A = arith.constant 0 : i32
      %dma_start3A_44 = tpu.memref_slice %arg4[%add3A_37, %dma_start3A] : memref<80x128xi32, #tpu.memory_space<vmem>> -> memref<1x128xi32, #tpu.memory_space<vmem>>
      %dma_start3A_45 = tpu.memref_squeeze %dma_start3A_44 : memref<1x128xi32, #tpu.memory_space<vmem>> -> memref<128xi32, #tpu.memory_space<vmem>>
      %dma_start3A_46 = arith.constant 0 : i32
      %dma_start3A_47 = arith.constant 0 : i32
      %dma_start3A_48 = tpu.memref_slice %arg7[%dma_start3A_46, %dma_start3A_47] : memref<10240x16xf32, #tpu.memory_space<vmem_shared>> -> memref<10240x16xf32, #tpu.memory_space<vmem_shared>>
      tpu.enqueue_indirect_dma source(%arg5 : memref<128x16xf32, #tpu.memory_space<vmem>>) target(%dma_start3A_48 : memref<10240x16xf32, #tpu.memory_space<vmem_shared>>) offsets(%dma_start3A_45 : memref<128xi32, #tpu.memory_space<vmem>>) semaphore(%arg8 : memref<!tpu.dma_semaphore, #tpu.memory_space<semaphore_mem>>) {add = true}
    }
    %scan3A_26 = arith.constant 72 : i32
    %scan3A_27 = arith.constant 0 : i32
    %scan3A_28 = arith.constant 8 : i32
    %scan3A_29 = arith.addi %scan3A_27, %scan3A_28 : i32
    %scan3A_30 = arith.constant 1 : i32
    scf.for %scan3A_33 = %scan3A_27 to %scan3A_29 step %scan3A_30  : i32 {
      %mul3A_34 = arith.constant 1 : i32
      %mul3A_35 = arith.muli %scan3A_33, %mul3A_34 : i32
      %add3A_36 = arith.constant 0 : i32
      %add3A_37 = arith.addi %add3A_36, %mul3A_35 : i32
      %dma_wait3A = arith.constant 0 : i32
      %dma_wait3A_38 = arith.constant 0 : i32
      %dma_wait3A_39 = tpu.memref_slice %arg4[%dma_wait3A, %dma_wait3A_38] : memref<80x128xi32, #tpu.memory_space<vmem>> -> memref<1x128xi32, #tpu.memory_space<vmem>>
      %dma_wait3A_40 = tpu.memref_squeeze %dma_wait3A_39 : memref<1x128xi32, #tpu.memory_space<vmem>> -> memref<128xi32, #tpu.memory_space<vmem>>
      %dma_wait3A_41 = arith.constant 0 : i32
      %dma_wait3A_42 = arith.constant 0 : i32
      %dma_wait3A_43 = tpu.memref_slice %arg7[%dma_wait3A_41, %dma_wait3A_42] : memref<10240x16xf32, #tpu.memory_space<vmem_shared>> -> memref<10240x16xf32, #tpu.memory_space<vmem_shared>>
      tpu.wait_indirect_dma semaphore(%arg8 : memref<!tpu.dma_semaphore, #tpu.memory_space<semaphore_mem>>) src(%arg5 : memref<128x16xf32, #tpu.memory_space<vmem>>) dst(%dma_wait3A_43 : memref<10240x16xf32, #tpu.memory_space<vmem_shared>>)
    }
    %scan3A_31 = arith.constant 8 : i32
    %barrier3A_32 = arith.constant 0 : index
    tpu.barrier barrier_id(%barrier3A_32)
    "tpu.region"() ({
      %run_scoped3A = tpu.sem_alloc : memref<!tpu.dma_semaphore, #tpu.memory_space<semaphore_mem>>
      %dma_start3A = arith.constant 0 : i32
      %dma_start3A_33 = tpu.memref_slice %arg3[%arg0, %mul3A_6, %dma_start3A] : memref<2x10240x16xf32, #tpu.memory_space<hbm>> -> memref<1x640x16xf32, #tpu.memory_space<hbm>>
      %dma_start3A_34 = tpu.memref_squeeze %dma_start3A_33 : memref<1x640x16xf32, #tpu.memory_space<hbm>> -> memref<640x16xf32, #tpu.memory_space<hbm>>
      %dma_start3A_35 = arith.constant 0 : i32
      %dma_start3A_36 = tpu.memref_slice %arg7[%mul3A_6, %dma_start3A_35] : memref<10240x16xf32, #tpu.memory_space<vmem_shared>> -> memref<640x16xf32, #tpu.memory_space<vmem_shared>>
      tpu.enqueue_dma source(%dma_start3A_36 : memref<640x16xf32, #tpu.memory_space<vmem_shared>>) target(%dma_start3A_34 : memref<640x16xf32, #tpu.memory_space<hbm>>) target_semaphore(%run_scoped3A : memref<!tpu.dma_semaphore, #tpu.memory_space<semaphore_mem>>)
      %dma_wait3A = arith.constant 0 : i32
      %dma_wait3A_37 = tpu.memref_slice %arg3[%arg0, %mul3A_6, %dma_wait3A] : memref<2x10240x16xf32, #tpu.memory_space<hbm>> -> memref<1x640x16xf32, #tpu.memory_space<hbm>>
      %dma_wait3A_38 = tpu.memref_squeeze %dma_wait3A_37 : memref<1x640x16xf32, #tpu.memory_space<hbm>> -> memref<640x16xf32, #tpu.memory_space<hbm>>
      %dma_wait3A_39 = arith.constant 0 : i32
      %dma_wait3A_40 = tpu.memref_slice %arg7[%mul3A_6, %dma_wait3A_39] : memref<10240x16xf32, #tpu.memory_space<vmem_shared>> -> memref<640x16xf32, #tpu.memory_space<vmem_shared>>
      tpu.wait_dma2 semaphore(%run_scoped3A : memref<!tpu.dma_semaphore, #tpu.memory_space<semaphore_mem>>) src(%dma_wait3A_40 : memref<640x16xf32, #tpu.memory_space<vmem_shared>>) dst(%dma_wait3A_38 : memref<640x16xf32, #tpu.memory_space<hbm>>)
      tpu.yield
    }) : () -> ()
    return
  }
}

#map = affine_map<(d0, d1) -> (0, 0, 0)>
module attributes {stable_mosaic.version = 14 : i64} {
  func.func @_sc_agg(%arg0: i32, %arg1: i32, %arg2: memref<2x10240x64xf32, #tpu.memory_space<hbm>>, %arg3: memref<16x160x128xi32, #tpu.memory_space<hbm>>, %arg4: memref<16x160x128xi32, #tpu.memory_space<hbm>>, %arg5: memref<2x10240x64xf32, #tpu.memory_space<hbm>>, %arg6: memref<160x128xi32, #tpu.memory_space<vmem>>, %arg7: memref<160x128xi32, #tpu.memory_space<vmem>>, %arg8: memref<128x64xf32, #tpu.memory_space<vmem>>, %arg9: memref<128x64xf32, #tpu.memory_space<vmem>>, %arg10: memref<128x64xf32, #tpu.memory_space<vmem>>, %arg11: memref<128x64xf32, #tpu.memory_space<vmem>>, %arg12: memref<10240x64xf32, #tpu.memory_space<vmem_shared>>, %arg13: memref<!tpu.dma_semaphore, #tpu.memory_space<semaphore_mem>>, %arg14: memref<!tpu.dma_semaphore, #tpu.memory_space<semaphore_mem>>, %arg15: memref<!tpu.dma_semaphore, #tpu.memory_space<semaphore_mem>>, %arg16: memref<!tpu.dma_semaphore, #tpu.memory_space<semaphore_mem>>, %arg17: memref<!tpu.dma_semaphore, #tpu.memory_space<semaphore_mem>>, %arg18: memref<!tpu.dma_semaphore, #tpu.memory_space<semaphore_mem>>, %arg19: memref<!tpu.dma_semaphore, #tpu.memory_space<semaphore_mem>>, %arg20: memref<!tpu.dma_semaphore, #tpu.memory_space<semaphore_mem>>) attributes {dimension_semantics = [#tpu.dimension_semantics<core_parallel>, #tpu.dimension_semantics<subcore_parallel>], iteration_bounds = array<i64: 2, 16>, scalar_prefetch = 0 : i64, scratch_operands = 15 : i64, tpu.core_type = #tpu.core_type<sc_vector_subcore>, window_params = [{transform_indices = #map}, {transform_indices = #map}, {transform_indices = #map}, {transform_indices = #map}]} {
    "tpu.region"() ({
      %run_scoped3A = tpu.sem_alloc : memref<!tpu.dma_semaphore, #tpu.memory_space<semaphore_mem>>
      %dma_start3A_111 = arith.constant 0 : i32
      %dma_start3A_112 = arith.constant 0 : i32
      %dma_start3A_113 = tpu.memref_slice %arg3[%arg1, %dma_start3A_111, %dma_start3A_112] : memref<16x160x128xi32, #tpu.memory_space<hbm>> -> memref<1x160x128xi32, #tpu.memory_space<hbm>>
      %dma_start3A_114 = tpu.memref_squeeze %dma_start3A_113 : memref<1x160x128xi32, #tpu.memory_space<hbm>> -> memref<160x128xi32, #tpu.memory_space<hbm>>
      %dma_start3A_115 = arith.constant 0 : i32
      %dma_start3A_116 = arith.constant 0 : i32
      %dma_start3A_117 = tpu.memref_slice %arg3[%arg1, %dma_start3A_115, %dma_start3A_116] : memref<16x160x128xi32, #tpu.memory_space<hbm>> -> memref<1x160x128xi32, #tpu.memory_space<hbm>>
      %dma_start3A_118 = tpu.memref_squeeze %dma_start3A_117 : memref<1x160x128xi32, #tpu.memory_space<hbm>> -> memref<160x128xi32, #tpu.memory_space<hbm>>
      tpu.enqueue_dma source(%dma_start3A_118 : memref<160x128xi32, #tpu.memory_space<hbm>>) target(%arg6 : memref<160x128xi32, #tpu.memory_space<vmem>>) target_semaphore(%run_scoped3A : memref<!tpu.dma_semaphore, #tpu.memory_space<semaphore_mem>>)
      %dma_wait3A_119 = arith.constant 0 : i32
      %dma_wait3A_120 = arith.constant 0 : i32
      %dma_wait3A_121 = tpu.memref_slice %arg3[%arg1, %dma_wait3A_119, %dma_wait3A_120] : memref<16x160x128xi32, #tpu.memory_space<hbm>> -> memref<1x160x128xi32, #tpu.memory_space<hbm>>
      %dma_wait3A_122 = tpu.memref_squeeze %dma_wait3A_121 : memref<1x160x128xi32, #tpu.memory_space<hbm>> -> memref<160x128xi32, #tpu.memory_space<hbm>>
      %dma_wait3A_123 = arith.constant 0 : i32
      %dma_wait3A_124 = arith.constant 0 : i32
      %dma_wait3A_125 = tpu.memref_slice %arg3[%arg1, %dma_wait3A_123, %dma_wait3A_124] : memref<16x160x128xi32, #tpu.memory_space<hbm>> -> memref<1x160x128xi32, #tpu.memory_space<hbm>>
      %dma_wait3A_126 = tpu.memref_squeeze %dma_wait3A_125 : memref<1x160x128xi32, #tpu.memory_space<hbm>> -> memref<160x128xi32, #tpu.memory_space<hbm>>
      tpu.wait_dma2 semaphore(%run_scoped3A : memref<!tpu.dma_semaphore, #tpu.memory_space<semaphore_mem>>) src(%dma_wait3A_126 : memref<160x128xi32, #tpu.memory_space<hbm>>) dst(%arg6 : memref<160x128xi32, #tpu.memory_space<vmem>>)
      tpu.yield
    }) : () -> ()
    "tpu.region"() ({
      %run_scoped3A = tpu.sem_alloc : memref<!tpu.dma_semaphore, #tpu.memory_space<semaphore_mem>>
      %dma_start3A_111 = arith.constant 0 : i32
      %dma_start3A_112 = arith.constant 0 : i32
      %dma_start3A_113 = tpu.memref_slice %arg4[%arg1, %dma_start3A_111, %dma_start3A_112] : memref<16x160x128xi32, #tpu.memory_space<hbm>> -> memref<1x160x128xi32, #tpu.memory_space<hbm>>
      %dma_start3A_114 = tpu.memref_squeeze %dma_start3A_113 : memref<1x160x128xi32, #tpu.memory_space<hbm>> -> memref<160x128xi32, #tpu.memory_space<hbm>>
      %dma_start3A_115 = arith.constant 0 : i32
      %dma_start3A_116 = arith.constant 0 : i32
      %dma_start3A_117 = tpu.memref_slice %arg4[%arg1, %dma_start3A_115, %dma_start3A_116] : memref<16x160x128xi32, #tpu.memory_space<hbm>> -> memref<1x160x128xi32, #tpu.memory_space<hbm>>
      %dma_start3A_118 = tpu.memref_squeeze %dma_start3A_117 : memref<1x160x128xi32, #tpu.memory_space<hbm>> -> memref<160x128xi32, #tpu.memory_space<hbm>>
      tpu.enqueue_dma source(%dma_start3A_118 : memref<160x128xi32, #tpu.memory_space<hbm>>) target(%arg7 : memref<160x128xi32, #tpu.memory_space<vmem>>) target_semaphore(%run_scoped3A : memref<!tpu.dma_semaphore, #tpu.memory_space<semaphore_mem>>)
      %dma_wait3A_119 = arith.constant 0 : i32
      %dma_wait3A_120 = arith.constant 0 : i32
      %dma_wait3A_121 = tpu.memref_slice %arg4[%arg1, %dma_wait3A_119, %dma_wait3A_120] : memref<16x160x128xi32, #tpu.memory_space<hbm>> -> memref<1x160x128xi32, #tpu.memory_space<hbm>>
      %dma_wait3A_122 = tpu.memref_squeeze %dma_wait3A_121 : memref<1x160x128xi32, #tpu.memory_space<hbm>> -> memref<160x128xi32, #tpu.memory_space<hbm>>
      %dma_wait3A_123 = arith.constant 0 : i32
      %dma_wait3A_124 = arith.constant 0 : i32
      %dma_wait3A_125 = tpu.memref_slice %arg4[%arg1, %dma_wait3A_123, %dma_wait3A_124] : memref<16x160x128xi32, #tpu.memory_space<hbm>> -> memref<1x160x128xi32, #tpu.memory_space<hbm>>
      %dma_wait3A_126 = tpu.memref_squeeze %dma_wait3A_125 : memref<1x160x128xi32, #tpu.memory_space<hbm>> -> memref<160x128xi32, #tpu.memory_space<hbm>>
      tpu.wait_dma2 semaphore(%run_scoped3A : memref<!tpu.dma_semaphore, #tpu.memory_space<semaphore_mem>>) src(%dma_wait3A_126 : memref<160x128xi32, #tpu.memory_space<hbm>>) dst(%arg7 : memref<160x128xi32, #tpu.memory_space<vmem>>)
      tpu.yield
    }) : () -> ()
    %scan3A = arith.constant 0 : i32
    %scan3A_0 = arith.constant 128 : i32
    %scan3A_1 = arith.addi %scan3A, %scan3A_0 : i32
    %scan3A_2 = arith.constant 1 : i32
    scf.for %scan3A_111 = %scan3A to %scan3A_1 step %scan3A_2  : i32 {
      %mul3A_112 = arith.constant 1 : i32
      %mul3A_113 = arith.muli %scan3A_111, %mul3A_112 : i32
      %add3A_114 = arith.constant 0 : i32
      %add3A_115 = arith.addi %add3A_114, %mul3A_113 : i32
      %broadcast_in_dim3A = arith.constant 0.000000e+00 : f32
      %broadcast_in_dim3A_116 = vector.broadcast %broadcast_in_dim3A : f32 to vector<16xf32>
      %swap3A = arith.index_cast %add3A_115 : i32 to index
      %swap3A_117 = arith.constant 0 : index
      %swap3A_118 = tpu.vector_load %arg8[%swap3A, %swap3A_117] {strides = array<i32>} : memref<128x64xf32, #tpu.memory_space<vmem>>, vector<1x16xf32>,
      %swap3A_119 = vector.shape_cast %swap3A_118 : vector<1x16xf32> to vector<16xf32>
      %swap3A_120 = vector.shape_cast %broadcast_in_dim3A_116 : vector<16xf32> to vector<1x16xf32>
      tpu.vector_store %arg8[%swap3A, %swap3A_117], %swap3A_120 {strides = array<i32>} : memref<128x64xf32, #tpu.memory_space<vmem>>, vector<1x16xf32>,
      %broadcast_in_dim3A_121 = arith.constant 0.000000e+00 : f32
      %broadcast_in_dim3A_122 = vector.broadcast %broadcast_in_dim3A_121 : f32 to vector<16xf32>
      %swap3A_123 = arith.index_cast %add3A_115 : i32 to index
      %swap3A_124 = arith.constant 16 : index
      %swap3A_125 = tpu.vector_load %arg8[%swap3A_123, %swap3A_124] {strides = array<i32>} : memref<128x64xf32, #tpu.memory_space<vmem>>, vector<1x16xf32>,
      %swap3A_126 = vector.shape_cast %swap3A_125 : vector<1x16xf32> to vector<16xf32>
      %swap3A_127 = vector.shape_cast %broadcast_in_dim3A_122 : vector<16xf32> to vector<1x16xf32>
      tpu.vector_store %arg8[%swap3A_123, %swap3A_124], %swap3A_127 {strides = array<i32>} : memref<128x64xf32, #tpu.memory_space<vmem>>, vector<1x16xf32>,
      %broadcast_in_dim3A_128 = arith.constant 0.000000e+00 : f32
      %broadcast_in_dim3A_129 = vector.broadcast %broadcast_in_dim3A_128 : f32 to vector<16xf32>
      %swap3A_130 = arith.index_cast %add3A_115 : i32 to index
      %swap3A_131 = arith.constant 32 : index
      %swap3A_132 = tpu.vector_load %arg8[%swap3A_130, %swap3A_131] {strides = array<i32>} : memref<128x64xf32, #tpu.memory_space<vmem>>, vector<1x16xf32>,
      %swap3A_133 = vector.shape_cast %swap3A_132 : vector<1x16xf32> to vector<16xf32>
      %swap3A_134 = vector.shape_cast %broadcast_in_dim3A_129 : vector<16xf32> to vector<1x16xf32>
      tpu.vector_store %arg8[%swap3A_130, %swap3A_131], %swap3A_134 {strides = array<i32>} : memref<128x64xf32, #tpu.memory_space<vmem>>, vector<1x16xf32>,
      %broadcast_in_dim3A_135 = arith.constant 0.000000e+00 : f32
      %broadcast_in_dim3A_136 = vector.broadcast %broadcast_in_dim3A_135 : f32 to vector<16xf32>
      %swap3A_137 = arith.index_cast %add3A_115 : i32 to index
      %swap3A_138 = arith.constant 48 : index
      %swap3A_139 = tpu.vector_load %arg8[%swap3A_137, %swap3A_138] {strides = array<i32>} : memref<128x64xf32, #tpu.memory_space<vmem>>, vector<1x16xf32>,
      %swap3A_140 = vector.shape_cast %swap3A_139 : vector<1x16xf32> to vector<16xf32>
      %swap3A_141 = vector.shape_cast %broadcast_in_dim3A_136 : vector<16xf32> to vector<1x16xf32>
      tpu.vector_store %arg8[%swap3A_137, %swap3A_138], %swap3A_141 {strides = array<i32>} : memref<128x64xf32, #tpu.memory_space<vmem>>, vector<1x16xf32>,
    }
    %scan3A_3 = arith.constant 128 : i32
    %mul3A = arith.constant 640 : i32
    %mul3A_4 = arith.muli %arg1, %mul3A : i32
    %add3A = arith.constant 0 : i32
    %add3A_5 = arith.addi %mul3A_4, %add3A : i32
    "tpu.region"() ({
      %run_scoped3A = tpu.sem_alloc : memref<!tpu.dma_semaphore, #tpu.memory_space<semaphore_mem>>
      %dma_start3A_111 = arith.constant 0 : i32
      %dma_start3A_112 = tpu.memref_slice %arg12[%add3A_5, %dma_start3A_111] : memref<10240x64xf32, #tpu.memory_space<vmem_shared>> -> memref<128x64xf32, #tpu.memory_space<vmem_shared>>
      %dma_start3A_113 = arith.constant 0 : i32
      %dma_start3A_114 = tpu.memref_slice %arg12[%add3A_5, %dma_start3A_113] : memref<10240x64xf32, #tpu.memory_space<vmem_shared>> -> memref<128x64xf32, #tpu.memory_space<vmem_shared>>
      tpu.enqueue_dma source(%arg8 : memref<128x64xf32, #tpu.memory_space<vmem>>) target(%dma_start3A_114 : memref<128x64xf32, #tpu.memory_space<vmem_shared>>) target_semaphore(%run_scoped3A : memref<!tpu.dma_semaphore, #tpu.memory_space<semaphore_mem>>)
      %dma_wait3A_115 = arith.constant 0 : i32
      %dma_wait3A_116 = tpu.memref_slice %arg12[%add3A_5, %dma_wait3A_115] : memref<10240x64xf32, #tpu.memory_space<vmem_shared>> -> memref<128x64xf32, #tpu.memory_space<vmem_shared>>
      %dma_wait3A_117 = arith.constant 0 : i32
      %dma_wait3A_118 = tpu.memref_slice %arg12[%add3A_5, %dma_wait3A_117] : memref<10240x64xf32, #tpu.memory_space<vmem_shared>> -> memref<128x64xf32, #tpu.memory_space<vmem_shared>>
      tpu.wait_dma2 semaphore(%run_scoped3A : memref<!tpu.dma_semaphore, #tpu.memory_space<semaphore_mem>>) src(%arg8 : memref<128x64xf32, #tpu.memory_space<vmem>>) dst(%dma_wait3A_118 : memref<128x64xf32, #tpu.memory_space<vmem_shared>>)
      tpu.yield
    }) : () -> ()
    %add3A_6 = arith.constant 128 : i32
    %add3A_7 = arith.addi %mul3A_4, %add3A_6 : i32
    "tpu.region"() ({
      %run_scoped3A = tpu.sem_alloc : memref<!tpu.dma_semaphore, #tpu.memory_space<semaphore_mem>>
      %dma_start3A_111 = arith.constant 0 : i32
      %dma_start3A_112 = tpu.memref_slice %arg12[%add3A_7, %dma_start3A_111] : memref<10240x64xf32, #tpu.memory_space<vmem_shared>> -> memref<128x64xf32, #tpu.memory_space<vmem_shared>>
      %dma_start3A_113 = arith.constant 0 : i32
      %dma_start3A_114 = tpu.memref_slice %arg12[%add3A_7, %dma_start3A_113] : memref<10240x64xf32, #tpu.memory_space<vmem_shared>> -> memref<128x64xf32, #tpu.memory_space<vmem_shared>>
      tpu.enqueue_dma source(%arg8 : memref<128x64xf32, #tpu.memory_space<vmem>>) target(%dma_start3A_114 : memref<128x64xf32, #tpu.memory_space<vmem_shared>>) target_semaphore(%run_scoped3A : memref<!tpu.dma_semaphore, #tpu.memory_space<semaphore_mem>>)
      %dma_wait3A_115 = arith.constant 0 : i32
      %dma_wait3A_116 = tpu.memref_slice %arg12[%add3A_7, %dma_wait3A_115] : memref<10240x64xf32, #tpu.memory_space<vmem_shared>> -> memref<128x64xf32, #tpu.memory_space<vmem_shared>>
      %dma_wait3A_117 = arith.constant 0 : i32
      %dma_wait3A_118 = tpu.memref_slice %arg12[%add3A_7, %dma_wait3A_117] : memref<10240x64xf32, #tpu.memory_space<vmem_shared>> -> memref<128x64xf32, #tpu.memory_space<vmem_shared>>
      tpu.wait_dma2 semaphore(%run_scoped3A : memref<!tpu.dma_semaphore, #tpu.memory_space<semaphore_mem>>) src(%arg8 : memref<128x64xf32, #tpu.memory_space<vmem>>) dst(%dma_wait3A_118 : memref<128x64xf32, #tpu.memory_space<vmem_shared>>)
      tpu.yield
    }) : () -> ()
    %add3A_8 = arith.constant 256 : i32
    %add3A_9 = arith.addi %mul3A_4, %add3A_8 : i32
    "tpu.region"() ({
      %run_scoped3A = tpu.sem_alloc : memref<!tpu.dma_semaphore, #tpu.memory_space<semaphore_mem>>
      %dma_start3A_111 = arith.constant 0 : i32
      %dma_start3A_112 = tpu.memref_slice %arg12[%add3A_9, %dma_start3A_111] : memref<10240x64xf32, #tpu.memory_space<vmem_shared>> -> memref<128x64xf32, #tpu.memory_space<vmem_shared>>
      %dma_start3A_113 = arith.constant 0 : i32
      %dma_start3A_114 = tpu.memref_slice %arg12[%add3A_9, %dma_start3A_113] : memref<10240x64xf32, #tpu.memory_space<vmem_shared>> -> memref<128x64xf32, #tpu.memory_space<vmem_shared>>
      tpu.enqueue_dma source(%arg8 : memref<128x64xf32, #tpu.memory_space<vmem>>) target(%dma_start3A_114 : memref<128x64xf32, #tpu.memory_space<vmem_shared>>) target_semaphore(%run_scoped3A : memref<!tpu.dma_semaphore, #tpu.memory_space<semaphore_mem>>)
      %dma_wait3A_115 = arith.constant 0 : i32
      %dma_wait3A_116 = tpu.memref_slice %arg12[%add3A_9, %dma_wait3A_115] : memref<10240x64xf32, #tpu.memory_space<vmem_shared>> -> memref<128x64xf32, #tpu.memory_space<vmem_shared>>
      %dma_wait3A_117 = arith.constant 0 : i32
      %dma_wait3A_118 = tpu.memref_slice %arg12[%add3A_9, %dma_wait3A_117] : memref<10240x64xf32, #tpu.memory_space<vmem_shared>> -> memref<128x64xf32, #tpu.memory_space<vmem_shared>>
      tpu.wait_dma2 semaphore(%run_scoped3A : memref<!tpu.dma_semaphore, #tpu.memory_space<semaphore_mem>>) src(%arg8 : memref<128x64xf32, #tpu.memory_space<vmem>>) dst(%dma_wait3A_118 : memref<128x64xf32, #tpu.memory_space<vmem_shared>>)
      tpu.yield
    }) : () -> ()
    %add3A_10 = arith.constant 384 : i32
    %add3A_11 = arith.addi %mul3A_4, %add3A_10 : i32
    "tpu.region"() ({
      %run_scoped3A = tpu.sem_alloc : memref<!tpu.dma_semaphore, #tpu.memory_space<semaphore_mem>>
      %dma_start3A_111 = arith.constant 0 : i32
      %dma_start3A_112 = tpu.memref_slice %arg12[%add3A_11, %dma_start3A_111] : memref<10240x64xf32, #tpu.memory_space<vmem_shared>> -> memref<128x64xf32, #tpu.memory_space<vmem_shared>>
      %dma_start3A_113 = arith.constant 0 : i32
      %dma_start3A_114 = tpu.memref_slice %arg12[%add3A_11, %dma_start3A_113] : memref<10240x64xf32, #tpu.memory_space<vmem_shared>> -> memref<128x64xf32, #tpu.memory_space<vmem_shared>>
      tpu.enqueue_dma source(%arg8 : memref<128x64xf32, #tpu.memory_space<vmem>>) target(%dma_start3A_114 : memref<128x64xf32, #tpu.memory_space<vmem_shared>>) target_semaphore(%run_scoped3A : memref<!tpu.dma_semaphore, #tpu.memory_space<semaphore_mem>>)
      %dma_wait3A_115 = arith.constant 0 : i32
      %dma_wait3A_116 = tpu.memref_slice %arg12[%add3A_11, %dma_wait3A_115] : memref<10240x64xf32, #tpu.memory_space<vmem_shared>> -> memref<128x64xf32, #tpu.memory_space<vmem_shared>>
      %dma_wait3A_117 = arith.constant 0 : i32
      %dma_wait3A_118 = tpu.memref_slice %arg12[%add3A_11, %dma_wait3A_117] : memref<10240x64xf32, #tpu.memory_space<vmem_shared>> -> memref<128x64xf32, #tpu.memory_space<vmem_shared>>
      tpu.wait_dma2 semaphore(%run_scoped3A : memref<!tpu.dma_semaphore, #tpu.memory_space<semaphore_mem>>) src(%arg8 : memref<128x64xf32, #tpu.memory_space<vmem>>) dst(%dma_wait3A_118 : memref<128x64xf32, #tpu.memory_space<vmem_shared>>)
      tpu.yield
    }) : () -> ()
    %add3A_12 = arith.constant 512 : i32
    %add3A_13 = arith.addi %mul3A_4, %add3A_12 : i32
    "tpu.region"() ({
      %run_scoped3A = tpu.sem_alloc : memref<!tpu.dma_semaphore, #tpu.memory_space<semaphore_mem>>
      %dma_start3A_111 = arith.constant 0 : i32
      %dma_start3A_112 = tpu.memref_slice %arg12[%add3A_13, %dma_start3A_111] : memref<10240x64xf32, #tpu.memory_space<vmem_shared>> -> memref<128x64xf32, #tpu.memory_space<vmem_shared>>
      %dma_start3A_113 = arith.constant 0 : i32
      %dma_start3A_114 = tpu.memref_slice %arg12[%add3A_13, %dma_start3A_113] : memref<10240x64xf32, #tpu.memory_space<vmem_shared>> -> memref<128x64xf32, #tpu.memory_space<vmem_shared>>
      tpu.enqueue_dma source(%arg8 : memref<128x64xf32, #tpu.memory_space<vmem>>) target(%dma_start3A_114 : memref<128x64xf32, #tpu.memory_space<vmem_shared>>) target_semaphore(%run_scoped3A : memref<!tpu.dma_semaphore, #tpu.memory_space<semaphore_mem>>)
      %dma_wait3A_115 = arith.constant 0 : i32
      %dma_wait3A_116 = tpu.memref_slice %arg12[%add3A_13, %dma_wait3A_115] : memref<10240x64xf32, #tpu.memory_space<vmem_shared>> -> memref<128x64xf32, #tpu.memory_space<vmem_shared>>
      %dma_wait3A_117 = arith.constant 0 : i32
      %dma_wait3A_118 = tpu.memref_slice %arg12[%add3A_13, %dma_wait3A_117] : memref<10240x64xf32, #tpu.memory_space<vmem_shared>> -> memref<128x64xf32, #tpu.memory_space<vmem_shared>>
      tpu.wait_dma2 semaphore(%run_scoped3A : memref<!tpu.dma_semaphore, #tpu.memory_space<semaphore_mem>>) src(%arg8 : memref<128x64xf32, #tpu.memory_space<vmem>>) dst(%dma_wait3A_118 : memref<128x64xf32, #tpu.memory_space<vmem_shared>>)
      tpu.yield
    }) : () -> ()
    %barrier3A = arith.constant 0 : index
    tpu.barrier barrier_id(%barrier3A)
    %scan3A_14 = arith.constant 0 : i32
    %scan3A_15 = arith.constant 160 : i32
    %scan3A_16 = arith.addi %scan3A_14, %scan3A_15 : i32
    %scan3A_17 = arith.constant 1 : i32
    scf.for %scan3A_111 = %scan3A_14 to %scan3A_16 step %scan3A_17  : i32 {
      %mul3A_112 = arith.constant 1 : i32
      %mul3A_113 = arith.muli %scan3A_111, %mul3A_112 : i32
      %add3A_114 = arith.constant 0 : i32
      %add3A_115 = arith.addi %add3A_114, %mul3A_113 : i32
      %iota3A = tpu.iota {dimensions = array<i32: 0>} : vector<16xi32>
      %mul3A_116 = arith.constant 128 : i32
      %mul3A_117 = arith.muli %add3A_115, %mul3A_116 : i32
      %add3A_118 = vector.broadcast %mul3A_117 : i32 to vector<16xi32>
      %add3A_119 = arith.addi %iota3A, %add3A_118 : vector<16xi32>
      %add3A_120 = arith.constant 0 : i32
      %add3A_121 = vector.broadcast %add3A_120 : i32 to vector<16xi32>
      %add3A_122 = arith.addi %add3A_119, %add3A_121 : vector<16xi32>
      %ge3A = arith.constant 10240 : i32
      %ge3A_123 = vector.broadcast %ge3A : i32 to vector<16xi32>
      %ge3A_124 = arith.cmpi sge, %add3A_122, %ge3A_123 : vector<16xi32>
      %sub3A = arith.constant 10240 : i32
      %sub3A_125 = vector.broadcast %sub3A : i32 to vector<16xi32>
      %sub3A_126 = arith.subi %add3A_122, %sub3A_125 : vector<16xi32>
      %select_n3A = arith.select %ge3A_124, %sub3A_126, %add3A_122 : vector<16xi1>, vector<16xi32>
      %swap3A = arith.index_cast %add3A_115 : i32 to index
      %swap3A_127 = arith.constant 0 : index
      %swap3A_128 = tpu.vector_load %arg6[%swap3A, %swap3A_127] {strides = array<i32>} : memref<160x128xi32, #tpu.memory_space<vmem>>, vector<1x16xi32>,
      %swap3A_129 = vector.shape_cast %swap3A_128 : vector<1x16xi32> to vector<16xi32>
      %swap3A_130 = vector.shape_cast %select_n3A : vector<16xi32> to vector<1x16xi32>
      tpu.vector_store %arg6[%swap3A, %swap3A_127], %swap3A_130 {strides = array<i32>} : memref<160x128xi32, #tpu.memory_space<vmem>>, vector<1x16xi32>,
      %iota3A_131 = tpu.iota {dimensions = array<i32: 0>} : vector<16xi32>
      %mul3A_132 = arith.constant 128 : i32
      %mul3A_133 = arith.muli %add3A_115, %mul3A_132 : i32
      %add3A_134 = vector.broadcast %mul3A_133 : i32 to vector<16xi32>
      %add3A_135 = arith.addi %iota3A_131, %add3A_134 : vector<16xi32>
      %add3A_136 = arith.constant 16 : i32
      %add3A_137 = vector.broadcast %add3A_136 : i32 to vector<16xi32>
      %add3A_138 = arith.addi %add3A_135, %add3A_137 : vector<16xi32>
      %ge3A_139 = arith.constant 10240 : i32
      %ge3A_140 = vector.broadcast %ge3A_139 : i32 to vector<16xi32>
      %ge3A_141 = arith.cmpi sge, %add3A_138, %ge3A_140 : vector<16xi32>
      %sub3A_142 = arith.constant 10240 : i32
      %sub3A_143 = vector.broadcast %sub3A_142 : i32 to vector<16xi32>
      %sub3A_144 = arith.subi %add3A_138, %sub3A_143 : vector<16xi32>
      %select_n3A_145 = arith.select %ge3A_141, %sub3A_144, %add3A_138 : vector<16xi1>, vector<16xi32>
      %swap3A_146 = arith.index_cast %add3A_115 : i32 to index
      %swap3A_147 = arith.constant 16 : index
      %swap3A_148 = tpu.vector_load %arg6[%swap3A_146, %swap3A_147] {strides = array<i32>} : memref<160x128xi32, #tpu.memory_space<vmem>>, vector<1x16xi32>,
      %swap3A_149 = vector.shape_cast %swap3A_148 : vector<1x16xi32> to vector<16xi32>
      %swap3A_150 = vector.shape_cast %select_n3A_145 : vector<16xi32> to vector<1x16xi32>
      tpu.vector_store %arg6[%swap3A_146, %swap3A_147], %swap3A_150 {strides = array<i32>} : memref<160x128xi32, #tpu.memory_space<vmem>>, vector<1x16xi32>,
      %iota3A_151 = tpu.iota {dimensions = array<i32: 0>} : vector<16xi32>
      %mul3A_152 = arith.constant 128 : i32
      %mul3A_153 = arith.muli %add3A_115, %mul3A_152 : i32
      %add3A_154 = vector.broadcast %mul3A_153 : i32 to vector<16xi32>
      %add3A_155 = arith.addi %iota3A_151, %add3A_154 : vector<16xi32>
      %add3A_156 = arith.constant 32 : i32
      %add3A_157 = vector.broadcast %add3A_156 : i32 to vector<16xi32>
      %add3A_158 = arith.addi %add3A_155, %add3A_157 : vector<16xi32>
      %ge3A_159 = arith.constant 10240 : i32
      %ge3A_160 = vector.broadcast %ge3A_159 : i32 to vector<16xi32>
      %ge3A_161 = arith.cmpi sge, %add3A_158, %ge3A_160 : vector<16xi32>
      %sub3A_162 = arith.constant 10240 : i32
      %sub3A_163 = vector.broadcast %sub3A_162 : i32 to vector<16xi32>
      %sub3A_164 = arith.subi %add3A_158, %sub3A_163 : vector<16xi32>
      %select_n3A_165 = arith.select %ge3A_161, %sub3A_164, %add3A_158 : vector<16xi1>, vector<16xi32>
      %swap3A_166 = arith.index_cast %add3A_115 : i32 to index
      %swap3A_167 = arith.constant 32 : index
      %swap3A_168 = tpu.vector_load %arg6[%swap3A_166, %swap3A_167] {strides = array<i32>} : memref<160x128xi32, #tpu.memory_space<vmem>>, vector<1x16xi32>,
      %swap3A_169 = vector.shape_cast %swap3A_168 : vector<1x16xi32> to vector<16xi32>
      %swap3A_170 = vector.shape_cast %select_n3A_165 : vector<16xi32> to vector<1x16xi32>
      tpu.vector_store %arg6[%swap3A_166, %swap3A_167], %swap3A_170 {strides = array<i32>} : memref<160x128xi32, #tpu.memory_space<vmem>>, vector<1x16xi32>,
      %iota3A_171 = tpu.iota {dimensions = array<i32: 0>} : vector<16xi32>
      %mul3A_172 = arith.constant 128 : i32
      %mul3A_173 = arith.muli %add3A_115, %mul3A_172 : i32
      %add3A_174 = vector.broadcast %mul3A_173 : i32 to vector<16xi32>
      %add3A_175 = arith.addi %iota3A_171, %add3A_174 : vector<16xi32>
      %add3A_176 = arith.constant 48 : i32
      %add3A_177 = vector.broadcast %add3A_176 : i32 to vector<16xi32>
      %add3A_178 = arith.addi %add3A_175, %add3A_177 : vector<16xi32>
      %ge3A_179 = arith.constant 10240 : i32
      %ge3A_180 = vector.broadcast %ge3A_179 : i32 to vector<16xi32>
      %ge3A_181 = arith.cmpi sge, %add3A_178, %ge3A_180 : vector<16xi32>
      %sub3A_182 = arith.constant 10240 : i32
      %sub3A_183 = vector.broadcast %sub3A_182 : i32 to vector<16xi32>
      %sub3A_184 = arith.subi %add3A_178, %sub3A_183 : vector<16xi32>
      %select_n3A_185 = arith.select %ge3A_181, %sub3A_184, %add3A_178 : vector<16xi1>, vector<16xi32>
      %swap3A_186 = arith.index_cast %add3A_115 : i32 to index
      %swap3A_187 = arith.constant 48 : index
      %swap3A_188 = tpu.vector_load %arg6[%swap3A_186, %swap3A_187] {strides = array<i32>} : memref<160x128xi32, #tpu.memory_space<vmem>>, vector<1x16xi32>,
      %swap3A_189 = vector.shape_cast %swap3A_188 : vector<1x16xi32> to vector<16xi32>
      %swap3A_190 = vector.shape_cast %select_n3A_185 : vector<16xi32> to vector<1x16xi32>
      tpu.vector_store %arg6[%swap3A_186, %swap3A_187], %swap3A_190 {strides = array<i32>} : memref<160x128xi32, #tpu.memory_space<vmem>>, vector<1x16xi32>,
      %iota3A_191 = tpu.iota {dimensions = array<i32: 0>} : vector<16xi32>
      %mul3A_192 = arith.constant 128 : i32
      %mul3A_193 = arith.muli %add3A_115, %mul3A_192 : i32
      %add3A_194 = vector.broadcast %mul3A_193 : i32 to vector<16xi32>
      %add3A_195 = arith.addi %iota3A_191, %add3A_194 : vector<16xi32>
      %add3A_196 = arith.constant 64 : i32
      %add3A_197 = vector.broadcast %add3A_196 : i32 to vector<16xi32>
      %add3A_198 = arith.addi %add3A_195, %add3A_197 : vector<16xi32>
      %ge3A_199 = arith.constant 10240 : i32
      %ge3A_200 = vector.broadcast %ge3A_199 : i32 to vector<16xi32>
      %ge3A_201 = arith.cmpi sge, %add3A_198, %ge3A_200 : vector<16xi32>
      %sub3A_202 = arith.constant 10240 : i32
      %sub3A_203 = vector.broadcast %sub3A_202 : i32 to vector<16xi32>
      %sub3A_204 = arith.subi %add3A_198, %sub3A_203 : vector<16xi32>
      %select_n3A_205 = arith.select %ge3A_201, %sub3A_204, %add3A_198 : vector<16xi1>, vector<16xi32>
      %swap3A_206 = arith.index_cast %add3A_115 : i32 to index
      %swap3A_207 = arith.constant 64 : index
      %swap3A_208 = tpu.vector_load %arg6[%swap3A_206, %swap3A_207] {strides = array<i32>} : memref<160x128xi32, #tpu.memory_space<vmem>>, vector<1x16xi32>,
      %swap3A_209 = vector.shape_cast %swap3A_208 : vector<1x16xi32> to vector<16xi32>
      %swap3A_210 = vector.shape_cast %select_n3A_205 : vector<16xi32> to vector<1x16xi32>
      tpu.vector_store %arg6[%swap3A_206, %swap3A_207], %swap3A_210 {strides = array<i32>} : memref<160x128xi32, #tpu.memory_space<vmem>>, vector<1x16xi32>,
      %iota3A_211 = tpu.iota {dimensions = array<i32: 0>} : vector<16xi32>
      %mul3A_212 = arith.constant 128 : i32
      %mul3A_213 = arith.muli %add3A_115, %mul3A_212 : i32
      %add3A_214 = vector.broadcast %mul3A_213 : i32 to vector<16xi32>
      %add3A_215 = arith.addi %iota3A_211, %add3A_214 : vector<16xi32>
      %add3A_216 = arith.constant 80 : i32
      %add3A_217 = vector.broadcast %add3A_216 : i32 to vector<16xi32>
      %add3A_218 = arith.addi %add3A_215, %add3A_217 : vector<16xi32>
      %ge3A_219 = arith.constant 10240 : i32
      %ge3A_220 = vector.broadcast %ge3A_219 : i32 to vector<16xi32>
      %ge3A_221 = arith.cmpi sge, %add3A_218, %ge3A_220 : vector<16xi32>
      %sub3A_222 = arith.constant 10240 : i32
      %sub3A_223 = vector.broadcast %sub3A_222 : i32 to vector<16xi32>
      %sub3A_224 = arith.subi %add3A_218, %sub3A_223 : vector<16xi32>
      %select_n3A_225 = arith.select %ge3A_221, %sub3A_224, %add3A_218 : vector<16xi1>, vector<16xi32>
      %swap3A_226 = arith.index_cast %add3A_115 : i32 to index
      %swap3A_227 = arith.constant 80 : index
      %swap3A_228 = tpu.vector_load %arg6[%swap3A_226, %swap3A_227] {strides = array<i32>} : memref<160x128xi32, #tpu.memory_space<vmem>>, vector<1x16xi32>,
      %swap3A_229 = vector.shape_cast %swap3A_228 : vector<1x16xi32> to vector<16xi32>
      %swap3A_230 = vector.shape_cast %select_n3A_225 : vector<16xi32> to vector<1x16xi32>
      tpu.vector_store %arg6[%swap3A_226, %swap3A_227], %swap3A_230 {strides = array<i32>} : memref<160x128xi32, #tpu.memory_space<vmem>>, vector<1x16xi32>,
      %iota3A_231 = tpu.iota {dimensions = array<i32: 0>} : vector<16xi32>
      %mul3A_232 = arith.constant 128 : i32
      %mul3A_233 = arith.muli %add3A_115, %mul3A_232 : i32
      %add3A_234 = vector.broadcast %mul3A_233 : i32 to vector<16xi32>
      %add3A_235 = arith.addi %iota3A_231, %add3A_234 : vector<16xi32>
      %add3A_236 = arith.constant 96 : i32
      %add3A_237 = vector.broadcast %add3A_236 : i32 to vector<16xi32>
      %add3A_238 = arith.addi %add3A_235, %add3A_237 : vector<16xi32>
      %ge3A_239 = arith.constant 10240 : i32
      %ge3A_240 = vector.broadcast %ge3A_239 : i32 to vector<16xi32>
      %ge3A_241 = arith.cmpi sge, %add3A_238, %ge3A_240 : vector<16xi32>
      %sub3A_242 = arith.constant 10240 : i32
      %sub3A_243 = vector.broadcast %sub3A_242 : i32 to vector<16xi32>
      %sub3A_244 = arith.subi %add3A_238, %sub3A_243 : vector<16xi32>
      %select_n3A_245 = arith.select %ge3A_241, %sub3A_244, %add3A_238 : vector<16xi1>, vector<16xi32>
      %swap3A_246 = arith.index_cast %add3A_115 : i32 to index
      %swap3A_247 = arith.constant 96 : index
      %swap3A_248 = tpu.vector_load %arg6[%swap3A_246, %swap3A_247] {strides = array<i32>} : memref<160x128xi32, #tpu.memory_space<vmem>>, vector<1x16xi32>,
      %swap3A_249 = vector.shape_cast %swap3A_248 : vector<1x16xi32> to vector<16xi32>
      %swap3A_250 = vector.shape_cast %select_n3A_245 : vector<16xi32> to vector<1x16xi32>
      tpu.vector_store %arg6[%swap3A_246, %swap3A_247], %swap3A_250 {strides = array<i32>} : memref<160x128xi32, #tpu.memory_space<vmem>>, vector<1x16xi32>,
      %iota3A_251 = tpu.iota {dimensions = array<i32: 0>} : vector<16xi32>
      %mul3A_252 = arith.constant 128 : i32
      %mul3A_253 = arith.muli %add3A_115, %mul3A_252 : i32
      %add3A_254 = vector.broadcast %mul3A_253 : i32 to vector<16xi32>
      %add3A_255 = arith.addi %iota3A_251, %add3A_254 : vector<16xi32>
      %add3A_256 = arith.constant 112 : i32
      %add3A_257 = vector.broadcast %add3A_256 : i32 to vector<16xi32>
      %add3A_258 = arith.addi %add3A_255, %add3A_257 : vector<16xi32>
      %ge3A_259 = arith.constant 10240 : i32
      %ge3A_260 = vector.broadcast %ge3A_259 : i32 to vector<16xi32>
      %ge3A_261 = arith.cmpi sge, %add3A_258, %ge3A_260 : vector<16xi32>
      %sub3A_262 = arith.constant 10240 : i32
      %sub3A_263 = vector.broadcast %sub3A_262 : i32 to vector<16xi32>
      %sub3A_264 = arith.subi %add3A_258, %sub3A_263 : vector<16xi32>
      %select_n3A_265 = arith.select %ge3A_261, %sub3A_264, %add3A_258 : vector<16xi1>, vector<16xi32>
      %swap3A_266 = arith.index_cast %add3A_115 : i32 to index
      %swap3A_267 = arith.constant 112 : index
      %swap3A_268 = tpu.vector_load %arg6[%swap3A_266, %swap3A_267] {strides = array<i32>} : memref<160x128xi32, #tpu.memory_space<vmem>>, vector<1x16xi32>,
      %swap3A_269 = vector.shape_cast %swap3A_268 : vector<1x16xi32> to vector<16xi32>
      %swap3A_270 = vector.shape_cast %select_n3A_265 : vector<16xi32> to vector<1x16xi32>
      tpu.vector_store %arg6[%swap3A_266, %swap3A_267], %swap3A_270 {strides = array<i32>} : memref<160x128xi32, #tpu.memory_space<vmem>>, vector<1x16xi32>,
    }
    %scan3A_18 = arith.constant 160 : i32
    %dma_start3A = arith.constant 0 : i32
    %dma_start3A_19 = arith.constant 0 : i32
    %dma_start3A_20 = tpu.memref_slice %arg6[%dma_start3A, %dma_start3A_19] : memref<160x128xi32, #tpu.memory_space<vmem>> -> memref<1x128xi32, #tpu.memory_space<vmem>>
    %dma_start3A_21 = tpu.memref_squeeze %dma_start3A_20 : memref<1x128xi32, #tpu.memory_space<vmem>> -> memref<128xi32, #tpu.memory_space<vmem>>
    %dma_start3A_22 = arith.constant 0 : i32
    %dma_start3A_23 = arith.constant 0 : i32
    %dma_start3A_24 = tpu.memref_slice %arg2[%arg0, %dma_start3A_22, %dma_start3A_23] : memref<2x10240x64xf32, #tpu.memory_space<hbm>> -> memref<1x10240x64xf32, #tpu.memory_space<hbm>>
    %dma_start3A_25 = tpu.memref_squeeze %dma_start3A_24 : memref<1x10240x64xf32, #tpu.memory_space<hbm>> -> memref<10240x64xf32, #tpu.memory_space<hbm>>
    %dma_start3A_26 = arith.constant 0 : i32
    %dma_start3A_27 = arith.constant 0 : i32
    %dma_start3A_28 = tpu.memref_slice %dma_start3A_25[%dma_start3A_26, %dma_start3A_27] : memref<10240x64xf32, #tpu.memory_space<hbm>> -> memref<10240x64xf32, #tpu.memory_space<hbm>>
    tpu.enqueue_indirect_dma source(%dma_start3A_28 : memref<10240x64xf32, #tpu.memory_space<hbm>>) target(%arg8 : memref<128x64xf32, #tpu.memory_space<vmem>>) offsets(%dma_start3A_21 : memref<128xi32, #tpu.memory_space<vmem>>) semaphore(%arg13 : memref<!tpu.dma_semaphore, #tpu.memory_space<semaphore_mem>>)
    %dma_start3A_29 = arith.constant 1 : i32
    %dma_start3A_30 = arith.constant 0 : i32
    %dma_start3A_31 = tpu.memref_slice %arg6[%dma_start3A_29, %dma_start3A_30] : memref<160x128xi32, #tpu.memory_space<vmem>> -> memref<1x128xi32, #tpu.memory_space<vmem>>
    %dma_start3A_32 = tpu.memref_squeeze %dma_start3A_31 : memref<1x128xi32, #tpu.memory_space<vmem>> -> memref<128xi32, #tpu.memory_space<vmem>>
    %dma_start3A_33 = arith.constant 0 : i32
    %dma_start3A_34 = arith.constant 0 : i32
    %dma_start3A_35 = tpu.memref_slice %arg2[%arg0, %dma_start3A_33, %dma_start3A_34] : memref<2x10240x64xf32, #tpu.memory_space<hbm>> -> memref<1x10240x64xf32, #tpu.memory_space<hbm>>
    %dma_start3A_36 = tpu.memref_squeeze %dma_start3A_35 : memref<1x10240x64xf32, #tpu.memory_space<hbm>> -> memref<10240x64xf32, #tpu.memory_space<hbm>>
    %dma_start3A_37 = arith.constant 0 : i32
    %dma_start3A_38 = arith.constant 0 : i32
    %dma_start3A_39 = tpu.memref_slice %dma_start3A_36[%dma_start3A_37, %dma_start3A_38] : memref<10240x64xf32, #tpu.memory_space<hbm>> -> memref<10240x64xf32, #tpu.memory_space<hbm>>
    tpu.enqueue_indirect_dma source(%dma_start3A_39 : memref<10240x64xf32, #tpu.memory_space<hbm>>) target(%arg9 : memref<128x64xf32, #tpu.memory_space<vmem>>) offsets(%dma_start3A_32 : memref<128xi32, #tpu.memory_space<vmem>>) semaphore(%arg14 : memref<!tpu.dma_semaphore, #tpu.memory_space<semaphore_mem>>)
    %dma_start3A_40 = arith.constant 2 : i32
    %dma_start3A_41 = arith.constant 0 : i32
    %dma_start3A_42 = tpu.memref_slice %arg6[%dma_start3A_40, %dma_start3A_41] : memref<160x128xi32, #tpu.memory_space<vmem>> -> memref<1x128xi32, #tpu.memory_space<vmem>>
    %dma_start3A_43 = tpu.memref_squeeze %dma_start3A_42 : memref<1x128xi32, #tpu.memory_space<vmem>> -> memref<128xi32, #tpu.memory_space<vmem>>
    %dma_start3A_44 = arith.constant 0 : i32
    %dma_start3A_45 = arith.constant 0 : i32
    %dma_start3A_46 = tpu.memref_slice %arg2[%arg0, %dma_start3A_44, %dma_start3A_45] : memref<2x10240x64xf32, #tpu.memory_space<hbm>> -> memref<1x10240x64xf32, #tpu.memory_space<hbm>>
    %dma_start3A_47 = tpu.memref_squeeze %dma_start3A_46 : memref<1x10240x64xf32, #tpu.memory_space<hbm>> -> memref<10240x64xf32, #tpu.memory_space<hbm>>
    %dma_start3A_48 = arith.constant 0 : i32
    %dma_start3A_49 = arith.constant 0 : i32
    %dma_start3A_50 = tpu.memref_slice %dma_start3A_47[%dma_start3A_48, %dma_start3A_49] : memref<10240x64xf32, #tpu.memory_space<hbm>> -> memref<10240x64xf32, #tpu.memory_space<hbm>>
    tpu.enqueue_indirect_dma source(%dma_start3A_50 : memref<10240x64xf32, #tpu.memory_space<hbm>>) target(%arg10 : memref<128x64xf32, #tpu.memory_space<vmem>>) offsets(%dma_start3A_43 : memref<128xi32, #tpu.memory_space<vmem>>) semaphore(%arg15 : memref<!tpu.dma_semaphore, #tpu.memory_space<semaphore_mem>>)
    %dma_start3A_51 = arith.constant 3 : i32
    %dma_start3A_52 = arith.constant 0 : i32
    %dma_start3A_53 = tpu.memref_slice %arg6[%dma_start3A_51, %dma_start3A_52] : memref<160x128xi32, #tpu.memory_space<vmem>> -> memref<1x128xi32, #tpu.memory_space<vmem>>
    %dma_start3A_54 = tpu.memref_squeeze %dma_start3A_53 : memref<1x128xi32, #tpu.memory_space<vmem>> -> memref<128xi32, #tpu.memory_space<vmem>>
    %dma_start3A_55 = arith.constant 0 : i32
    %dma_start3A_56 = arith.constant 0 : i32
    %dma_start3A_57 = tpu.memref_slice %arg2[%arg0, %dma_start3A_55, %dma_start3A_56] : memref<2x10240x64xf32, #tpu.memory_space<hbm>> -> memref<1x10240x64xf32, #tpu.memory_space<hbm>>
    %dma_start3A_58 = tpu.memref_squeeze %dma_start3A_57 : memref<1x10240x64xf32, #tpu.memory_space<hbm>> -> memref<10240x64xf32, #tpu.memory_space<hbm>>
    %dma_start3A_59 = arith.constant 0 : i32
    %dma_start3A_60 = arith.constant 0 : i32
    %dma_start3A_61 = tpu.memref_slice %dma_start3A_58[%dma_start3A_59, %dma_start3A_60] : memref<10240x64xf32, #tpu.memory_space<hbm>> -> memref<10240x64xf32, #tpu.memory_space<hbm>>
    tpu.enqueue_indirect_dma source(%dma_start3A_61 : memref<10240x64xf32, #tpu.memory_space<hbm>>) target(%arg11 : memref<128x64xf32, #tpu.memory_space<vmem>>) offsets(%dma_start3A_54 : memref<128xi32, #tpu.memory_space<vmem>>) semaphore(%arg16 : memref<!tpu.dma_semaphore, #tpu.memory_space<semaphore_mem>>)
    %scan3A_62 = arith.constant 0 : i32
    %scan3A_63 = arith.constant 39 : i32
    %scan3A_64 = arith.addi %scan3A_62, %scan3A_63 : i32
    %scan3A_65 = arith.constant 1 : i32
    scf.for %scan3A_111 = %scan3A_62 to %scan3A_64 step %scan3A_65  : i32 {
      %mul3A_112 = arith.constant 4 : i32
      %mul3A_113 = arith.muli %scan3A_111, %mul3A_112 : i32
      %add3A_114 = arith.constant 4 : i32
      %add3A_115 = arith.addi %add3A_114, %mul3A_113 : i32
      %dma_wait3A_116 = arith.constant 0 : i32
      %dma_wait3A_117 = arith.constant 0 : i32
      %dma_wait3A_118 = tpu.memref_slice %arg6[%dma_wait3A_116, %dma_wait3A_117] : memref<160x128xi32, #tpu.memory_space<vmem>> -> memref<1x128xi32, #tpu.memory_space<vmem>>
      %dma_wait3A_119 = tpu.memref_squeeze %dma_wait3A_118 : memref<1x128xi32, #tpu.memory_space<vmem>> -> memref<128xi32, #tpu.memory_space<vmem>>
      %dma_wait3A_120 = arith.constant 0 : i32
      %dma_wait3A_121 = arith.constant 0 : i32
      %dma_wait3A_122 = tpu.memref_slice %arg2[%arg0, %dma_wait3A_120, %dma_wait3A_121] : memref<2x10240x64xf32, #tpu.memory_space<hbm>> -> memref<1x10240x64xf32, #tpu.memory_space<hbm>>
      %dma_wait3A_123 = tpu.memref_squeeze %dma_wait3A_122 : memref<1x10240x64xf32, #tpu.memory_space<hbm>> -> memref<10240x64xf32, #tpu.memory_space<hbm>>
      %dma_wait3A_124 = arith.constant 0 : i32
      %dma_wait3A_125 = arith.constant 0 : i32
      %dma_wait3A_126 = tpu.memref_slice %dma_wait3A_123[%dma_wait3A_124, %dma_wait3A_125] : memref<10240x64xf32, #tpu.memory_space<hbm>> -> memref<10240x64xf32, #tpu.memory_space<hbm>>
      tpu.wait_indirect_dma semaphore(%arg13 : memref<!tpu.dma_semaphore, #tpu.memory_space<semaphore_mem>>) src(%dma_wait3A_126 : memref<10240x64xf32, #tpu.memory_space<hbm>>) dst(%arg8 : memref<128x64xf32, #tpu.memory_space<vmem>>)
      %sub3A = arith.constant 4 : i32
      %sub3A_127 = arith.subi %add3A_115, %sub3A : i32
      %add3A_128 = arith.constant 0 : i32
      %add3A_129 = arith.addi %sub3A_127, %add3A_128 : i32
      %dma_wait3A_130 = arith.constant 0 : i32
      %dma_wait3A_131 = arith.constant 0 : i32
      %dma_wait3A_132 = tpu.memref_slice %arg6[%dma_wait3A_130, %dma_wait3A_131] : memref<160x128xi32, #tpu.memory_space<vmem>> -> memref<1x128xi32, #tpu.memory_space<vmem>>
      %dma_wait3A_133 = tpu.memref_squeeze %dma_wait3A_132 : memref<1x128xi32, #tpu.memory_space<vmem>> -> memref<128xi32, #tpu.memory_space<vmem>>
      %dma_wait3A_134 = arith.constant 0 : i32
      %dma_wait3A_135 = arith.constant 0 : i32
      %dma_wait3A_136 = tpu.memref_slice %arg2[%arg0, %dma_wait3A_134, %dma_wait3A_135] : memref<2x10240x64xf32, #tpu.memory_space<hbm>> -> memref<1x10240x64xf32, #tpu.memory_space<hbm>>
      %dma_wait3A_137 = tpu.memref_squeeze %dma_wait3A_136 : memref<1x10240x64xf32, #tpu.memory_space<hbm>> -> memref<10240x64xf32, #tpu.memory_space<hbm>>
      %dma_wait3A_138 = arith.constant 0 : i32
      %dma_wait3A_139 = arith.constant 0 : i32
      %dma_wait3A_140 = tpu.memref_slice %dma_wait3A_137[%dma_wait3A_138, %dma_wait3A_139] : memref<10240x64xf32, #tpu.memory_space<hbm>> -> memref<10240x64xf32, #tpu.memory_space<hbm>>
      tpu.wait_indirect_dma semaphore(%arg14 : memref<!tpu.dma_semaphore, #tpu.memory_space<semaphore_mem>>) src(%dma_wait3A_140 : memref<10240x64xf32, #tpu.memory_space<hbm>>) dst(%arg9 : memref<128x64xf32, #tpu.memory_space<vmem>>)
      %sub3A_141 = arith.constant 4 : i32
      %sub3A_142 = arith.subi %add3A_115, %sub3A_141 : i32
      %add3A_143 = arith.constant 1 : i32
      %add3A_144 = arith.addi %sub3A_142, %add3A_143 : i32
      %dma_wait3A_145 = arith.constant 0 : i32
      %dma_wait3A_146 = arith.constant 0 : i32
      %dma_wait3A_147 = tpu.memref_slice %arg6[%dma_wait3A_145, %dma_wait3A_146] : memref<160x128xi32, #tpu.memory_space<vmem>> -> memref<1x128xi32, #tpu.memory_space<vmem>>
      %dma_wait3A_148 = tpu.memref_squeeze %dma_wait3A_147 : memref<1x128xi32, #tpu.memory_space<vmem>> -> memref<128xi32, #tpu.memory_space<vmem>>
      %dma_wait3A_149 = arith.constant 0 : i32
      %dma_wait3A_150 = arith.constant 0 : i32
      %dma_wait3A_151 = tpu.memref_slice %arg2[%arg0, %dma_wait3A_149, %dma_wait3A_150] : memref<2x10240x64xf32, #tpu.memory_space<hbm>> -> memref<1x10240x64xf32, #tpu.memory_space<hbm>>
      %dma_wait3A_152 = tpu.memref_squeeze %dma_wait3A_151 : memref<1x10240x64xf32, #tpu.memory_space<hbm>> -> memref<10240x64xf32, #tpu.memory_space<hbm>>
      %dma_wait3A_153 = arith.constant 0 : i32
      %dma_wait3A_154 = arith.constant 0 : i32
      %dma_wait3A_155 = tpu.memref_slice %dma_wait3A_152[%dma_wait3A_153, %dma_wait3A_154] : memref<10240x64xf32, #tpu.memory_space<hbm>> -> memref<10240x64xf32, #tpu.memory_space<hbm>>
      tpu.wait_indirect_dma semaphore(%arg15 : memref<!tpu.dma_semaphore, #tpu.memory_space<semaphore_mem>>) src(%dma_wait3A_155 : memref<10240x64xf32, #tpu.memory_space<hbm>>) dst(%arg10 : memref<128x64xf32, #tpu.memory_space<vmem>>)
      %sub3A_156 = arith.constant 4 : i32
      %sub3A_157 = arith.subi %add3A_115, %sub3A_156 : i32
      %add3A_158 = arith.constant 2 : i32
      %add3A_159 = arith.addi %sub3A_157, %add3A_158 : i32
      %dma_wait3A_160 = arith.constant 0 : i32
      %dma_wait3A_161 = arith.constant 0 : i32
      %dma_wait3A_162 = tpu.memref_slice %arg6[%dma_wait3A_160, %dma_wait3A_161] : memref<160x128xi32, #tpu.memory_space<vmem>> -> memref<1x128xi32, #tpu.memory_space<vmem>>
      %dma_wait3A_163 = tpu.memref_squeeze %dma_wait3A_162 : memref<1x128xi32, #tpu.memory_space<vmem>> -> memref<128xi32, #tpu.memory_space<vmem>>
      %dma_wait3A_164 = arith.constant 0 : i32
      %dma_wait3A_165 = arith.constant 0 : i32
      %dma_wait3A_166 = tpu.memref_slice %arg2[%arg0, %dma_wait3A_164, %dma_wait3A_165] : memref<2x10240x64xf32, #tpu.memory_space<hbm>> -> memref<1x10240x64xf32, #tpu.memory_space<hbm>>
      %dma_wait3A_167 = tpu.memref_squeeze %dma_wait3A_166 : memref<1x10240x64xf32, #tpu.memory_space<hbm>> -> memref<10240x64xf32, #tpu.memory_space<hbm>>
      %dma_wait3A_168 = arith.constant 0 : i32
      %dma_wait3A_169 = arith.constant 0 : i32
      %dma_wait3A_170 = tpu.memref_slice %dma_wait3A_167[%dma_wait3A_168, %dma_wait3A_169] : memref<10240x64xf32, #tpu.memory_space<hbm>> -> memref<10240x64xf32, #tpu.memory_space<hbm>>
      tpu.wait_indirect_dma semaphore(%arg16 : memref<!tpu.dma_semaphore, #tpu.memory_space<semaphore_mem>>) src(%dma_wait3A_170 : memref<10240x64xf32, #tpu.memory_space<hbm>>) dst(%arg11 : memref<128x64xf32, #tpu.memory_space<vmem>>)
      %sub3A_171 = arith.constant 4 : i32
      %sub3A_172 = arith.subi %add3A_115, %sub3A_171 : i32
      %add3A_173 = arith.constant 3 : i32
      %add3A_174 = arith.addi %sub3A_172, %add3A_173 : i32
      %add3A_175 = arith.constant 0 : i32
      %add3A_176 = arith.addi %add3A_115, %add3A_175 : i32
      %dma_start3A_177 = arith.constant 0 : i32
      %dma_start3A_178 = tpu.memref_slice %arg6[%add3A_176, %dma_start3A_177] : memref<160x128xi32, #tpu.memory_space<vmem>> -> memref<1x128xi32, #tpu.memory_space<vmem>>
      %dma_start3A_179 = tpu.memref_squeeze %dma_start3A_178 : memref<1x128xi32, #tpu.memory_space<vmem>> -> memref<128xi32, #tpu.memory_space<vmem>>
      %dma_start3A_180 = arith.constant 0 : i32
      %dma_start3A_181 = arith.constant 0 : i32
      %dma_start3A_182 = tpu.memref_slice %arg2[%arg0, %dma_start3A_180, %dma_start3A_181] : memref<2x10240x64xf32, #tpu.memory_space<hbm>> -> memref<1x10240x64xf32, #tpu.memory_space<hbm>>
      %dma_start3A_183 = tpu.memref_squeeze %dma_start3A_182 : memref<1x10240x64xf32, #tpu.memory_space<hbm>> -> memref<10240x64xf32, #tpu.memory_space<hbm>>
      %dma_start3A_184 = arith.constant 0 : i32
      %dma_start3A_185 = arith.constant 0 : i32
      %dma_start3A_186 = tpu.memref_slice %dma_start3A_183[%dma_start3A_184, %dma_start3A_185] : memref<10240x64xf32, #tpu.memory_space<hbm>> -> memref<10240x64xf32, #tpu.memory_space<hbm>>
      tpu.enqueue_indirect_dma source(%dma_start3A_186 : memref<10240x64xf32, #tpu.memory_space<hbm>>) target(%arg8 : memref<128x64xf32, #tpu.memory_space<vmem>>) offsets(%dma_start3A_179 : memref<128xi32, #tpu.memory_space<vmem>>) semaphore(%arg13 : memref<!tpu.dma_semaphore, #tpu.memory_space<semaphore_mem>>)
      %add3A_187 = arith.constant 1 : i32
      %add3A_188 = arith.addi %add3A_115, %add3A_187 : i32
      %dma_start3A_189 = arith.constant 0 : i32
      %dma_start3A_190 = tpu.memref_slice %arg6[%add3A_188, %dma_start3A_189] : memref<160x128xi32, #tpu.memory_space<vmem>> -> memref<1x128xi32, #tpu.memory_space<vmem>>
      %dma_start3A_191 = tpu.memref_squeeze %dma_start3A_190 : memref<1x128xi32, #tpu.memory_space<vmem>> -> memref<128xi32, #tpu.memory_space<vmem>>
      %dma_start3A_192 = arith.constant 0 : i32
      %dma_start3A_193 = arith.constant 0 : i32
      %dma_start3A_194 = tpu.memref_slice %arg2[%arg0, %dma_start3A_192, %dma_start3A_193] : memref<2x10240x64xf32, #tpu.memory_space<hbm>> -> memref<1x10240x64xf32, #tpu.memory_space<hbm>>
      %dma_start3A_195 = tpu.memref_squeeze %dma_start3A_194 : memref<1x10240x64xf32, #tpu.memory_space<hbm>> -> memref<10240x64xf32, #tpu.memory_space<hbm>>
      %dma_start3A_196 = arith.constant 0 : i32
      %dma_start3A_197 = arith.constant 0 : i32
      %dma_start3A_198 = tpu.memref_slice %dma_start3A_195[%dma_start3A_196, %dma_start3A_197] : memref<10240x64xf32, #tpu.memory_space<hbm>> -> memref<10240x64xf32, #tpu.memory_space<hbm>>
      tpu.enqueue_indirect_dma source(%dma_start3A_198 : memref<10240x64xf32, #tpu.memory_space<hbm>>) target(%arg9 : memref<128x64xf32, #tpu.memory_space<vmem>>) offsets(%dma_start3A_191 : memref<128xi32, #tpu.memory_space<vmem>>) semaphore(%arg14 : memref<!tpu.dma_semaphore, #tpu.memory_space<semaphore_mem>>)
      %add3A_199 = arith.constant 2 : i32
      %add3A_200 = arith.addi %add3A_115, %add3A_199 : i32
      %dma_start3A_201 = arith.constant 0 : i32
      %dma_start3A_202 = tpu.memref_slice %arg6[%add3A_200, %dma_start3A_201] : memref<160x128xi32, #tpu.memory_space<vmem>> -> memref<1x128xi32, #tpu.memory_space<vmem>>
      %dma_start3A_203 = tpu.memref_squeeze %dma_start3A_202 : memref<1x128xi32, #tpu.memory_space<vmem>> -> memref<128xi32, #tpu.memory_space<vmem>>
      %dma_start3A_204 = arith.constant 0 : i32
      %dma_start3A_205 = arith.constant 0 : i32
      %dma_start3A_206 = tpu.memref_slice %arg2[%arg0, %dma_start3A_204, %dma_start3A_205] : memref<2x10240x64xf32, #tpu.memory_space<hbm>> -> memref<1x10240x64xf32, #tpu.memory_space<hbm>>
      %dma_start3A_207 = tpu.memref_squeeze %dma_start3A_206 : memref<1x10240x64xf32, #tpu.memory_space<hbm>> -> memref<10240x64xf32, #tpu.memory_space<hbm>>
      %dma_start3A_208 = arith.constant 0 : i32
      %dma_start3A_209 = arith.constant 0 : i32
      %dma_start3A_210 = tpu.memref_slice %dma_start3A_207[%dma_start3A_208, %dma_start3A_209] : memref<10240x64xf32, #tpu.memory_space<hbm>> -> memref<10240x64xf32, #tpu.memory_space<hbm>>
      tpu.enqueue_indirect_dma source(%dma_start3A_210 : memref<10240x64xf32, #tpu.memory_space<hbm>>) target(%arg10 : memref<128x64xf32, #tpu.memory_space<vmem>>) offsets(%dma_start3A_203 : memref<128xi32, #tpu.memory_space<vmem>>) semaphore(%arg15 : memref<!tpu.dma_semaphore, #tpu.memory_space<semaphore_mem>>)
      %add3A_211 = arith.constant 3 : i32
      %add3A_212 = arith.addi %add3A_115, %add3A_211 : i32
      %dma_start3A_213 = arith.constant 0 : i32
      %dma_start3A_214 = tpu.memref_slice %arg6[%add3A_212, %dma_start3A_213] : memref<160x128xi32, #tpu.memory_space<vmem>> -> memref<1x128xi32, #tpu.memory_space<vmem>>
      %dma_start3A_215 = tpu.memref_squeeze %dma_start3A_214 : memref<1x128xi32, #tpu.memory_space<vmem>> -> memref<128xi32, #tpu.memory_space<vmem>>
      %dma_start3A_216 = arith.constant 0 : i32
      %dma_start3A_217 = arith.constant 0 : i32
      %dma_start3A_218 = tpu.memref_slice %arg2[%arg0, %dma_start3A_216, %dma_start3A_217] : memref<2x10240x64xf32, #tpu.memory_space<hbm>> -> memref<1x10240x64xf32, #tpu.memory_space<hbm>>
      %dma_start3A_219 = tpu.memref_squeeze %dma_start3A_218 : memref<1x10240x64xf32, #tpu.memory_space<hbm>> -> memref<10240x64xf32, #tpu.memory_space<hbm>>
      %dma_start3A_220 = arith.constant 0 : i32
      %dma_start3A_221 = arith.constant 0 : i32
      %dma_start3A_222 = tpu.memref_slice %dma_start3A_219[%dma_start3A_220, %dma_start3A_221] : memref<10240x64xf32, #tpu.memory_space<hbm>> -> memref<10240x64xf32, #tpu.memory_space<hbm>>
      tpu.enqueue_indirect_dma source(%dma_start3A_222 : memref<10240x64xf32, #tpu.memory_space<hbm>>) target(%arg11 : memref<128x64xf32, #tpu.memory_space<vmem>>) offsets(%dma_start3A_215 : memref<128xi32, #tpu.memory_space<vmem>>) semaphore(%arg16 : memref<!tpu.dma_semaphore, #tpu.memory_space<semaphore_mem>>)
    }
    %scan3A_66 = arith.constant 39 : i32
    %dma_wait3A = arith.constant 0 : i32
    %dma_wait3A_67 = arith.constant 0 : i32
    %dma_wait3A_68 = tpu.memref_slice %arg6[%dma_wait3A, %dma_wait3A_67] : memref<160x128xi32, #tpu.memory_space<vmem>> -> memref<1x128xi32, #tpu.memory_space<vmem>>
    %dma_wait3A_69 = tpu.memref_squeeze %dma_wait3A_68 : memref<1x128xi32, #tpu.memory_space<vmem>> -> memref<128xi32, #tpu.memory_space<vmem>>
    %dma_wait3A_70 = arith.constant 0 : i32
    %dma_wait3A_71 = arith.constant 0 : i32
    %dma_wait3A_72 = tpu.memref_slice %arg2[%arg0, %dma_wait3A_70, %dma_wait3A_71] : memref<2x10240x64xf32, #tpu.memory_space<hbm>> -> memref<1x10240x64xf32, #tpu.memory_space<hbm>>
    %dma_wait3A_73 = tpu.memref_squeeze %dma_wait3A_72 : memref<1x10240x64xf32, #tpu.memory_space<hbm>> -> memref<10240x64xf32, #tpu.memory_space<hbm>>
    %dma_wait3A_74 = arith.constant 0 : i32
    %dma_wait3A_75 = arith.constant 0 : i32
    %dma_wait3A_76 = tpu.memref_slice %dma_wait3A_73[%dma_wait3A_74, %dma_wait3A_75] : memref<10240x64xf32, #tpu.memory_space<hbm>> -> memref<10240x64xf32, #tpu.memory_space<hbm>>
    tpu.wait_indirect_dma semaphore(%arg13 : memref<!tpu.dma_semaphore, #tpu.memory_space<semaphore_mem>>) src(%dma_wait3A_76 : memref<10240x64xf32, #tpu.memory_space<hbm>>) dst(%arg8 : memref<128x64xf32, #tpu.memory_space<vmem>>)
    %dma_wait3A_77 = arith.constant 0 : i32
    %dma_wait3A_78 = arith.constant 0 : i32
    %dma_wait3A_79 = tpu.memref_slice %arg6[%dma_wait3A_77, %dma_wait3A_78] : memref<160x128xi32, #tpu.memory_space<vmem>> -> memref<1x128xi32, #tpu.memory_space<vmem>>
    %dma_wait3A_80 = tpu.memref_squeeze %dma_wait3A_79 : memref<1x128xi32, #tpu.memory_space<vmem>> -> memref<128xi32, #tpu.memory_space<vmem>>
    %dma_wait3A_81 = arith.constant 0 : i32
    %dma_wait3A_82 = arith.constant 0 : i32
    %dma_wait3A_83 = tpu.memref_slice %arg2[%arg0, %dma_wait3A_81, %dma_wait3A_82] : memref<2x10240x64xf32, #tpu.memory_space<hbm>> -> memref<1x10240x64xf32, #tpu.memory_space<hbm>>
    %dma_wait3A_84 = tpu.memref_squeeze %dma_wait3A_83 : memref<1x10240x64xf32, #tpu.memory_space<hbm>> -> memref<10240x64xf32, #tpu.memory_space<hbm>>
    %dma_wait3A_85 = arith.constant 0 : i32
    %dma_wait3A_86 = arith.constant 0 : i32
    %dma_wait3A_87 = tpu.memref_slice %dma_wait3A_84[%dma_wait3A_85, %dma_wait3A_86] : memref<10240x64xf32, #tpu.memory_space<hbm>> -> memref<10240x64xf32, #tpu.memory_space<hbm>>
    tpu.wait_indirect_dma semaphore(%arg14 : memref<!tpu.dma_semaphore, #tpu.memory_space<semaphore_mem>>) src(%dma_wait3A_87 : memref<10240x64xf32, #tpu.memory_space<hbm>>) dst(%arg9 : memref<128x64xf32, #tpu.memory_space<vmem>>)
    %dma_wait3A_88 = arith.constant 0 : i32
    %dma_wait3A_89 = arith.constant 0 : i32
    %dma_wait3A_90 = tpu.memref_slice %arg6[%dma_wait3A_88, %dma_wait3A_89] : memref<160x128xi32, #tpu.memory_space<vmem>> -> memref<1x128xi32, #tpu.memory_space<vmem>>
    %dma_wait3A_91 = tpu.memref_squeeze %dma_wait3A_90 : memref<1x128xi32, #tpu.memory_space<vmem>> -> memref<128xi32, #tpu.memory_space<vmem>>
    %dma_wait3A_92 = arith.constant 0 : i32
    %dma_wait3A_93 = arith.constant 0 : i32
    %dma_wait3A_94 = tpu.memref_slice %arg2[%arg0, %dma_wait3A_92, %dma_wait3A_93] : memref<2x10240x64xf32, #tpu.memory_space<hbm>> -> memref<1x10240x64xf32, #tpu.memory_space<hbm>>
    %dma_wait3A_95 = tpu.memref_squeeze %dma_wait3A_94 : memref<1x10240x64xf32, #tpu.memory_space<hbm>> -> memref<10240x64xf32, #tpu.memory_space<hbm>>
    %dma_wait3A_96 = arith.constant 0 : i32
    %dma_wait3A_97 = arith.constant 0 : i32
    %dma_wait3A_98 = tpu.memref_slice %dma_wait3A_95[%dma_wait3A_96, %dma_wait3A_97] : memref<10240x64xf32, #tpu.memory_space<hbm>> -> memref<10240x64xf32, #tpu.memory_space<hbm>>
    tpu.wait_indirect_dma semaphore(%arg15 : memref<!tpu.dma_semaphore, #tpu.memory_space<semaphore_mem>>) src(%dma_wait3A_98 : memref<10240x64xf32, #tpu.memory_space<hbm>>) dst(%arg10 : memref<128x64xf32, #tpu.memory_space<vmem>>)
    %dma_wait3A_99 = arith.constant 0 : i32
    %dma_wait3A_100 = arith.constant 0 : i32
    %dma_wait3A_101 = tpu.memref_slice %arg6[%dma_wait3A_99, %dma_wait3A_100] : memref<160x128xi32, #tpu.memory_space<vmem>> -> memref<1x128xi32, #tpu.memory_space<vmem>>
    %dma_wait3A_102 = tpu.memref_squeeze %dma_wait3A_101 : memref<1x128xi32, #tpu.memory_space<vmem>> -> memref<128xi32, #tpu.memory_space<vmem>>
    %dma_wait3A_103 = arith.constant 0 : i32
    %dma_wait3A_104 = arith.constant 0 : i32
    %dma_wait3A_105 = tpu.memref_slice %arg2[%arg0, %dma_wait3A_103, %dma_wait3A_104] : memref<2x10240x64xf32, #tpu.memory_space<hbm>> -> memref<1x10240x64xf32, #tpu.memory_space<hbm>>
    %dma_wait3A_106 = tpu.memref_squeeze %dma_wait3A_105 : memref<1x10240x64xf32, #tpu.memory_space<hbm>> -> memref<10240x64xf32, #tpu.memory_space<hbm>>
    %dma_wait3A_107 = arith.constant 0 : i32
    %dma_wait3A_108 = arith.constant 0 : i32
    %dma_wait3A_109 = tpu.memref_slice %dma_wait3A_106[%dma_wait3A_107, %dma_wait3A_108] : memref<10240x64xf32, #tpu.memory_space<hbm>> -> memref<10240x64xf32, #tpu.memory_space<hbm>>
    tpu.wait_indirect_dma semaphore(%arg16 : memref<!tpu.dma_semaphore, #tpu.memory_space<semaphore_mem>>) src(%dma_wait3A_109 : memref<10240x64xf32, #tpu.memory_space<hbm>>) dst(%arg11 : memref<128x64xf32, #tpu.memory_space<vmem>>)
    %barrier3A_110 = arith.constant 0 : index
    tpu.barrier barrier_id(%barrier3A_110)
    "tpu.region"() ({
      %run_scoped3A = tpu.sem_alloc : memref<!tpu.dma_semaphore, #tpu.memory_space<semaphore_mem>>
      %dma_start3A_111 = arith.constant 0 : i32
      %dma_start3A_112 = tpu.memref_slice %arg5[%arg0, %mul3A_4, %dma_start3A_111] : memref<2x10240x64xf32, #tpu.memory_space<hbm>> -> memref<1x640x64xf32, #tpu.memory_space<hbm>>
      %dma_start3A_113 = tpu.memref_squeeze %dma_start3A_112 : memref<1x640x64xf32, #tpu.memory_space<hbm>> -> memref<640x64xf32, #tpu.memory_space<hbm>>
      %dma_start3A_114 = arith.constant 0 : i32
      %dma_start3A_115 = tpu.memref_slice %arg12[%mul3A_4, %dma_start3A_114] : memref<10240x64xf32, #tpu.memory_space<vmem_shared>> -> memref<640x64xf32, #tpu.memory_space<vmem_shared>>
      tpu.enqueue_dma source(%dma_start3A_115 : memref<640x64xf32, #tpu.memory_space<vmem_shared>>) target(%dma_start3A_113 : memref<640x64xf32, #tpu.memory_space<hbm>>) target_semaphore(%run_scoped3A : memref<!tpu.dma_semaphore, #tpu.memory_space<semaphore_mem>>)
      %dma_wait3A_116 = arith.constant 0 : i32
      %dma_wait3A_117 = tpu.memref_slice %arg5[%arg0, %mul3A_4, %dma_wait3A_116] : memref<2x10240x64xf32, #tpu.memory_space<hbm>> -> memref<1x640x64xf32, #tpu.memory_space<hbm>>
      %dma_wait3A_118 = tpu.memref_squeeze %dma_wait3A_117 : memref<1x640x64xf32, #tpu.memory_space<hbm>> -> memref<640x64xf32, #tpu.memory_space<hbm>>
      %dma_wait3A_119 = arith.constant 0 : i32
      %dma_wait3A_120 = tpu.memref_slice %arg12[%mul3A_4, %dma_wait3A_119] : memref<10240x64xf32, #tpu.memory_space<vmem_shared>> -> memref<640x64xf32, #tpu.memory_space<vmem_shared>>
      tpu.wait_dma2 semaphore(%run_scoped3A : memref<!tpu.dma_semaphore, #tpu.memory_space<semaphore_mem>>) src(%dma_wait3A_120 : memref<640x64xf32, #tpu.memory_space<vmem_shared>>) dst(%dma_wait3A_118 : memref<640x64xf32, #tpu.memory_space<hbm>>)
      tpu.yield
    }) : () -> ()
    return
  }
}

#map = affine_map<(d0, d1) -> (0, 0, 0)>
module attributes {stable_mosaic.version = 14 : i64} {
  func.func @_sc_agg(%arg0: i32, %arg1: i32, %arg2: memref<2x10240x64xf32, #tpu.memory_space<hbm>>, %arg3: memref<16x160x128xi32, #tpu.memory_space<hbm>>, %arg4: memref<16x160x128xi32, #tpu.memory_space<hbm>>, %arg5: memref<2x10240x64xf32, #tpu.memory_space<hbm>>, %arg6: memref<160x128xi32, #tpu.memory_space<vmem>>, %arg7: memref<160x128xi32, #tpu.memory_space<vmem>>, %arg8: memref<128x64xf32, #tpu.memory_space<vmem>>, %arg9: memref<128x64xf32, #tpu.memory_space<vmem>>, %arg10: memref<128x64xf32, #tpu.memory_space<vmem>>, %arg11: memref<128x64xf32, #tpu.memory_space<vmem>>, %arg12: memref<10240x64xf32, #tpu.memory_space<vmem_shared>>, %arg13: memref<!tpu.dma_semaphore, #tpu.memory_space<semaphore_mem>>, %arg14: memref<!tpu.dma_semaphore, #tpu.memory_space<semaphore_mem>>, %arg15: memref<!tpu.dma_semaphore, #tpu.memory_space<semaphore_mem>>, %arg16: memref<!tpu.dma_semaphore, #tpu.memory_space<semaphore_mem>>, %arg17: memref<!tpu.dma_semaphore, #tpu.memory_space<semaphore_mem>>, %arg18: memref<!tpu.dma_semaphore, #tpu.memory_space<semaphore_mem>>, %arg19: memref<!tpu.dma_semaphore, #tpu.memory_space<semaphore_mem>>, %arg20: memref<!tpu.dma_semaphore, #tpu.memory_space<semaphore_mem>>) attributes {dimension_semantics = [#tpu.dimension_semantics<core_parallel>, #tpu.dimension_semantics<subcore_parallel>], iteration_bounds = array<i64: 2, 16>, scalar_prefetch = 0 : i64, scratch_operands = 15 : i64, tpu.core_type = #tpu.core_type<sc_vector_subcore>, window_params = [{transform_indices = #map}, {transform_indices = #map}, {transform_indices = #map}, {transform_indices = #map}]} {
    "tpu.region"() ({
      %run_scoped3A = tpu.sem_alloc : memref<!tpu.dma_semaphore, #tpu.memory_space<semaphore_mem>>
      %dma_start3A_111 = arith.constant 0 : i32
      %dma_start3A_112 = arith.constant 0 : i32
      %dma_start3A_113 = tpu.memref_slice %arg3[%arg1, %dma_start3A_111, %dma_start3A_112] : memref<16x160x128xi32, #tpu.memory_space<hbm>> -> memref<1x160x128xi32, #tpu.memory_space<hbm>>
      %dma_start3A_114 = tpu.memref_squeeze %dma_start3A_113 : memref<1x160x128xi32, #tpu.memory_space<hbm>> -> memref<160x128xi32, #tpu.memory_space<hbm>>
      %dma_start3A_115 = arith.constant 0 : i32
      %dma_start3A_116 = arith.constant 0 : i32
      %dma_start3A_117 = tpu.memref_slice %arg3[%arg1, %dma_start3A_115, %dma_start3A_116] : memref<16x160x128xi32, #tpu.memory_space<hbm>> -> memref<1x160x128xi32, #tpu.memory_space<hbm>>
      %dma_start3A_118 = tpu.memref_squeeze %dma_start3A_117 : memref<1x160x128xi32, #tpu.memory_space<hbm>> -> memref<160x128xi32, #tpu.memory_space<hbm>>
      tpu.enqueue_dma source(%dma_start3A_118 : memref<160x128xi32, #tpu.memory_space<hbm>>) target(%arg6 : memref<160x128xi32, #tpu.memory_space<vmem>>) target_semaphore(%run_scoped3A : memref<!tpu.dma_semaphore, #tpu.memory_space<semaphore_mem>>)
      %dma_wait3A_119 = arith.constant 0 : i32
      %dma_wait3A_120 = arith.constant 0 : i32
      %dma_wait3A_121 = tpu.memref_slice %arg3[%arg1, %dma_wait3A_119, %dma_wait3A_120] : memref<16x160x128xi32, #tpu.memory_space<hbm>> -> memref<1x160x128xi32, #tpu.memory_space<hbm>>
      %dma_wait3A_122 = tpu.memref_squeeze %dma_wait3A_121 : memref<1x160x128xi32, #tpu.memory_space<hbm>> -> memref<160x128xi32, #tpu.memory_space<hbm>>
      %dma_wait3A_123 = arith.constant 0 : i32
      %dma_wait3A_124 = arith.constant 0 : i32
      %dma_wait3A_125 = tpu.memref_slice %arg3[%arg1, %dma_wait3A_123, %dma_wait3A_124] : memref<16x160x128xi32, #tpu.memory_space<hbm>> -> memref<1x160x128xi32, #tpu.memory_space<hbm>>
      %dma_wait3A_126 = tpu.memref_squeeze %dma_wait3A_125 : memref<1x160x128xi32, #tpu.memory_space<hbm>> -> memref<160x128xi32, #tpu.memory_space<hbm>>
      tpu.wait_dma2 semaphore(%run_scoped3A : memref<!tpu.dma_semaphore, #tpu.memory_space<semaphore_mem>>) src(%dma_wait3A_126 : memref<160x128xi32, #tpu.memory_space<hbm>>) dst(%arg6 : memref<160x128xi32, #tpu.memory_space<vmem>>)
      tpu.yield
    }) : () -> ()
    "tpu.region"() ({
      %run_scoped3A = tpu.sem_alloc : memref<!tpu.dma_semaphore, #tpu.memory_space<semaphore_mem>>
      %dma_start3A_111 = arith.constant 0 : i32
      %dma_start3A_112 = arith.constant 0 : i32
      %dma_start3A_113 = tpu.memref_slice %arg4[%arg1, %dma_start3A_111, %dma_start3A_112] : memref<16x160x128xi32, #tpu.memory_space<hbm>> -> memref<1x160x128xi32, #tpu.memory_space<hbm>>
      %dma_start3A_114 = tpu.memref_squeeze %dma_start3A_113 : memref<1x160x128xi32, #tpu.memory_space<hbm>> -> memref<160x128xi32, #tpu.memory_space<hbm>>
      %dma_start3A_115 = arith.constant 0 : i32
      %dma_start3A_116 = arith.constant 0 : i32
      %dma_start3A_117 = tpu.memref_slice %arg4[%arg1, %dma_start3A_115, %dma_start3A_116] : memref<16x160x128xi32, #tpu.memory_space<hbm>> -> memref<1x160x128xi32, #tpu.memory_space<hbm>>
      %dma_start3A_118 = tpu.memref_squeeze %dma_start3A_117 : memref<1x160x128xi32, #tpu.memory_space<hbm>> -> memref<160x128xi32, #tpu.memory_space<hbm>>
      tpu.enqueue_dma source(%dma_start3A_118 : memref<160x128xi32, #tpu.memory_space<hbm>>) target(%arg7 : memref<160x128xi32, #tpu.memory_space<vmem>>) target_semaphore(%run_scoped3A : memref<!tpu.dma_semaphore, #tpu.memory_space<semaphore_mem>>)
      %dma_wait3A_119 = arith.constant 0 : i32
      %dma_wait3A_120 = arith.constant 0 : i32
      %dma_wait3A_121 = tpu.memref_slice %arg4[%arg1, %dma_wait3A_119, %dma_wait3A_120] : memref<16x160x128xi32, #tpu.memory_space<hbm>> -> memref<1x160x128xi32, #tpu.memory_space<hbm>>
      %dma_wait3A_122 = tpu.memref_squeeze %dma_wait3A_121 : memref<1x160x128xi32, #tpu.memory_space<hbm>> -> memref<160x128xi32, #tpu.memory_space<hbm>>
      %dma_wait3A_123 = arith.constant 0 : i32
      %dma_wait3A_124 = arith.constant 0 : i32
      %dma_wait3A_125 = tpu.memref_slice %arg4[%arg1, %dma_wait3A_123, %dma_wait3A_124] : memref<16x160x128xi32, #tpu.memory_space<hbm>> -> memref<1x160x128xi32, #tpu.memory_space<hbm>>
      %dma_wait3A_126 = tpu.memref_squeeze %dma_wait3A_125 : memref<1x160x128xi32, #tpu.memory_space<hbm>> -> memref<160x128xi32, #tpu.memory_space<hbm>>
      tpu.wait_dma2 semaphore(%run_scoped3A : memref<!tpu.dma_semaphore, #tpu.memory_space<semaphore_mem>>) src(%dma_wait3A_126 : memref<160x128xi32, #tpu.memory_space<hbm>>) dst(%arg7 : memref<160x128xi32, #tpu.memory_space<vmem>>)
      tpu.yield
    }) : () -> ()
    %scan3A = arith.constant 0 : i32
    %scan3A_0 = arith.constant 128 : i32
    %scan3A_1 = arith.addi %scan3A, %scan3A_0 : i32
    %scan3A_2 = arith.constant 1 : i32
    scf.for %scan3A_111 = %scan3A to %scan3A_1 step %scan3A_2  : i32 {
      %mul3A_112 = arith.constant 1 : i32
      %mul3A_113 = arith.muli %scan3A_111, %mul3A_112 : i32
      %add3A_114 = arith.constant 0 : i32
      %add3A_115 = arith.addi %add3A_114, %mul3A_113 : i32
      %broadcast_in_dim3A = arith.constant 0.000000e+00 : f32
      %broadcast_in_dim3A_116 = vector.broadcast %broadcast_in_dim3A : f32 to vector<16xf32>
      %swap3A = arith.index_cast %add3A_115 : i32 to index
      %swap3A_117 = arith.constant 0 : index
      %swap3A_118 = tpu.vector_load %arg8[%swap3A, %swap3A_117] {strides = array<i32>} : memref<128x64xf32, #tpu.memory_space<vmem>>, vector<1x16xf32>,
      %swap3A_119 = vector.shape_cast %swap3A_118 : vector<1x16xf32> to vector<16xf32>
      %swap3A_120 = vector.shape_cast %broadcast_in_dim3A_116 : vector<16xf32> to vector<1x16xf32>
      tpu.vector_store %arg8[%swap3A, %swap3A_117], %swap3A_120 {strides = array<i32>} : memref<128x64xf32, #tpu.memory_space<vmem>>, vector<1x16xf32>,
      %broadcast_in_dim3A_121 = arith.constant 0.000000e+00 : f32
      %broadcast_in_dim3A_122 = vector.broadcast %broadcast_in_dim3A_121 : f32 to vector<16xf32>
      %swap3A_123 = arith.index_cast %add3A_115 : i32 to index
      %swap3A_124 = arith.constant 16 : index
      %swap3A_125 = tpu.vector_load %arg8[%swap3A_123, %swap3A_124] {strides = array<i32>} : memref<128x64xf32, #tpu.memory_space<vmem>>, vector<1x16xf32>,
      %swap3A_126 = vector.shape_cast %swap3A_125 : vector<1x16xf32> to vector<16xf32>
      %swap3A_127 = vector.shape_cast %broadcast_in_dim3A_122 : vector<16xf32> to vector<1x16xf32>
      tpu.vector_store %arg8[%swap3A_123, %swap3A_124], %swap3A_127 {strides = array<i32>} : memref<128x64xf32, #tpu.memory_space<vmem>>, vector<1x16xf32>,
      %broadcast_in_dim3A_128 = arith.constant 0.000000e+00 : f32
      %broadcast_in_dim3A_129 = vector.broadcast %broadcast_in_dim3A_128 : f32 to vector<16xf32>
      %swap3A_130 = arith.index_cast %add3A_115 : i32 to index
      %swap3A_131 = arith.constant 32 : index
      %swap3A_132 = tpu.vector_load %arg8[%swap3A_130, %swap3A_131] {strides = array<i32>} : memref<128x64xf32, #tpu.memory_space<vmem>>, vector<1x16xf32>,
      %swap3A_133 = vector.shape_cast %swap3A_132 : vector<1x16xf32> to vector<16xf32>
      %swap3A_134 = vector.shape_cast %broadcast_in_dim3A_129 : vector<16xf32> to vector<1x16xf32>
      tpu.vector_store %arg8[%swap3A_130, %swap3A_131], %swap3A_134 {strides = array<i32>} : memref<128x64xf32, #tpu.memory_space<vmem>>, vector<1x16xf32>,
      %broadcast_in_dim3A_135 = arith.constant 0.000000e+00 : f32
      %broadcast_in_dim3A_136 = vector.broadcast %broadcast_in_dim3A_135 : f32 to vector<16xf32>
      %swap3A_137 = arith.index_cast %add3A_115 : i32 to index
      %swap3A_138 = arith.constant 48 : index
      %swap3A_139 = tpu.vector_load %arg8[%swap3A_137, %swap3A_138] {strides = array<i32>} : memref<128x64xf32, #tpu.memory_space<vmem>>, vector<1x16xf32>,
      %swap3A_140 = vector.shape_cast %swap3A_139 : vector<1x16xf32> to vector<16xf32>
      %swap3A_141 = vector.shape_cast %broadcast_in_dim3A_136 : vector<16xf32> to vector<1x16xf32>
      tpu.vector_store %arg8[%swap3A_137, %swap3A_138], %swap3A_141 {strides = array<i32>} : memref<128x64xf32, #tpu.memory_space<vmem>>, vector<1x16xf32>,
    }
    %scan3A_3 = arith.constant 128 : i32
    %mul3A = arith.constant 640 : i32
    %mul3A_4 = arith.muli %arg1, %mul3A : i32
    %add3A = arith.constant 0 : i32
    %add3A_5 = arith.addi %mul3A_4, %add3A : i32
    "tpu.region"() ({
      %run_scoped3A = tpu.sem_alloc : memref<!tpu.dma_semaphore, #tpu.memory_space<semaphore_mem>>
      %dma_start3A_111 = arith.constant 0 : i32
      %dma_start3A_112 = tpu.memref_slice %arg12[%add3A_5, %dma_start3A_111] : memref<10240x64xf32, #tpu.memory_space<vmem_shared>> -> memref<128x64xf32, #tpu.memory_space<vmem_shared>>
      %dma_start3A_113 = arith.constant 0 : i32
      %dma_start3A_114 = tpu.memref_slice %arg12[%add3A_5, %dma_start3A_113] : memref<10240x64xf32, #tpu.memory_space<vmem_shared>> -> memref<128x64xf32, #tpu.memory_space<vmem_shared>>
      tpu.enqueue_dma source(%arg8 : memref<128x64xf32, #tpu.memory_space<vmem>>) target(%dma_start3A_114 : memref<128x64xf32, #tpu.memory_space<vmem_shared>>) target_semaphore(%run_scoped3A : memref<!tpu.dma_semaphore, #tpu.memory_space<semaphore_mem>>)
      %dma_wait3A_115 = arith.constant 0 : i32
      %dma_wait3A_116 = tpu.memref_slice %arg12[%add3A_5, %dma_wait3A_115] : memref<10240x64xf32, #tpu.memory_space<vmem_shared>> -> memref<128x64xf32, #tpu.memory_space<vmem_shared>>
      %dma_wait3A_117 = arith.constant 0 : i32
      %dma_wait3A_118 = tpu.memref_slice %arg12[%add3A_5, %dma_wait3A_117] : memref<10240x64xf32, #tpu.memory_space<vmem_shared>> -> memref<128x64xf32, #tpu.memory_space<vmem_shared>>
      tpu.wait_dma2 semaphore(%run_scoped3A : memref<!tpu.dma_semaphore, #tpu.memory_space<semaphore_mem>>) src(%arg8 : memref<128x64xf32, #tpu.memory_space<vmem>>) dst(%dma_wait3A_118 : memref<128x64xf32, #tpu.memory_space<vmem_shared>>)
      tpu.yield
    }) : () -> ()
    %add3A_6 = arith.constant 128 : i32
    %add3A_7 = arith.addi %mul3A_4, %add3A_6 : i32
    "tpu.region"() ({
      %run_scoped3A = tpu.sem_alloc : memref<!tpu.dma_semaphore, #tpu.memory_space<semaphore_mem>>
      %dma_start3A_111 = arith.constant 0 : i32
      %dma_start3A_112 = tpu.memref_slice %arg12[%add3A_7, %dma_start3A_111] : memref<10240x64xf32, #tpu.memory_space<vmem_shared>> -> memref<128x64xf32, #tpu.memory_space<vmem_shared>>
      %dma_start3A_113 = arith.constant 0 : i32
      %dma_start3A_114 = tpu.memref_slice %arg12[%add3A_7, %dma_start3A_113] : memref<10240x64xf32, #tpu.memory_space<vmem_shared>> -> memref<128x64xf32, #tpu.memory_space<vmem_shared>>
      tpu.enqueue_dma source(%arg8 : memref<128x64xf32, #tpu.memory_space<vmem>>) target(%dma_start3A_114 : memref<128x64xf32, #tpu.memory_space<vmem_shared>>) target_semaphore(%run_scoped3A : memref<!tpu.dma_semaphore, #tpu.memory_space<semaphore_mem>>)
      %dma_wait3A_115 = arith.constant 0 : i32
      %dma_wait3A_116 = tpu.memref_slice %arg12[%add3A_7, %dma_wait3A_115] : memref<10240x64xf32, #tpu.memory_space<vmem_shared>> -> memref<128x64xf32, #tpu.memory_space<vmem_shared>>
      %dma_wait3A_117 = arith.constant 0 : i32
      %dma_wait3A_118 = tpu.memref_slice %arg12[%add3A_7, %dma_wait3A_117] : memref<10240x64xf32, #tpu.memory_space<vmem_shared>> -> memref<128x64xf32, #tpu.memory_space<vmem_shared>>
      tpu.wait_dma2 semaphore(%run_scoped3A : memref<!tpu.dma_semaphore, #tpu.memory_space<semaphore_mem>>) src(%arg8 : memref<128x64xf32, #tpu.memory_space<vmem>>) dst(%dma_wait3A_118 : memref<128x64xf32, #tpu.memory_space<vmem_shared>>)
      tpu.yield
    }) : () -> ()
    %add3A_8 = arith.constant 256 : i32
    %add3A_9 = arith.addi %mul3A_4, %add3A_8 : i32
    "tpu.region"() ({
      %run_scoped3A = tpu.sem_alloc : memref<!tpu.dma_semaphore, #tpu.memory_space<semaphore_mem>>
      %dma_start3A_111 = arith.constant 0 : i32
      %dma_start3A_112 = tpu.memref_slice %arg12[%add3A_9, %dma_start3A_111] : memref<10240x64xf32, #tpu.memory_space<vmem_shared>> -> memref<128x64xf32, #tpu.memory_space<vmem_shared>>
      %dma_start3A_113 = arith.constant 0 : i32
      %dma_start3A_114 = tpu.memref_slice %arg12[%add3A_9, %dma_start3A_113] : memref<10240x64xf32, #tpu.memory_space<vmem_shared>> -> memref<128x64xf32, #tpu.memory_space<vmem_shared>>
      tpu.enqueue_dma source(%arg8 : memref<128x64xf32, #tpu.memory_space<vmem>>) target(%dma_start3A_114 : memref<128x64xf32, #tpu.memory_space<vmem_shared>>) target_semaphore(%run_scoped3A : memref<!tpu.dma_semaphore, #tpu.memory_space<semaphore_mem>>)
      %dma_wait3A_115 = arith.constant 0 : i32
      %dma_wait3A_116 = tpu.memref_slice %arg12[%add3A_9, %dma_wait3A_115] : memref<10240x64xf32, #tpu.memory_space<vmem_shared>> -> memref<128x64xf32, #tpu.memory_space<vmem_shared>>
      %dma_wait3A_117 = arith.constant 0 : i32
      %dma_wait3A_118 = tpu.memref_slice %arg12[%add3A_9, %dma_wait3A_117] : memref<10240x64xf32, #tpu.memory_space<vmem_shared>> -> memref<128x64xf32, #tpu.memory_space<vmem_shared>>
      tpu.wait_dma2 semaphore(%run_scoped3A : memref<!tpu.dma_semaphore, #tpu.memory_space<semaphore_mem>>) src(%arg8 : memref<128x64xf32, #tpu.memory_space<vmem>>) dst(%dma_wait3A_118 : memref<128x64xf32, #tpu.memory_space<vmem_shared>>)
      tpu.yield
    }) : () -> ()
    %add3A_10 = arith.constant 384 : i32
    %add3A_11 = arith.addi %mul3A_4, %add3A_10 : i32
    "tpu.region"() ({
      %run_scoped3A = tpu.sem_alloc : memref<!tpu.dma_semaphore, #tpu.memory_space<semaphore_mem>>
      %dma_start3A_111 = arith.constant 0 : i32
      %dma_start3A_112 = tpu.memref_slice %arg12[%add3A_11, %dma_start3A_111] : memref<10240x64xf32, #tpu.memory_space<vmem_shared>> -> memref<128x64xf32, #tpu.memory_space<vmem_shared>>
      %dma_start3A_113 = arith.constant 0 : i32
      %dma_start3A_114 = tpu.memref_slice %arg12[%add3A_11, %dma_start3A_113] : memref<10240x64xf32, #tpu.memory_space<vmem_shared>> -> memref<128x64xf32, #tpu.memory_space<vmem_shared>>
      tpu.enqueue_dma source(%arg8 : memref<128x64xf32, #tpu.memory_space<vmem>>) target(%dma_start3A_114 : memref<128x64xf32, #tpu.memory_space<vmem_shared>>) target_semaphore(%run_scoped3A : memref<!tpu.dma_semaphore, #tpu.memory_space<semaphore_mem>>)
      %dma_wait3A_115 = arith.constant 0 : i32
      %dma_wait3A_116 = tpu.memref_slice %arg12[%add3A_11, %dma_wait3A_115] : memref<10240x64xf32, #tpu.memory_space<vmem_shared>> -> memref<128x64xf32, #tpu.memory_space<vmem_shared>>
      %dma_wait3A_117 = arith.constant 0 : i32
      %dma_wait3A_118 = tpu.memref_slice %arg12[%add3A_11, %dma_wait3A_117] : memref<10240x64xf32, #tpu.memory_space<vmem_shared>> -> memref<128x64xf32, #tpu.memory_space<vmem_shared>>
      tpu.wait_dma2 semaphore(%run_scoped3A : memref<!tpu.dma_semaphore, #tpu.memory_space<semaphore_mem>>) src(%arg8 : memref<128x64xf32, #tpu.memory_space<vmem>>) dst(%dma_wait3A_118 : memref<128x64xf32, #tpu.memory_space<vmem_shared>>)
      tpu.yield
    }) : () -> ()
    %add3A_12 = arith.constant 512 : i32
    %add3A_13 = arith.addi %mul3A_4, %add3A_12 : i32
    "tpu.region"() ({
      %run_scoped3A = tpu.sem_alloc : memref<!tpu.dma_semaphore, #tpu.memory_space<semaphore_mem>>
      %dma_start3A_111 = arith.constant 0 : i32
      %dma_start3A_112 = tpu.memref_slice %arg12[%add3A_13, %dma_start3A_111] : memref<10240x64xf32, #tpu.memory_space<vmem_shared>> -> memref<128x64xf32, #tpu.memory_space<vmem_shared>>
      %dma_start3A_113 = arith.constant 0 : i32
      %dma_start3A_114 = tpu.memref_slice %arg12[%add3A_13, %dma_start3A_113] : memref<10240x64xf32, #tpu.memory_space<vmem_shared>> -> memref<128x64xf32, #tpu.memory_space<vmem_shared>>
      tpu.enqueue_dma source(%arg8 : memref<128x64xf32, #tpu.memory_space<vmem>>) target(%dma_start3A_114 : memref<128x64xf32, #tpu.memory_space<vmem_shared>>) target_semaphore(%run_scoped3A : memref<!tpu.dma_semaphore, #tpu.memory_space<semaphore_mem>>)
      %dma_wait3A_115 = arith.constant 0 : i32
      %dma_wait3A_116 = tpu.memref_slice %arg12[%add3A_13, %dma_wait3A_115] : memref<10240x64xf32, #tpu.memory_space<vmem_shared>> -> memref<128x64xf32, #tpu.memory_space<vmem_shared>>
      %dma_wait3A_117 = arith.constant 0 : i32
      %dma_wait3A_118 = tpu.memref_slice %arg12[%add3A_13, %dma_wait3A_117] : memref<10240x64xf32, #tpu.memory_space<vmem_shared>> -> memref<128x64xf32, #tpu.memory_space<vmem_shared>>
      tpu.wait_dma2 semaphore(%run_scoped3A : memref<!tpu.dma_semaphore, #tpu.memory_space<semaphore_mem>>) src(%arg8 : memref<128x64xf32, #tpu.memory_space<vmem>>) dst(%dma_wait3A_118 : memref<128x64xf32, #tpu.memory_space<vmem_shared>>)
      tpu.yield
    }) : () -> ()
    %barrier3A = arith.constant 0 : index
    tpu.barrier barrier_id(%barrier3A)
    %scan3A_14 = arith.constant 0 : i32
    %scan3A_15 = arith.constant 160 : i32
    %scan3A_16 = arith.addi %scan3A_14, %scan3A_15 : i32
    %scan3A_17 = arith.constant 1 : i32
    scf.for %scan3A_111 = %scan3A_14 to %scan3A_16 step %scan3A_17  : i32 {
      %mul3A_112 = arith.constant 1 : i32
      %mul3A_113 = arith.muli %scan3A_111, %mul3A_112 : i32
      %add3A_114 = arith.constant 0 : i32
      %add3A_115 = arith.addi %add3A_114, %mul3A_113 : i32
      %iota3A = tpu.iota {dimensions = array<i32: 0>} : vector<16xi32>
      %mul3A_116 = arith.constant 128 : i32
      %mul3A_117 = arith.muli %add3A_115, %mul3A_116 : i32
      %add3A_118 = vector.broadcast %mul3A_117 : i32 to vector<16xi32>
      %add3A_119 = arith.addi %iota3A, %add3A_118 : vector<16xi32>
      %add3A_120 = arith.constant 0 : i32
      %add3A_121 = vector.broadcast %add3A_120 : i32 to vector<16xi32>
      %add3A_122 = arith.addi %add3A_119, %add3A_121 : vector<16xi32>
      %ge3A = arith.constant 10240 : i32
      %ge3A_123 = vector.broadcast %ge3A : i32 to vector<16xi32>
      %ge3A_124 = arith.cmpi sge, %add3A_122, %ge3A_123 : vector<16xi32>
      %sub3A = arith.constant 10240 : i32
      %sub3A_125 = vector.broadcast %sub3A : i32 to vector<16xi32>
      %sub3A_126 = arith.subi %add3A_122, %sub3A_125 : vector<16xi32>
      %select_n3A = arith.select %ge3A_124, %sub3A_126, %add3A_122 : vector<16xi1>, vector<16xi32>
      %swap3A = arith.index_cast %add3A_115 : i32 to index
      %swap3A_127 = arith.constant 0 : index
      %swap3A_128 = tpu.vector_load %arg6[%swap3A, %swap3A_127] {strides = array<i32>} : memref<160x128xi32, #tpu.memory_space<vmem>>, vector<1x16xi32>,
      %swap3A_129 = vector.shape_cast %swap3A_128 : vector<1x16xi32> to vector<16xi32>
      %swap3A_130 = vector.shape_cast %select_n3A : vector<16xi32> to vector<1x16xi32>
      tpu.vector_store %arg6[%swap3A, %swap3A_127], %swap3A_130 {strides = array<i32>} : memref<160x128xi32, #tpu.memory_space<vmem>>, vector<1x16xi32>,
      %iota3A_131 = tpu.iota {dimensions = array<i32: 0>} : vector<16xi32>
      %mul3A_132 = arith.constant 128 : i32
      %mul3A_133 = arith.muli %add3A_115, %mul3A_132 : i32
      %add3A_134 = vector.broadcast %mul3A_133 : i32 to vector<16xi32>
      %add3A_135 = arith.addi %iota3A_131, %add3A_134 : vector<16xi32>
      %add3A_136 = arith.constant 16 : i32
      %add3A_137 = vector.broadcast %add3A_136 : i32 to vector<16xi32>
      %add3A_138 = arith.addi %add3A_135, %add3A_137 : vector<16xi32>
      %ge3A_139 = arith.constant 10240 : i32
      %ge3A_140 = vector.broadcast %ge3A_139 : i32 to vector<16xi32>
      %ge3A_141 = arith.cmpi sge, %add3A_138, %ge3A_140 : vector<16xi32>
      %sub3A_142 = arith.constant 10240 : i32
      %sub3A_143 = vector.broadcast %sub3A_142 : i32 to vector<16xi32>
      %sub3A_144 = arith.subi %add3A_138, %sub3A_143 : vector<16xi32>
      %select_n3A_145 = arith.select %ge3A_141, %sub3A_144, %add3A_138 : vector<16xi1>, vector<16xi32>
      %swap3A_146 = arith.index_cast %add3A_115 : i32 to index
      %swap3A_147 = arith.constant 16 : index
      %swap3A_148 = tpu.vector_load %arg6[%swap3A_146, %swap3A_147] {strides = array<i32>} : memref<160x128xi32, #tpu.memory_space<vmem>>, vector<1x16xi32>,
      %swap3A_149 = vector.shape_cast %swap3A_148 : vector<1x16xi32> to vector<16xi32>
      %swap3A_150 = vector.shape_cast %select_n3A_145 : vector<16xi32> to vector<1x16xi32>
      tpu.vector_store %arg6[%swap3A_146, %swap3A_147], %swap3A_150 {strides = array<i32>} : memref<160x128xi32, #tpu.memory_space<vmem>>, vector<1x16xi32>,
      %iota3A_151 = tpu.iota {dimensions = array<i32: 0>} : vector<16xi32>
      %mul3A_152 = arith.constant 128 : i32
      %mul3A_153 = arith.muli %add3A_115, %mul3A_152 : i32
      %add3A_154 = vector.broadcast %mul3A_153 : i32 to vector<16xi32>
      %add3A_155 = arith.addi %iota3A_151, %add3A_154 : vector<16xi32>
      %add3A_156 = arith.constant 32 : i32
      %add3A_157 = vector.broadcast %add3A_156 : i32 to vector<16xi32>
      %add3A_158 = arith.addi %add3A_155, %add3A_157 : vector<16xi32>
      %ge3A_159 = arith.constant 10240 : i32
      %ge3A_160 = vector.broadcast %ge3A_159 : i32 to vector<16xi32>
      %ge3A_161 = arith.cmpi sge, %add3A_158, %ge3A_160 : vector<16xi32>
      %sub3A_162 = arith.constant 10240 : i32
      %sub3A_163 = vector.broadcast %sub3A_162 : i32 to vector<16xi32>
      %sub3A_164 = arith.subi %add3A_158, %sub3A_163 : vector<16xi32>
      %select_n3A_165 = arith.select %ge3A_161, %sub3A_164, %add3A_158 : vector<16xi1>, vector<16xi32>
      %swap3A_166 = arith.index_cast %add3A_115 : i32 to index
      %swap3A_167 = arith.constant 32 : index
      %swap3A_168 = tpu.vector_load %arg6[%swap3A_166, %swap3A_167] {strides = array<i32>} : memref<160x128xi32, #tpu.memory_space<vmem>>, vector<1x16xi32>,
      %swap3A_169 = vector.shape_cast %swap3A_168 : vector<1x16xi32> to vector<16xi32>
      %swap3A_170 = vector.shape_cast %select_n3A_165 : vector<16xi32> to vector<1x16xi32>
      tpu.vector_store %arg6[%swap3A_166, %swap3A_167], %swap3A_170 {strides = array<i32>} : memref<160x128xi32, #tpu.memory_space<vmem>>, vector<1x16xi32>,
      %iota3A_171 = tpu.iota {dimensions = array<i32: 0>} : vector<16xi32>
      %mul3A_172 = arith.constant 128 : i32
      %mul3A_173 = arith.muli %add3A_115, %mul3A_172 : i32
      %add3A_174 = vector.broadcast %mul3A_173 : i32 to vector<16xi32>
      %add3A_175 = arith.addi %iota3A_171, %add3A_174 : vector<16xi32>
      %add3A_176 = arith.constant 48 : i32
      %add3A_177 = vector.broadcast %add3A_176 : i32 to vector<16xi32>
      %add3A_178 = arith.addi %add3A_175, %add3A_177 : vector<16xi32>
      %ge3A_179 = arith.constant 10240 : i32
      %ge3A_180 = vector.broadcast %ge3A_179 : i32 to vector<16xi32>
      %ge3A_181 = arith.cmpi sge, %add3A_178, %ge3A_180 : vector<16xi32>
      %sub3A_182 = arith.constant 10240 : i32
      %sub3A_183 = vector.broadcast %sub3A_182 : i32 to vector<16xi32>
      %sub3A_184 = arith.subi %add3A_178, %sub3A_183 : vector<16xi32>
      %select_n3A_185 = arith.select %ge3A_181, %sub3A_184, %add3A_178 : vector<16xi1>, vector<16xi32>
      %swap3A_186 = arith.index_cast %add3A_115 : i32 to index
      %swap3A_187 = arith.constant 48 : index
      %swap3A_188 = tpu.vector_load %arg6[%swap3A_186, %swap3A_187] {strides = array<i32>} : memref<160x128xi32, #tpu.memory_space<vmem>>, vector<1x16xi32>,
      %swap3A_189 = vector.shape_cast %swap3A_188 : vector<1x16xi32> to vector<16xi32>
      %swap3A_190 = vector.shape_cast %select_n3A_185 : vector<16xi32> to vector<1x16xi32>
      tpu.vector_store %arg6[%swap3A_186, %swap3A_187], %swap3A_190 {strides = array<i32>} : memref<160x128xi32, #tpu.memory_space<vmem>>, vector<1x16xi32>,
      %iota3A_191 = tpu.iota {dimensions = array<i32: 0>} : vector<16xi32>
      %mul3A_192 = arith.constant 128 : i32
      %mul3A_193 = arith.muli %add3A_115, %mul3A_192 : i32
      %add3A_194 = vector.broadcast %mul3A_193 : i32 to vector<16xi32>
      %add3A_195 = arith.addi %iota3A_191, %add3A_194 : vector<16xi32>
      %add3A_196 = arith.constant 64 : i32
      %add3A_197 = vector.broadcast %add3A_196 : i32 to vector<16xi32>
      %add3A_198 = arith.addi %add3A_195, %add3A_197 : vector<16xi32>
      %ge3A_199 = arith.constant 10240 : i32
      %ge3A_200 = vector.broadcast %ge3A_199 : i32 to vector<16xi32>
      %ge3A_201 = arith.cmpi sge, %add3A_198, %ge3A_200 : vector<16xi32>
      %sub3A_202 = arith.constant 10240 : i32
      %sub3A_203 = vector.broadcast %sub3A_202 : i32 to vector<16xi32>
      %sub3A_204 = arith.subi %add3A_198, %sub3A_203 : vector<16xi32>
      %select_n3A_205 = arith.select %ge3A_201, %sub3A_204, %add3A_198 : vector<16xi1>, vector<16xi32>
      %swap3A_206 = arith.index_cast %add3A_115 : i32 to index
      %swap3A_207 = arith.constant 64 : index
      %swap3A_208 = tpu.vector_load %arg6[%swap3A_206, %swap3A_207] {strides = array<i32>} : memref<160x128xi32, #tpu.memory_space<vmem>>, vector<1x16xi32>,
      %swap3A_209 = vector.shape_cast %swap3A_208 : vector<1x16xi32> to vector<16xi32>
      %swap3A_210 = vector.shape_cast %select_n3A_205 : vector<16xi32> to vector<1x16xi32>
      tpu.vector_store %arg6[%swap3A_206, %swap3A_207], %swap3A_210 {strides = array<i32>} : memref<160x128xi32, #tpu.memory_space<vmem>>, vector<1x16xi32>,
      %iota3A_211 = tpu.iota {dimensions = array<i32: 0>} : vector<16xi32>
      %mul3A_212 = arith.constant 128 : i32
      %mul3A_213 = arith.muli %add3A_115, %mul3A_212 : i32
      %add3A_214 = vector.broadcast %mul3A_213 : i32 to vector<16xi32>
      %add3A_215 = arith.addi %iota3A_211, %add3A_214 : vector<16xi32>
      %add3A_216 = arith.constant 80 : i32
      %add3A_217 = vector.broadcast %add3A_216 : i32 to vector<16xi32>
      %add3A_218 = arith.addi %add3A_215, %add3A_217 : vector<16xi32>
      %ge3A_219 = arith.constant 10240 : i32
      %ge3A_220 = vector.broadcast %ge3A_219 : i32 to vector<16xi32>
      %ge3A_221 = arith.cmpi sge, %add3A_218, %ge3A_220 : vector<16xi32>
      %sub3A_222 = arith.constant 10240 : i32
      %sub3A_223 = vector.broadcast %sub3A_222 : i32 to vector<16xi32>
      %sub3A_224 = arith.subi %add3A_218, %sub3A_223 : vector<16xi32>
      %select_n3A_225 = arith.select %ge3A_221, %sub3A_224, %add3A_218 : vector<16xi1>, vector<16xi32>
      %swap3A_226 = arith.index_cast %add3A_115 : i32 to index
      %swap3A_227 = arith.constant 80 : index
      %swap3A_228 = tpu.vector_load %arg6[%swap3A_226, %swap3A_227] {strides = array<i32>} : memref<160x128xi32, #tpu.memory_space<vmem>>, vector<1x16xi32>,
      %swap3A_229 = vector.shape_cast %swap3A_228 : vector<1x16xi32> to vector<16xi32>
      %swap3A_230 = vector.shape_cast %select_n3A_225 : vector<16xi32> to vector<1x16xi32>
      tpu.vector_store %arg6[%swap3A_226, %swap3A_227], %swap3A_230 {strides = array<i32>} : memref<160x128xi32, #tpu.memory_space<vmem>>, vector<1x16xi32>,
      %iota3A_231 = tpu.iota {dimensions = array<i32: 0>} : vector<16xi32>
      %mul3A_232 = arith.constant 128 : i32
      %mul3A_233 = arith.muli %add3A_115, %mul3A_232 : i32
      %add3A_234 = vector.broadcast %mul3A_233 : i32 to vector<16xi32>
      %add3A_235 = arith.addi %iota3A_231, %add3A_234 : vector<16xi32>
      %add3A_236 = arith.constant 96 : i32
      %add3A_237 = vector.broadcast %add3A_236 : i32 to vector<16xi32>
      %add3A_238 = arith.addi %add3A_235, %add3A_237 : vector<16xi32>
      %ge3A_239 = arith.constant 10240 : i32
      %ge3A_240 = vector.broadcast %ge3A_239 : i32 to vector<16xi32>
      %ge3A_241 = arith.cmpi sge, %add3A_238, %ge3A_240 : vector<16xi32>
      %sub3A_242 = arith.constant 10240 : i32
      %sub3A_243 = vector.broadcast %sub3A_242 : i32 to vector<16xi32>
      %sub3A_244 = arith.subi %add3A_238, %sub3A_243 : vector<16xi32>
      %select_n3A_245 = arith.select %ge3A_241, %sub3A_244, %add3A_238 : vector<16xi1>, vector<16xi32>
      %swap3A_246 = arith.index_cast %add3A_115 : i32 to index
      %swap3A_247 = arith.constant 96 : index
      %swap3A_248 = tpu.vector_load %arg6[%swap3A_246, %swap3A_247] {strides = array<i32>} : memref<160x128xi32, #tpu.memory_space<vmem>>, vector<1x16xi32>,
      %swap3A_249 = vector.shape_cast %swap3A_248 : vector<1x16xi32> to vector<16xi32>
      %swap3A_250 = vector.shape_cast %select_n3A_245 : vector<16xi32> to vector<1x16xi32>
      tpu.vector_store %arg6[%swap3A_246, %swap3A_247], %swap3A_250 {strides = array<i32>} : memref<160x128xi32, #tpu.memory_space<vmem>>, vector<1x16xi32>,
      %iota3A_251 = tpu.iota {dimensions = array<i32: 0>} : vector<16xi32>
      %mul3A_252 = arith.constant 128 : i32
      %mul3A_253 = arith.muli %add3A_115, %mul3A_252 : i32
      %add3A_254 = vector.broadcast %mul3A_253 : i32 to vector<16xi32>
      %add3A_255 = arith.addi %iota3A_251, %add3A_254 : vector<16xi32>
      %add3A_256 = arith.constant 112 : i32
      %add3A_257 = vector.broadcast %add3A_256 : i32 to vector<16xi32>
      %add3A_258 = arith.addi %add3A_255, %add3A_257 : vector<16xi32>
      %ge3A_259 = arith.constant 10240 : i32
      %ge3A_260 = vector.broadcast %ge3A_259 : i32 to vector<16xi32>
      %ge3A_261 = arith.cmpi sge, %add3A_258, %ge3A_260 : vector<16xi32>
      %sub3A_262 = arith.constant 10240 : i32
      %sub3A_263 = vector.broadcast %sub3A_262 : i32 to vector<16xi32>
      %sub3A_264 = arith.subi %add3A_258, %sub3A_263 : vector<16xi32>
      %select_n3A_265 = arith.select %ge3A_261, %sub3A_264, %add3A_258 : vector<16xi1>, vector<16xi32>
      %swap3A_266 = arith.index_cast %add3A_115 : i32 to index
      %swap3A_267 = arith.constant 112 : index
      %swap3A_268 = tpu.vector_load %arg6[%swap3A_266, %swap3A_267] {strides = array<i32>} : memref<160x128xi32, #tpu.memory_space<vmem>>, vector<1x16xi32>,
      %swap3A_269 = vector.shape_cast %swap3A_268 : vector<1x16xi32> to vector<16xi32>
      %swap3A_270 = vector.shape_cast %select_n3A_265 : vector<16xi32> to vector<1x16xi32>
      tpu.vector_store %arg6[%swap3A_266, %swap3A_267], %swap3A_270 {strides = array<i32>} : memref<160x128xi32, #tpu.memory_space<vmem>>, vector<1x16xi32>,
    }
    %scan3A_18 = arith.constant 160 : i32
    %dma_start3A = arith.constant 0 : i32
    %dma_start3A_19 = arith.constant 0 : i32
    %dma_start3A_20 = tpu.memref_slice %arg6[%dma_start3A, %dma_start3A_19] : memref<160x128xi32, #tpu.memory_space<vmem>> -> memref<1x128xi32, #tpu.memory_space<vmem>>
    %dma_start3A_21 = tpu.memref_squeeze %dma_start3A_20 : memref<1x128xi32, #tpu.memory_space<vmem>> -> memref<128xi32, #tpu.memory_space<vmem>>
    %dma_start3A_22 = arith.constant 0 : i32
    %dma_start3A_23 = arith.constant 0 : i32
    %dma_start3A_24 = tpu.memref_slice %arg2[%arg0, %dma_start3A_22, %dma_start3A_23] : memref<2x10240x64xf32, #tpu.memory_space<hbm>> -> memref<1x10240x64xf32, #tpu.memory_space<hbm>>
    %dma_start3A_25 = tpu.memref_squeeze %dma_start3A_24 : memref<1x10240x64xf32, #tpu.memory_space<hbm>> -> memref<10240x64xf32, #tpu.memory_space<hbm>>
    %dma_start3A_26 = arith.constant 0 : i32
    %dma_start3A_27 = arith.constant 0 : i32
    %dma_start3A_28 = tpu.memref_slice %dma_start3A_25[%dma_start3A_26, %dma_start3A_27] : memref<10240x64xf32, #tpu.memory_space<hbm>> -> memref<10240x64xf32, #tpu.memory_space<hbm>>
    tpu.enqueue_indirect_dma source(%dma_start3A_28 : memref<10240x64xf32, #tpu.memory_space<hbm>>) target(%arg8 : memref<128x64xf32, #tpu.memory_space<vmem>>) offsets(%dma_start3A_21 : memref<128xi32, #tpu.memory_space<vmem>>) semaphore(%arg13 : memref<!tpu.dma_semaphore, #tpu.memory_space<semaphore_mem>>)
    %dma_start3A_29 = arith.constant 1 : i32
    %dma_start3A_30 = arith.constant 0 : i32
    %dma_start3A_31 = tpu.memref_slice %arg6[%dma_start3A_29, %dma_start3A_30] : memref<160x128xi32, #tpu.memory_space<vmem>> -> memref<1x128xi32, #tpu.memory_space<vmem>>
    %dma_start3A_32 = tpu.memref_squeeze %dma_start3A_31 : memref<1x128xi32, #tpu.memory_space<vmem>> -> memref<128xi32, #tpu.memory_space<vmem>>
    %dma_start3A_33 = arith.constant 0 : i32
    %dma_start3A_34 = arith.constant 0 : i32
    %dma_start3A_35 = tpu.memref_slice %arg2[%arg0, %dma_start3A_33, %dma_start3A_34] : memref<2x10240x64xf32, #tpu.memory_space<hbm>> -> memref<1x10240x64xf32, #tpu.memory_space<hbm>>
    %dma_start3A_36 = tpu.memref_squeeze %dma_start3A_35 : memref<1x10240x64xf32, #tpu.memory_space<hbm>> -> memref<10240x64xf32, #tpu.memory_space<hbm>>
    %dma_start3A_37 = arith.constant 0 : i32
    %dma_start3A_38 = arith.constant 0 : i32
    %dma_start3A_39 = tpu.memref_slice %dma_start3A_36[%dma_start3A_37, %dma_start3A_38] : memref<10240x64xf32, #tpu.memory_space<hbm>> -> memref<10240x64xf32, #tpu.memory_space<hbm>>
    tpu.enqueue_indirect_dma source(%dma_start3A_39 : memref<10240x64xf32, #tpu.memory_space<hbm>>) target(%arg9 : memref<128x64xf32, #tpu.memory_space<vmem>>) offsets(%dma_start3A_32 : memref<128xi32, #tpu.memory_space<vmem>>) semaphore(%arg14 : memref<!tpu.dma_semaphore, #tpu.memory_space<semaphore_mem>>)
    %dma_start3A_40 = arith.constant 2 : i32
    %dma_start3A_41 = arith.constant 0 : i32
    %dma_start3A_42 = tpu.memref_slice %arg6[%dma_start3A_40, %dma_start3A_41] : memref<160x128xi32, #tpu.memory_space<vmem>> -> memref<1x128xi32, #tpu.memory_space<vmem>>
    %dma_start3A_43 = tpu.memref_squeeze %dma_start3A_42 : memref<1x128xi32, #tpu.memory_space<vmem>> -> memref<128xi32, #tpu.memory_space<vmem>>
    %dma_start3A_44 = arith.constant 0 : i32
    %dma_start3A_45 = arith.constant 0 : i32
    %dma_start3A_46 = tpu.memref_slice %arg2[%arg0, %dma_start3A_44, %dma_start3A_45] : memref<2x10240x64xf32, #tpu.memory_space<hbm>> -> memref<1x10240x64xf32, #tpu.memory_space<hbm>>
    %dma_start3A_47 = tpu.memref_squeeze %dma_start3A_46 : memref<1x10240x64xf32, #tpu.memory_space<hbm>> -> memref<10240x64xf32, #tpu.memory_space<hbm>>
    %dma_start3A_48 = arith.constant 0 : i32
    %dma_start3A_49 = arith.constant 0 : i32
    %dma_start3A_50 = tpu.memref_slice %dma_start3A_47[%dma_start3A_48, %dma_start3A_49] : memref<10240x64xf32, #tpu.memory_space<hbm>> -> memref<10240x64xf32, #tpu.memory_space<hbm>>
    tpu.enqueue_indirect_dma source(%dma_start3A_50 : memref<10240x64xf32, #tpu.memory_space<hbm>>) target(%arg10 : memref<128x64xf32, #tpu.memory_space<vmem>>) offsets(%dma_start3A_43 : memref<128xi32, #tpu.memory_space<vmem>>) semaphore(%arg15 : memref<!tpu.dma_semaphore, #tpu.memory_space<semaphore_mem>>)
    %dma_start3A_51 = arith.constant 3 : i32
    %dma_start3A_52 = arith.constant 0 : i32
    %dma_start3A_53 = tpu.memref_slice %arg6[%dma_start3A_51, %dma_start3A_52] : memref<160x128xi32, #tpu.memory_space<vmem>> -> memref<1x128xi32, #tpu.memory_space<vmem>>
    %dma_start3A_54 = tpu.memref_squeeze %dma_start3A_53 : memref<1x128xi32, #tpu.memory_space<vmem>> -> memref<128xi32, #tpu.memory_space<vmem>>
    %dma_start3A_55 = arith.constant 0 : i32
    %dma_start3A_56 = arith.constant 0 : i32
    %dma_start3A_57 = tpu.memref_slice %arg2[%arg0, %dma_start3A_55, %dma_start3A_56] : memref<2x10240x64xf32, #tpu.memory_space<hbm>> -> memref<1x10240x64xf32, #tpu.memory_space<hbm>>
    %dma_start3A_58 = tpu.memref_squeeze %dma_start3A_57 : memref<1x10240x64xf32, #tpu.memory_space<hbm>> -> memref<10240x64xf32, #tpu.memory_space<hbm>>
    %dma_start3A_59 = arith.constant 0 : i32
    %dma_start3A_60 = arith.constant 0 : i32
    %dma_start3A_61 = tpu.memref_slice %dma_start3A_58[%dma_start3A_59, %dma_start3A_60] : memref<10240x64xf32, #tpu.memory_space<hbm>> -> memref<10240x64xf32, #tpu.memory_space<hbm>>
    tpu.enqueue_indirect_dma source(%dma_start3A_61 : memref<10240x64xf32, #tpu.memory_space<hbm>>) target(%arg11 : memref<128x64xf32, #tpu.memory_space<vmem>>) offsets(%dma_start3A_54 : memref<128xi32, #tpu.memory_space<vmem>>) semaphore(%arg16 : memref<!tpu.dma_semaphore, #tpu.memory_space<semaphore_mem>>)
    %scan3A_62 = arith.constant 0 : i32
    %scan3A_63 = arith.constant 39 : i32
    %scan3A_64 = arith.addi %scan3A_62, %scan3A_63 : i32
    %scan3A_65 = arith.constant 1 : i32
    scf.for %scan3A_111 = %scan3A_62 to %scan3A_64 step %scan3A_65  : i32 {
      %mul3A_112 = arith.constant 4 : i32
      %mul3A_113 = arith.muli %scan3A_111, %mul3A_112 : i32
      %add3A_114 = arith.constant 4 : i32
      %add3A_115 = arith.addi %add3A_114, %mul3A_113 : i32
      %dma_wait3A_116 = arith.constant 0 : i32
      %dma_wait3A_117 = arith.constant 0 : i32
      %dma_wait3A_118 = tpu.memref_slice %arg6[%dma_wait3A_116, %dma_wait3A_117] : memref<160x128xi32, #tpu.memory_space<vmem>> -> memref<1x128xi32, #tpu.memory_space<vmem>>
      %dma_wait3A_119 = tpu.memref_squeeze %dma_wait3A_118 : memref<1x128xi32, #tpu.memory_space<vmem>> -> memref<128xi32, #tpu.memory_space<vmem>>
      %dma_wait3A_120 = arith.constant 0 : i32
      %dma_wait3A_121 = arith.constant 0 : i32
      %dma_wait3A_122 = tpu.memref_slice %arg2[%arg0, %dma_wait3A_120, %dma_wait3A_121] : memref<2x10240x64xf32, #tpu.memory_space<hbm>> -> memref<1x10240x64xf32, #tpu.memory_space<hbm>>
      %dma_wait3A_123 = tpu.memref_squeeze %dma_wait3A_122 : memref<1x10240x64xf32, #tpu.memory_space<hbm>> -> memref<10240x64xf32, #tpu.memory_space<hbm>>
      %dma_wait3A_124 = arith.constant 0 : i32
      %dma_wait3A_125 = arith.constant 0 : i32
      %dma_wait3A_126 = tpu.memref_slice %dma_wait3A_123[%dma_wait3A_124, %dma_wait3A_125] : memref<10240x64xf32, #tpu.memory_space<hbm>> -> memref<10240x64xf32, #tpu.memory_space<hbm>>
      tpu.wait_indirect_dma semaphore(%arg13 : memref<!tpu.dma_semaphore, #tpu.memory_space<semaphore_mem>>) src(%dma_wait3A_126 : memref<10240x64xf32, #tpu.memory_space<hbm>>) dst(%arg8 : memref<128x64xf32, #tpu.memory_space<vmem>>)
      %sub3A = arith.constant 4 : i32
      %sub3A_127 = arith.subi %add3A_115, %sub3A : i32
      %add3A_128 = arith.constant 0 : i32
      %add3A_129 = arith.addi %sub3A_127, %add3A_128 : i32
      %dma_wait3A_130 = arith.constant 0 : i32
      %dma_wait3A_131 = arith.constant 0 : i32
      %dma_wait3A_132 = tpu.memref_slice %arg6[%dma_wait3A_130, %dma_wait3A_131] : memref<160x128xi32, #tpu.memory_space<vmem>> -> memref<1x128xi32, #tpu.memory_space<vmem>>
      %dma_wait3A_133 = tpu.memref_squeeze %dma_wait3A_132 : memref<1x128xi32, #tpu.memory_space<vmem>> -> memref<128xi32, #tpu.memory_space<vmem>>
      %dma_wait3A_134 = arith.constant 0 : i32
      %dma_wait3A_135 = arith.constant 0 : i32
      %dma_wait3A_136 = tpu.memref_slice %arg2[%arg0, %dma_wait3A_134, %dma_wait3A_135] : memref<2x10240x64xf32, #tpu.memory_space<hbm>> -> memref<1x10240x64xf32, #tpu.memory_space<hbm>>
      %dma_wait3A_137 = tpu.memref_squeeze %dma_wait3A_136 : memref<1x10240x64xf32, #tpu.memory_space<hbm>> -> memref<10240x64xf32, #tpu.memory_space<hbm>>
      %dma_wait3A_138 = arith.constant 0 : i32
      %dma_wait3A_139 = arith.constant 0 : i32
      %dma_wait3A_140 = tpu.memref_slice %dma_wait3A_137[%dma_wait3A_138, %dma_wait3A_139] : memref<10240x64xf32, #tpu.memory_space<hbm>> -> memref<10240x64xf32, #tpu.memory_space<hbm>>
      tpu.wait_indirect_dma semaphore(%arg14 : memref<!tpu.dma_semaphore, #tpu.memory_space<semaphore_mem>>) src(%dma_wait3A_140 : memref<10240x64xf32, #tpu.memory_space<hbm>>) dst(%arg9 : memref<128x64xf32, #tpu.memory_space<vmem>>)
      %sub3A_141 = arith.constant 4 : i32
      %sub3A_142 = arith.subi %add3A_115, %sub3A_141 : i32
      %add3A_143 = arith.constant 1 : i32
      %add3A_144 = arith.addi %sub3A_142, %add3A_143 : i32
      %dma_wait3A_145 = arith.constant 0 : i32
      %dma_wait3A_146 = arith.constant 0 : i32
      %dma_wait3A_147 = tpu.memref_slice %arg6[%dma_wait3A_145, %dma_wait3A_146] : memref<160x128xi32, #tpu.memory_space<vmem>> -> memref<1x128xi32, #tpu.memory_space<vmem>>
      %dma_wait3A_148 = tpu.memref_squeeze %dma_wait3A_147 : memref<1x128xi32, #tpu.memory_space<vmem>> -> memref<128xi32, #tpu.memory_space<vmem>>
      %dma_wait3A_149 = arith.constant 0 : i32
      %dma_wait3A_150 = arith.constant 0 : i32
      %dma_wait3A_151 = tpu.memref_slice %arg2[%arg0, %dma_wait3A_149, %dma_wait3A_150] : memref<2x10240x64xf32, #tpu.memory_space<hbm>> -> memref<1x10240x64xf32, #tpu.memory_space<hbm>>
      %dma_wait3A_152 = tpu.memref_squeeze %dma_wait3A_151 : memref<1x10240x64xf32, #tpu.memory_space<hbm>> -> memref<10240x64xf32, #tpu.memory_space<hbm>>
      %dma_wait3A_153 = arith.constant 0 : i32
      %dma_wait3A_154 = arith.constant 0 : i32
      %dma_wait3A_155 = tpu.memref_slice %dma_wait3A_152[%dma_wait3A_153, %dma_wait3A_154] : memref<10240x64xf32, #tpu.memory_space<hbm>> -> memref<10240x64xf32, #tpu.memory_space<hbm>>
      tpu.wait_indirect_dma semaphore(%arg15 : memref<!tpu.dma_semaphore, #tpu.memory_space<semaphore_mem>>) src(%dma_wait3A_155 : memref<10240x64xf32, #tpu.memory_space<hbm>>) dst(%arg10 : memref<128x64xf32, #tpu.memory_space<vmem>>)
      %sub3A_156 = arith.constant 4 : i32
      %sub3A_157 = arith.subi %add3A_115, %sub3A_156 : i32
      %add3A_158 = arith.constant 2 : i32
      %add3A_159 = arith.addi %sub3A_157, %add3A_158 : i32
      %dma_wait3A_160 = arith.constant 0 : i32
      %dma_wait3A_161 = arith.constant 0 : i32
      %dma_wait3A_162 = tpu.memref_slice %arg6[%dma_wait3A_160, %dma_wait3A_161] : memref<160x128xi32, #tpu.memory_space<vmem>> -> memref<1x128xi32, #tpu.memory_space<vmem>>
      %dma_wait3A_163 = tpu.memref_squeeze %dma_wait3A_162 : memref<1x128xi32, #tpu.memory_space<vmem>> -> memref<128xi32, #tpu.memory_space<vmem>>
      %dma_wait3A_164 = arith.constant 0 : i32
      %dma_wait3A_165 = arith.constant 0 : i32
      %dma_wait3A_166 = tpu.memref_slice %arg2[%arg0, %dma_wait3A_164, %dma_wait3A_165] : memref<2x10240x64xf32, #tpu.memory_space<hbm>> -> memref<1x10240x64xf32, #tpu.memory_space<hbm>>
      %dma_wait3A_167 = tpu.memref_squeeze %dma_wait3A_166 : memref<1x10240x64xf32, #tpu.memory_space<hbm>> -> memref<10240x64xf32, #tpu.memory_space<hbm>>
      %dma_wait3A_168 = arith.constant 0 : i32
      %dma_wait3A_169 = arith.constant 0 : i32
      %dma_wait3A_170 = tpu.memref_slice %dma_wait3A_167[%dma_wait3A_168, %dma_wait3A_169] : memref<10240x64xf32, #tpu.memory_space<hbm>> -> memref<10240x64xf32, #tpu.memory_space<hbm>>
      tpu.wait_indirect_dma semaphore(%arg16 : memref<!tpu.dma_semaphore, #tpu.memory_space<semaphore_mem>>) src(%dma_wait3A_170 : memref<10240x64xf32, #tpu.memory_space<hbm>>) dst(%arg11 : memref<128x64xf32, #tpu.memory_space<vmem>>)
      %sub3A_171 = arith.constant 4 : i32
      %sub3A_172 = arith.subi %add3A_115, %sub3A_171 : i32
      %add3A_173 = arith.constant 3 : i32
      %add3A_174 = arith.addi %sub3A_172, %add3A_173 : i32
      %add3A_175 = arith.constant 0 : i32
      %add3A_176 = arith.addi %add3A_115, %add3A_175 : i32
      %dma_start3A_177 = arith.constant 0 : i32
      %dma_start3A_178 = tpu.memref_slice %arg6[%add3A_176, %dma_start3A_177] : memref<160x128xi32, #tpu.memory_space<vmem>> -> memref<1x128xi32, #tpu.memory_space<vmem>>
      %dma_start3A_179 = tpu.memref_squeeze %dma_start3A_178 : memref<1x128xi32, #tpu.memory_space<vmem>> -> memref<128xi32, #tpu.memory_space<vmem>>
      %dma_start3A_180 = arith.constant 0 : i32
      %dma_start3A_181 = arith.constant 0 : i32
      %dma_start3A_182 = tpu.memref_slice %arg2[%arg0, %dma_start3A_180, %dma_start3A_181] : memref<2x10240x64xf32, #tpu.memory_space<hbm>> -> memref<1x10240x64xf32, #tpu.memory_space<hbm>>
      %dma_start3A_183 = tpu.memref_squeeze %dma_start3A_182 : memref<1x10240x64xf32, #tpu.memory_space<hbm>> -> memref<10240x64xf32, #tpu.memory_space<hbm>>
      %dma_start3A_184 = arith.constant 0 : i32
      %dma_start3A_185 = arith.constant 0 : i32
      %dma_start3A_186 = tpu.memref_slice %dma_start3A_183[%dma_start3A_184, %dma_start3A_185] : memref<10240x64xf32, #tpu.memory_space<hbm>> -> memref<10240x64xf32, #tpu.memory_space<hbm>>
      tpu.enqueue_indirect_dma source(%dma_start3A_186 : memref<10240x64xf32, #tpu.memory_space<hbm>>) target(%arg8 : memref<128x64xf32, #tpu.memory_space<vmem>>) offsets(%dma_start3A_179 : memref<128xi32, #tpu.memory_space<vmem>>) semaphore(%arg13 : memref<!tpu.dma_semaphore, #tpu.memory_space<semaphore_mem>>)
      %add3A_187 = arith.constant 1 : i32
      %add3A_188 = arith.addi %add3A_115, %add3A_187 : i32
      %dma_start3A_189 = arith.constant 0 : i32
      %dma_start3A_190 = tpu.memref_slice %arg6[%add3A_188, %dma_start3A_189] : memref<160x128xi32, #tpu.memory_space<vmem>> -> memref<1x128xi32, #tpu.memory_space<vmem>>
      %dma_start3A_191 = tpu.memref_squeeze %dma_start3A_190 : memref<1x128xi32, #tpu.memory_space<vmem>> -> memref<128xi32, #tpu.memory_space<vmem>>
      %dma_start3A_192 = arith.constant 0 : i32
      %dma_start3A_193 = arith.constant 0 : i32
      %dma_start3A_194 = tpu.memref_slice %arg2[%arg0, %dma_start3A_192, %dma_start3A_193] : memref<2x10240x64xf32, #tpu.memory_space<hbm>> -> memref<1x10240x64xf32, #tpu.memory_space<hbm>>
      %dma_start3A_195 = tpu.memref_squeeze %dma_start3A_194 : memref<1x10240x64xf32, #tpu.memory_space<hbm>> -> memref<10240x64xf32, #tpu.memory_space<hbm>>
      %dma_start3A_196 = arith.constant 0 : i32
      %dma_start3A_197 = arith.constant 0 : i32
      %dma_start3A_198 = tpu.memref_slice %dma_start3A_195[%dma_start3A_196, %dma_start3A_197] : memref<10240x64xf32, #tpu.memory_space<hbm>> -> memref<10240x64xf32, #tpu.memory_space<hbm>>
      tpu.enqueue_indirect_dma source(%dma_start3A_198 : memref<10240x64xf32, #tpu.memory_space<hbm>>) target(%arg9 : memref<128x64xf32, #tpu.memory_space<vmem>>) offsets(%dma_start3A_191 : memref<128xi32, #tpu.memory_space<vmem>>) semaphore(%arg14 : memref<!tpu.dma_semaphore, #tpu.memory_space<semaphore_mem>>)
      %add3A_199 = arith.constant 2 : i32
      %add3A_200 = arith.addi %add3A_115, %add3A_199 : i32
      %dma_start3A_201 = arith.constant 0 : i32
      %dma_start3A_202 = tpu.memref_slice %arg6[%add3A_200, %dma_start3A_201] : memref<160x128xi32, #tpu.memory_space<vmem>> -> memref<1x128xi32, #tpu.memory_space<vmem>>
      %dma_start3A_203 = tpu.memref_squeeze %dma_start3A_202 : memref<1x128xi32, #tpu.memory_space<vmem>> -> memref<128xi32, #tpu.memory_space<vmem>>
      %dma_start3A_204 = arith.constant 0 : i32
      %dma_start3A_205 = arith.constant 0 : i32
      %dma_start3A_206 = tpu.memref_slice %arg2[%arg0, %dma_start3A_204, %dma_start3A_205] : memref<2x10240x64xf32, #tpu.memory_space<hbm>> -> memref<1x10240x64xf32, #tpu.memory_space<hbm>>
      %dma_start3A_207 = tpu.memref_squeeze %dma_start3A_206 : memref<1x10240x64xf32, #tpu.memory_space<hbm>> -> memref<10240x64xf32, #tpu.memory_space<hbm>>
      %dma_start3A_208 = arith.constant 0 : i32
      %dma_start3A_209 = arith.constant 0 : i32
      %dma_start3A_210 = tpu.memref_slice %dma_start3A_207[%dma_start3A_208, %dma_start3A_209] : memref<10240x64xf32, #tpu.memory_space<hbm>> -> memref<10240x64xf32, #tpu.memory_space<hbm>>
      tpu.enqueue_indirect_dma source(%dma_start3A_210 : memref<10240x64xf32, #tpu.memory_space<hbm>>) target(%arg10 : memref<128x64xf32, #tpu.memory_space<vmem>>) offsets(%dma_start3A_203 : memref<128xi32, #tpu.memory_space<vmem>>) semaphore(%arg15 : memref<!tpu.dma_semaphore, #tpu.memory_space<semaphore_mem>>)
      %add3A_211 = arith.constant 3 : i32
      %add3A_212 = arith.addi %add3A_115, %add3A_211 : i32
      %dma_start3A_213 = arith.constant 0 : i32
      %dma_start3A_214 = tpu.memref_slice %arg6[%add3A_212, %dma_start3A_213] : memref<160x128xi32, #tpu.memory_space<vmem>> -> memref<1x128xi32, #tpu.memory_space<vmem>>
      %dma_start3A_215 = tpu.memref_squeeze %dma_start3A_214 : memref<1x128xi32, #tpu.memory_space<vmem>> -> memref<128xi32, #tpu.memory_space<vmem>>
      %dma_start3A_216 = arith.constant 0 : i32
      %dma_start3A_217 = arith.constant 0 : i32
      %dma_start3A_218 = tpu.memref_slice %arg2[%arg0, %dma_start3A_216, %dma_start3A_217] : memref<2x10240x64xf32, #tpu.memory_space<hbm>> -> memref<1x10240x64xf32, #tpu.memory_space<hbm>>
      %dma_start3A_219 = tpu.memref_squeeze %dma_start3A_218 : memref<1x10240x64xf32, #tpu.memory_space<hbm>> -> memref<10240x64xf32, #tpu.memory_space<hbm>>
      %dma_start3A_220 = arith.constant 0 : i32
      %dma_start3A_221 = arith.constant 0 : i32
      %dma_start3A_222 = tpu.memref_slice %dma_start3A_219[%dma_start3A_220, %dma_start3A_221] : memref<10240x64xf32, #tpu.memory_space<hbm>> -> memref<10240x64xf32, #tpu.memory_space<hbm>>
      tpu.enqueue_indirect_dma source(%dma_start3A_222 : memref<10240x64xf32, #tpu.memory_space<hbm>>) target(%arg11 : memref<128x64xf32, #tpu.memory_space<vmem>>) offsets(%dma_start3A_215 : memref<128xi32, #tpu.memory_space<vmem>>) semaphore(%arg16 : memref<!tpu.dma_semaphore, #tpu.memory_space<semaphore_mem>>)
    }
    %scan3A_66 = arith.constant 39 : i32
    %dma_wait3A = arith.constant 0 : i32
    %dma_wait3A_67 = arith.constant 0 : i32
    %dma_wait3A_68 = tpu.memref_slice %arg6[%dma_wait3A, %dma_wait3A_67] : memref<160x128xi32, #tpu.memory_space<vmem>> -> memref<1x128xi32, #tpu.memory_space<vmem>>
    %dma_wait3A_69 = tpu.memref_squeeze %dma_wait3A_68 : memref<1x128xi32, #tpu.memory_space<vmem>> -> memref<128xi32, #tpu.memory_space<vmem>>
    %dma_wait3A_70 = arith.constant 0 : i32
    %dma_wait3A_71 = arith.constant 0 : i32
    %dma_wait3A_72 = tpu.memref_slice %arg2[%arg0, %dma_wait3A_70, %dma_wait3A_71] : memref<2x10240x64xf32, #tpu.memory_space<hbm>> -> memref<1x10240x64xf32, #tpu.memory_space<hbm>>
    %dma_wait3A_73 = tpu.memref_squeeze %dma_wait3A_72 : memref<1x10240x64xf32, #tpu.memory_space<hbm>> -> memref<10240x64xf32, #tpu.memory_space<hbm>>
    %dma_wait3A_74 = arith.constant 0 : i32
    %dma_wait3A_75 = arith.constant 0 : i32
    %dma_wait3A_76 = tpu.memref_slice %dma_wait3A_73[%dma_wait3A_74, %dma_wait3A_75] : memref<10240x64xf32, #tpu.memory_space<hbm>> -> memref<10240x64xf32, #tpu.memory_space<hbm>>
    tpu.wait_indirect_dma semaphore(%arg13 : memref<!tpu.dma_semaphore, #tpu.memory_space<semaphore_mem>>) src(%dma_wait3A_76 : memref<10240x64xf32, #tpu.memory_space<hbm>>) dst(%arg8 : memref<128x64xf32, #tpu.memory_space<vmem>>)
    %dma_wait3A_77 = arith.constant 0 : i32
    %dma_wait3A_78 = arith.constant 0 : i32
    %dma_wait3A_79 = tpu.memref_slice %arg6[%dma_wait3A_77, %dma_wait3A_78] : memref<160x128xi32, #tpu.memory_space<vmem>> -> memref<1x128xi32, #tpu.memory_space<vmem>>
    %dma_wait3A_80 = tpu.memref_squeeze %dma_wait3A_79 : memref<1x128xi32, #tpu.memory_space<vmem>> -> memref<128xi32, #tpu.memory_space<vmem>>
    %dma_wait3A_81 = arith.constant 0 : i32
    %dma_wait3A_82 = arith.constant 0 : i32
    %dma_wait3A_83 = tpu.memref_slice %arg2[%arg0, %dma_wait3A_81, %dma_wait3A_82] : memref<2x10240x64xf32, #tpu.memory_space<hbm>> -> memref<1x10240x64xf32, #tpu.memory_space<hbm>>
    %dma_wait3A_84 = tpu.memref_squeeze %dma_wait3A_83 : memref<1x10240x64xf32, #tpu.memory_space<hbm>> -> memref<10240x64xf32, #tpu.memory_space<hbm>>
    %dma_wait3A_85 = arith.constant 0 : i32
    %dma_wait3A_86 = arith.constant 0 : i32
    %dma_wait3A_87 = tpu.memref_slice %dma_wait3A_84[%dma_wait3A_85, %dma_wait3A_86] : memref<10240x64xf32, #tpu.memory_space<hbm>> -> memref<10240x64xf32, #tpu.memory_space<hbm>>
    tpu.wait_indirect_dma semaphore(%arg14 : memref<!tpu.dma_semaphore, #tpu.memory_space<semaphore_mem>>) src(%dma_wait3A_87 : memref<10240x64xf32, #tpu.memory_space<hbm>>) dst(%arg9 : memref<128x64xf32, #tpu.memory_space<vmem>>)
    %dma_wait3A_88 = arith.constant 0 : i32
    %dma_wait3A_89 = arith.constant 0 : i32
    %dma_wait3A_90 = tpu.memref_slice %arg6[%dma_wait3A_88, %dma_wait3A_89] : memref<160x128xi32, #tpu.memory_space<vmem>> -> memref<1x128xi32, #tpu.memory_space<vmem>>
    %dma_wait3A_91 = tpu.memref_squeeze %dma_wait3A_90 : memref<1x128xi32, #tpu.memory_space<vmem>> -> memref<128xi32, #tpu.memory_space<vmem>>
    %dma_wait3A_92 = arith.constant 0 : i32
    %dma_wait3A_93 = arith.constant 0 : i32
    %dma_wait3A_94 = tpu.memref_slice %arg2[%arg0, %dma_wait3A_92, %dma_wait3A_93] : memref<2x10240x64xf32, #tpu.memory_space<hbm>> -> memref<1x10240x64xf32, #tpu.memory_space<hbm>>
    %dma_wait3A_95 = tpu.memref_squeeze %dma_wait3A_94 : memref<1x10240x64xf32, #tpu.memory_space<hbm>> -> memref<10240x64xf32, #tpu.memory_space<hbm>>
    %dma_wait3A_96 = arith.constant 0 : i32
    %dma_wait3A_97 = arith.constant 0 : i32
    %dma_wait3A_98 = tpu.memref_slice %dma_wait3A_95[%dma_wait3A_96, %dma_wait3A_97] : memref<10240x64xf32, #tpu.memory_space<hbm>> -> memref<10240x64xf32, #tpu.memory_space<hbm>>
    tpu.wait_indirect_dma semaphore(%arg15 : memref<!tpu.dma_semaphore, #tpu.memory_space<semaphore_mem>>) src(%dma_wait3A_98 : memref<10240x64xf32, #tpu.memory_space<hbm>>) dst(%arg10 : memref<128x64xf32, #tpu.memory_space<vmem>>)
    %dma_wait3A_99 = arith.constant 0 : i32
    %dma_wait3A_100 = arith.constant 0 : i32
    %dma_wait3A_101 = tpu.memref_slice %arg6[%dma_wait3A_99, %dma_wait3A_100] : memref<160x128xi32, #tpu.memory_space<vmem>> -> memref<1x128xi32, #tpu.memory_space<vmem>>
    %dma_wait3A_102 = tpu.memref_squeeze %dma_wait3A_101 : memref<1x128xi32, #tpu.memory_space<vmem>> -> memref<128xi32, #tpu.memory_space<vmem>>
    %dma_wait3A_103 = arith.constant 0 : i32
    %dma_wait3A_104 = arith.constant 0 : i32
    %dma_wait3A_105 = tpu.memref_slice %arg2[%arg0, %dma_wait3A_103, %dma_wait3A_104] : memref<2x10240x64xf32, #tpu.memory_space<hbm>> -> memref<1x10240x64xf32, #tpu.memory_space<hbm>>
    %dma_wait3A_106 = tpu.memref_squeeze %dma_wait3A_105 : memref<1x10240x64xf32, #tpu.memory_space<hbm>> -> memref<10240x64xf32, #tpu.memory_space<hbm>>
    %dma_wait3A_107 = arith.constant 0 : i32
    %dma_wait3A_108 = arith.constant 0 : i32
    %dma_wait3A_109 = tpu.memref_slice %dma_wait3A_106[%dma_wait3A_107, %dma_wait3A_108] : memref<10240x64xf32, #tpu.memory_space<hbm>> -> memref<10240x64xf32, #tpu.memory_space<hbm>>
    tpu.wait_indirect_dma semaphore(%arg16 : memref<!tpu.dma_semaphore, #tpu.memory_space<semaphore_mem>>) src(%dma_wait3A_109 : memref<10240x64xf32, #tpu.memory_space<hbm>>) dst(%arg11 : memref<128x64xf32, #tpu.memory_space<vmem>>)
    %barrier3A_110 = arith.constant 0 : index
    tpu.barrier barrier_id(%barrier3A_110)
    "tpu.region"() ({
      %run_scoped3A = tpu.sem_alloc : memref<!tpu.dma_semaphore, #tpu.memory_space<semaphore_mem>>
      %dma_start3A_111 = arith.constant 0 : i32
      %dma_start3A_112 = tpu.memref_slice %arg5[%arg0, %mul3A_4, %dma_start3A_111] : memref<2x10240x64xf32, #tpu.memory_space<hbm>> -> memref<1x640x64xf32, #tpu.memory_space<hbm>>
      %dma_start3A_113 = tpu.memref_squeeze %dma_start3A_112 : memref<1x640x64xf32, #tpu.memory_space<hbm>> -> memref<640x64xf32, #tpu.memory_space<hbm>>
      %dma_start3A_114 = arith.constant 0 : i32
      %dma_start3A_115 = tpu.memref_slice %arg12[%mul3A_4, %dma_start3A_114] : memref<10240x64xf32, #tpu.memory_space<vmem_shared>> -> memref<640x64xf32, #tpu.memory_space<vmem_shared>>
      tpu.enqueue_dma source(%dma_start3A_115 : memref<640x64xf32, #tpu.memory_space<vmem_shared>>) target(%dma_start3A_113 : memref<640x64xf32, #tpu.memory_space<hbm>>) target_semaphore(%run_scoped3A : memref<!tpu.dma_semaphore, #tpu.memory_space<semaphore_mem>>)
      %dma_wait3A_116 = arith.constant 0 : i32
      %dma_wait3A_117 = tpu.memref_slice %arg5[%arg0, %mul3A_4, %dma_wait3A_116] : memref<2x10240x64xf32, #tpu.memory_space<hbm>> -> memref<1x640x64xf32, #tpu.memory_space<hbm>>
      %dma_wait3A_118 = tpu.memref_squeeze %dma_wait3A_117 : memref<1x640x64xf32, #tpu.memory_space<hbm>> -> memref<640x64xf32, #tpu.memory_space<hbm>>
      %dma_wait3A_119 = arith.constant 0 : i32
      %dma_wait3A_120 = tpu.memref_slice %arg12[%mul3A_4, %dma_wait3A_119] : memref<10240x64xf32, #tpu.memory_space<vmem_shared>> -> memref<640x64xf32, #tpu.memory_space<vmem_shared>>
      tpu.wait_dma2 semaphore(%run_scoped3A : memref<!tpu.dma_semaphore, #tpu.memory_space<semaphore_mem>>) src(%dma_wait3A_120 : memref<640x64xf32, #tpu.memory_space<vmem_shared>>) dst(%dma_wait3A_118 : memref<640x64xf32, #tpu.memory_space<hbm>>)
      tpu.yield
    }) : () -> ()
    return
  }
}

module attributes {stable_mosaic.version = 14 : i64} {
  func.func @body(%arg0: memref<10240x128xf32, #tpu.memory_space<vmem>>, %arg1: memref<128x128xf32, #tpu.memory_space<vmem>>, %arg2: memref<10240x16xf32, #tpu.memory_space<vmem>>, %arg3: memref<10240x16xf32, #tpu.memory_space<vmem>>, %arg4: memref<10240x1xf32, #tpu.memory_space<vmem>>, %arg5: memref<2x10240x64xf32, #tpu.memory_space<vmem>>) attributes {dimension_semantics = [], scalar_prefetch = 0 : i64, scratch_operands = 0 : i64, tpu.core_type = #tpu.core_type<tc>} {
    %get3A = arith.constant 0 : index
    %get3A_0 = arith.constant 0 : index
    %get3A_1 = vector.load %arg2[%get3A, %get3A_0] : memref<10240x16xf32, #tpu.memory_space<vmem>>, vector<10240x1xf32>
    %get3A_2 = arith.constant 0 : index
    %get3A_3 = arith.constant 0 : index
    %get3A_4 = vector.load %arg3[%get3A_2, %get3A_3] : memref<10240x16xf32, #tpu.memory_space<vmem>>, vector<10240x1xf32>
    %add3A = arith.addf %get3A_1, %get3A_4 : vector<10240x1xf32>
    %add3A_5 = arith.constant 1.000000e+00 : f32
    %add3A_6 = vector.broadcast %add3A_5 : f32 to vector<10240x1xf32>
    %add3A_7 = arith.addf %add3A, %add3A_6 : vector<10240x1xf32>
    %sqrt3A = math.sqrt %add3A_7 : vector<10240x1xf32>
    %div3A = arith.constant 1.000000e+00 : f32
    %div3A_8 = vector.broadcast %div3A : f32 to vector<10240x1xf32>
    %div3A_9 = arith.divf %div3A_8, %sqrt3A : vector<10240x1xf32>
    %swap3A = arith.constant 0 : index
    %swap3A_10 = arith.constant 0 : index
    %swap3A_11 = vector.load %arg4[%swap3A, %swap3A_10] : memref<10240x1xf32, #tpu.memory_space<vmem>>, vector<10240x1xf32>
    tpu.vector_store %arg4[%swap3A, %swap3A_10], %div3A_9 {strides = array<i32>} : memref<10240x1xf32, #tpu.memory_space<vmem>>, vector<10240x1xf32>,
    %get3A_12 = arith.constant 0 : index
    %get3A_13 = arith.constant 0 : index
    %get3A_14 = vector.load %arg0[%get3A_12, %get3A_13] : memref<10240x128xf32, #tpu.memory_space<vmem>>, vector<10240x128xf32>
    %get3A_15 = arith.constant 0 : index
    %get3A_16 = arith.constant 0 : index
    %get3A_17 = vector.load %arg1[%get3A_15, %get3A_16] : memref<128x128xf32, #tpu.memory_space<vmem>>, vector<128x128xf32>
    %dot_general3A = arith.constant dense<0.000000e+00> : vector<10240x128xf32>
    %dot_general3A_18 = tpu.matmul %get3A_14, %get3A_17, %dot_general3A {dimension_numbers = #tpu.dot_dimension_numbers<[1], [0], [0], [1], [0, 0, 1, 1], [], []>, transpose_lhs_hint = false} : vector<10240x128xf32>, vector<128x128xf32>, vector<10240x128xf32> -> vector<10240x128xf32>
    %mul3A = vector.broadcast %div3A_9 : vector<10240x1xf32> to vector<10240x128xf32>
    %mul3A_19 = arith.mulf %dot_general3A_18, %mul3A : vector<10240x128xf32>
    %slice3A = vector.extract_strided_slice %mul3A_19 {offsets = [0, 0], sizes = [10240, 64], strides = [1, 1]} : vector<10240x128xf32> to vector<10240x64xf32>
    %swap3A_20 = arith.constant 0 : index
    %swap3A_21 = arith.constant 0 : index
    %swap3A_22 = arith.constant 0 : index
    %swap3A_23 = vector.load %arg5[%swap3A_20, %swap3A_21, %swap3A_22] : memref<2x10240x64xf32, #tpu.memory_space<vmem>>, vector<1x10240x64xf32>
    %swap3A_24 = vector.shape_cast %swap3A_23 : vector<1x10240x64xf32> to vector<10240x64xf32>
    %swap3A_25 = vector.shape_cast %slice3A : vector<10240x64xf32> to vector<1x10240x64xf32>
    tpu.vector_store %arg5[%swap3A_20, %swap3A_21, %swap3A_22], %swap3A_25 {strides = array<i32>} : memref<2x10240x64xf32, #tpu.memory_space<vmem>>, vector<1x10240x64xf32>,
    %slice3A_26 = vector.extract_strided_slice %mul3A_19 {offsets = [0, 64], sizes = [10240, 64], strides = [1, 1]} : vector<10240x128xf32> to vector<10240x64xf32>
    %swap3A_27 = arith.constant 1 : index
    %swap3A_28 = arith.constant 0 : index
    %swap3A_29 = arith.constant 0 : index
    %swap3A_30 = vector.load %arg5[%swap3A_27, %swap3A_28, %swap3A_29] : memref<2x10240x64xf32, #tpu.memory_space<vmem>>, vector<1x10240x64xf32>
    %swap3A_31 = vector.shape_cast %swap3A_30 : vector<1x10240x64xf32> to vector<10240x64xf32>
    %swap3A_32 = vector.shape_cast %slice3A_26 : vector<10240x64xf32> to vector<1x10240x64xf32>
    tpu.vector_store %arg5[%swap3A_27, %swap3A_28, %swap3A_29], %swap3A_32 {strides = array<i32>} : memref<2x10240x64xf32, #tpu.memory_space<vmem>>, vector<1x10240x64xf32>,
    return
  }
}

module attributes {stable_mosaic.version = 14 : i64} {
  func.func @body(%arg0: memref<10240x1xf32, #tpu.memory_space<vmem>>, %arg1: memref<2x10240x64xf32, #tpu.memory_space<vmem>>, %arg2: memref<2x10240x64xf32, #tpu.memory_space<vmem>>, %arg3: memref<1x128xf32, #tpu.memory_space<vmem>>, %arg4: memref<128x128xf32, #tpu.memory_space<vmem>>, %arg5: memref<2x10240x64xf32, #tpu.memory_space<vmem>>) attributes {dimension_semantics = [], scalar_prefetch = 0 : i64, scratch_operands = 0 : i64, tpu.core_type = #tpu.core_type<tc>} {
    %get3A = arith.constant 0 : index
    %get3A_0 = arith.constant 0 : index
    %get3A_1 = arith.constant 0 : index
    %get3A_2 = vector.load %arg2[%get3A, %get3A_0, %get3A_1] : memref<2x10240x64xf32, #tpu.memory_space<vmem>>, vector<1x10240x64xf32>
    %get3A_3 = vector.shape_cast %get3A_2 : vector<1x10240x64xf32> to vector<10240x64xf32>
    %get3A_4 = arith.constant 0 : index
    %get3A_5 = arith.constant 0 : index
    %get3A_6 = arith.constant 0 : index
    %get3A_7 = vector.load %arg1[%get3A_4, %get3A_5, %get3A_6] : memref<2x10240x64xf32, #tpu.memory_space<vmem>>, vector<1x10240x64xf32>
    %get3A_8 = vector.shape_cast %get3A_7 : vector<1x10240x64xf32> to vector<10240x64xf32>
    %add3A = arith.addf %get3A_3, %get3A_8 : vector<10240x64xf32>
    %get3A_9 = arith.constant 1 : index
    %get3A_10 = arith.constant 0 : index
    %get3A_11 = arith.constant 0 : index
    %get3A_12 = vector.load %arg2[%get3A_9, %get3A_10, %get3A_11] : memref<2x10240x64xf32, #tpu.memory_space<vmem>>, vector<1x10240x64xf32>
    %get3A_13 = vector.shape_cast %get3A_12 : vector<1x10240x64xf32> to vector<10240x64xf32>
    %get3A_14 = arith.constant 1 : index
    %get3A_15 = arith.constant 0 : index
    %get3A_16 = arith.constant 0 : index
    %get3A_17 = vector.load %arg1[%get3A_14, %get3A_15, %get3A_16] : memref<2x10240x64xf32, #tpu.memory_space<vmem>>, vector<1x10240x64xf32>
    %get3A_18 = vector.shape_cast %get3A_17 : vector<1x10240x64xf32> to vector<10240x64xf32>
    %add3A_19 = arith.addf %get3A_13, %get3A_18 : vector<10240x64xf32>
    %concatenate3A = tpu.concatenate %add3A, %add3A_19 in 1 : vector<10240x64xf32>, vector<10240x64xf32> -> vector<10240x128xf32>
    %get3A_20 = arith.constant 0 : index
    %get3A_21 = arith.constant 0 : index
    %get3A_22 = vector.load %arg0[%get3A_20, %get3A_21] : memref<10240x1xf32, #tpu.memory_space<vmem>>, vector<10240x1xf32>
    %mul3A = vector.broadcast %get3A_22 : vector<10240x1xf32> to vector<10240x128xf32>
    %mul3A_23 = arith.mulf %mul3A, %concatenate3A : vector<10240x128xf32>
    %get3A_24 = arith.constant 0 : index
    %get3A_25 = arith.constant 0 : index
    %get3A_26 = vector.load %arg3[%get3A_24, %get3A_25] : memref<1x128xf32, #tpu.memory_space<vmem>>, vector<1x128xf32>
    %add3A_27 = vector.broadcast %get3A_26 : vector<1x128xf32> to vector<10240x128xf32>
    %add3A_28 = arith.addf %mul3A_23, %add3A_27 : vector<10240x128xf32>
    %max3A = arith.constant 0.000000e+00 : f32
    %max3A_29 = vector.broadcast %max3A : f32 to vector<10240x128xf32>
    %max3A_30 = arith.maximumf %add3A_28, %max3A_29 : vector<10240x128xf32>
    %get3A_31 = arith.constant 0 : index
    %get3A_32 = arith.constant 0 : index
    %get3A_33 = vector.load %arg4[%get3A_31, %get3A_32] : memref<128x128xf32, #tpu.memory_space<vmem>>, vector<128x128xf32>
    %dot_general3A = arith.constant dense<0.000000e+00> : vector<10240x128xf32>
    %dot_general3A_34 = tpu.matmul %max3A_30, %get3A_33, %dot_general3A {dimension_numbers = #tpu.dot_dimension_numbers<[1], [0], [0], [1], [0, 0, 1, 1], [], []>, transpose_lhs_hint = false} : vector<10240x128xf32>, vector<128x128xf32>, vector<10240x128xf32> -> vector<10240x128xf32>
    %get3A_35 = arith.constant 0 : index
    %get3A_36 = arith.constant 0 : index
    %get3A_37 = vector.load %arg0[%get3A_35, %get3A_36] : memref<10240x1xf32, #tpu.memory_space<vmem>>, vector<10240x1xf32>
    %mul3A_38 = vector.broadcast %get3A_37 : vector<10240x1xf32> to vector<10240x128xf32>
    %mul3A_39 = arith.mulf %dot_general3A_34, %mul3A_38 : vector<10240x128xf32>
    %slice3A = vector.extract_strided_slice %mul3A_39 {offsets = [0, 0], sizes = [10240, 64], strides = [1, 1]} : vector<10240x128xf32> to vector<10240x64xf32>
    %swap3A = arith.constant 0 : index
    %swap3A_40 = arith.constant 0 : index
    %swap3A_41 = arith.constant 0 : index
    %swap3A_42 = vector.load %arg5[%swap3A, %swap3A_40, %swap3A_41] : memref<2x10240x64xf32, #tpu.memory_space<vmem>>, vector<1x10240x64xf32>
    %swap3A_43 = vector.shape_cast %swap3A_42 : vector<1x10240x64xf32> to vector<10240x64xf32>
    %swap3A_44 = vector.shape_cast %slice3A : vector<10240x64xf32> to vector<1x10240x64xf32>
    tpu.vector_store %arg5[%swap3A, %swap3A_40, %swap3A_41], %swap3A_44 {strides = array<i32>} : memref<2x10240x64xf32, #tpu.memory_space<vmem>>, vector<1x10240x64xf32>,
    %slice3A_45 = vector.extract_strided_slice %mul3A_39 {offsets = [0, 64], sizes = [10240, 64], strides = [1, 1]} : vector<10240x128xf32> to vector<10240x64xf32>
    %swap3A_46 = arith.constant 1 : index
    %swap3A_47 = arith.constant 0 : index
    %swap3A_48 = arith.constant 0 : index
    %swap3A_49 = vector.load %arg5[%swap3A_46, %swap3A_47, %swap3A_48] : memref<2x10240x64xf32, #tpu.memory_space<vmem>>, vector<1x10240x64xf32>
    %swap3A_50 = vector.shape_cast %swap3A_49 : vector<1x10240x64xf32> to vector<10240x64xf32>
    %swap3A_51 = vector.shape_cast %slice3A_45 : vector<10240x64xf32> to vector<1x10240x64xf32>
    tpu.vector_store %arg5[%swap3A_46, %swap3A_47, %swap3A_48], %swap3A_51 {strides = array<i32>} : memref<2x10240x64xf32, #tpu.memory_space<vmem>>, vector<1x10240x64xf32>,
    return
  }
}

module attributes {stable_mosaic.version = 14 : i64} {
  func.func @body(%arg0: memref<10240x1xf32, #tpu.memory_space<vmem>>, %arg1: memref<2x10240x64xf32, #tpu.memory_space<vmem>>, %arg2: memref<2x10240x64xf32, #tpu.memory_space<vmem>>, %arg3: memref<1x128xf32, #tpu.memory_space<vmem>>, %arg4: memref<10000x128xf32, #tpu.memory_space<vmem>>) attributes {dimension_semantics = [], scalar_prefetch = 0 : i64, scratch_operands = 0 : i64, tpu.core_type = #tpu.core_type<tc>} {
    %get3A = arith.constant 0 : index
    %get3A_0 = arith.constant 0 : index
    %get3A_1 = arith.constant 0 : index
    %get3A_2 = vector.load %arg2[%get3A, %get3A_0, %get3A_1] : memref<2x10240x64xf32, #tpu.memory_space<vmem>>, vector<1x10240x64xf32>
    %get3A_3 = vector.shape_cast %get3A_2 : vector<1x10240x64xf32> to vector<10240x64xf32>
    %get3A_4 = arith.constant 0 : index
    %get3A_5 = arith.constant 0 : index
    %get3A_6 = arith.constant 0 : index
    %get3A_7 = vector.load %arg1[%get3A_4, %get3A_5, %get3A_6] : memref<2x10240x64xf32, #tpu.memory_space<vmem>>, vector<1x10240x64xf32>
    %get3A_8 = vector.shape_cast %get3A_7 : vector<1x10240x64xf32> to vector<10240x64xf32>
    %add3A = arith.addf %get3A_3, %get3A_8 : vector<10240x64xf32>
    %get3A_9 = arith.constant 1 : index
    %get3A_10 = arith.constant 0 : index
    %get3A_11 = arith.constant 0 : index
    %get3A_12 = vector.load %arg2[%get3A_9, %get3A_10, %get3A_11] : memref<2x10240x64xf32, #tpu.memory_space<vmem>>, vector<1x10240x64xf32>
    %get3A_13 = vector.shape_cast %get3A_12 : vector<1x10240x64xf32> to vector<10240x64xf32>
    %get3A_14 = arith.constant 1 : index
    %get3A_15 = arith.constant 0 : index
    %get3A_16 = arith.constant 0 : index
    %get3A_17 = vector.load %arg1[%get3A_14, %get3A_15, %get3A_16] : memref<2x10240x64xf32, #tpu.memory_space<vmem>>, vector<1x10240x64xf32>
    %get3A_18 = vector.shape_cast %get3A_17 : vector<1x10240x64xf32> to vector<10240x64xf32>
    %add3A_19 = arith.addf %get3A_13, %get3A_18 : vector<10240x64xf32>
    %concatenate3A = tpu.concatenate %add3A, %add3A_19 in 1 : vector<10240x64xf32>, vector<10240x64xf32> -> vector<10240x128xf32>
    %get3A_20 = arith.constant 0 : index
    %get3A_21 = arith.constant 0 : index
    %get3A_22 = vector.load %arg0[%get3A_20, %get3A_21] : memref<10240x1xf32, #tpu.memory_space<vmem>>, vector<10240x1xf32>
    %mul3A = vector.broadcast %get3A_22 : vector<10240x1xf32> to vector<10240x128xf32>
    %mul3A_23 = arith.mulf %mul3A, %concatenate3A : vector<10240x128xf32>
    %get3A_24 = arith.constant 0 : index
    %get3A_25 = arith.constant 0 : index
    %get3A_26 = vector.load %arg3[%get3A_24, %get3A_25] : memref<1x128xf32, #tpu.memory_space<vmem>>, vector<1x128xf32>
    %add3A_27 = vector.broadcast %get3A_26 : vector<1x128xf32> to vector<10240x128xf32>
    %add3A_28 = arith.addf %mul3A_23, %add3A_27 : vector<10240x128xf32>
    %slice3A = vector.extract_strided_slice %add3A_28 {offsets = [0, 0], sizes = [10000, 128], strides = [1, 1]} : vector<10240x128xf32> to vector<10000x128xf32>
    %swap3A = arith.constant 0 : index
    %swap3A_29 = arith.constant 0 : index
    %swap3A_30 = vector.load %arg4[%swap3A, %swap3A_29] : memref<10000x128xf32, #tpu.memory_space<vmem>>, vector<10000x128xf32>
    tpu.vector_store %arg4[%swap3A, %swap3A_29], %slice3A {strides = array<i32>} : memref<10000x128xf32, #tpu.memory_space<vmem>>, vector<10000x128xf32>,
    return
  }
}

</mosaic_0001>

<sc_bundles>
// kernel: kernel.10.cloned.1.call-start
scs
__scs_entry_jumppad:
0x0: {  	(pc) =	sbr.rel $0x88, $3  }
0x1: {  	(tag) =	ssettag $0x0;
	lr =	simm.s32 $0x1  }
0x2: {  	[smem:$0x3F99] =	sst lr;
	_ =	strace $0xD0000000  }
0x3: {  	_ = 	snop  }
0x4: {  	_ = 	snop  }
0x5: {  	_ = 	snop  }
0x6: {  	_ = 	snop  }
0x7: {  	_ = 	snop  }
__scs_overlays_trampoline_lowered:
0x8: {  	[smem:$0x3FA8] =	sst s0  }
0x9: {  	[smem:$0x3FA9] =	sst s1  }
0xa: {  	[smem:$0x3FAA] =	sst s2  }
0xb: {  	[smem:$0x3FAB] =	sst s3  }
0xc: {  	[smem:$0x3FAC] =	sst s4  }
0xd: {  	[smem:$0x3FAD] =	sst s5  }
0xe: {  	[smem:$0x3FAE] =	sst s6  }
0xf: {  	[smem:$0x3FAF] =	sst s7  }
0x10: {  	[smem:$0x3FB0] =	sst s8  }
0x11: {  	[smem:$0x3FB1] =	sst s9;
	s0 =	simm.s32 @!p0 $0x0  }
0x12: {  	s1 =	sld [smem:$0x3F97];
	s0 =	simm.s32 @p0 $0x1  }
0x13: {  	[smem:$0x3FB2] =	sst s0;
	s0 =	simm.s32 @!p1 $0x0  }
0x14: {  	s2 =	sld [smem:$0x3F96];
	s0 =	simm.s32 @p1 $0x1  }
0x15: {  	[smem:$0x3FB3] =	sst s0;
	s0 =	simm.s32 @!p2 $0x0  }
0x16: {  	s3 =	sld [smem:$0x3FDB];
	s0 =	simm.s32 @p2 $0x1  }
0x17: {  	s4 =	simm.s32 $0x1BF5;
	[smem:$0x3FB5] =	sst s0  }
0x18: {  	s0 =	sld [smem:$0x3F98];
	_ =	swait.ge [sflag:s4], $0x0  }
0x19: {  	s7 =	sld [smem:$0x3F99]  }
0x1a: {  	s8 =	sadd.s32 $0xFFFFE003, lr  }
0x1b: {  	s9 =	sadd.s32 $0xFFFFFEF7, lr;
	s5 =	simm.s32 $0xFFFFFFFF;
	p2 =	slt.u32 s8, $0xFFFFF086  }
0x1c: {  	p1 =	slt.u32 s9, $0xF7A;
	s5 =	simm.s32 @!p2 $0x0  }
0x1d: {  	s5 =	simm.s32 @p1 $0x1;
	p0 =	seq.s32 s7, s2  }
0x1e: {  	s7 =	smul.u32 @!p0 $0xF7A, s2;
	p2 =	seq.s32 @!p0 s5, $0x0  }
0x1f: {  	s9 =	smul.u32 $0xF7A, s1;
	s8 =	simm.s32 @!p0 $0x1BF5;
	p2 =	por !p2, p0  }
0x20: {  	[sflag:s8] =	ssyncset.s32 @!p0 $0xFFFFF086;
	s6 =	sadd.s32 @!p0 s3, s7;
	s7 =	simm.s32 @!p0 $0x108  }
0x21: {  	s3 =	sadd.s32 s3, s9;
	s6 =	sadd.s32 @!p0 $0x88, s6;
	s7 =	simm.s32 @p2 $0x1082  }
0x22: {  	[simem:s7], [sflag:s8] =	dma.local @!p0 [hbm:s6], $0xF7A  }
0x23: {  	s9 =	sor.u32 $0xD0000000, s2;
	s6 =	simm.s32 $0x108;
	_ =	swait.ge @!p0 [sflag:s8], $0x0  }
0x24: {  	s3 =	sadd.s32 $0x88, s3;
	s6 =	simm.s32 @!p1 $0x1082;
	[sflag:s4] =	ssyncset.s32 $0xFFFFF086  }
0x25: {  	[simem:s6], [sflag:s4] =	dma.local [hbm:s3], $0xF7A  }
0x26: {  	[smem:$0x3F99] =	sst s1;
	(tag) =	ssettag s2;
	_ =	strace s9  }
0x27: {  	s1 =	sld [smem:$0x3FA9]  }
0x28: {  	s2 =	sld [smem:$0x3FAA]  }
0x29: {  	s4 =	sld [smem:$0x3FAC]  }
0x2a: {  	p0 =	seq.s32 s5, $0x0;
	s5 =	sld [smem:$0x3FAD]  }
0x2b: {  	s6 =	sld [smem:$0x3FAE]  }
0x2c: {  	s7 =	sld [smem:$0x3FAF]  }
0x2d: {  	s3 =	simm.s32 $0x108;
	s8 =	sld [smem:$0x3FB0]  }
0x2e: {  	s3 =	simm.s32 @!p0 $0x1082;
	s9 =	sld [smem:$0x3FB1]  }
0x2f: {  	lr =	sadd.s32 s0, s3;
	s0 =	sld [smem:$0x3FA8]  }
0x30: {  	s3 =	sld [smem:$0x3FAB]  }
0x31: {  	[smem:$0x3FB4] =	sst s10  }
0x32: {  	s10 =	sld [smem:$0x3FB2];
	_ =	sdelay $0x3  }
0x33: {  	p0 =	seq.s32 s10, $0x1;
	s10 =	sld [smem:$0x3FB4];
	_ =	sdelay $0x3  }
0x34: {  	[smem:$0x3FB4] =	sst s10  }
0x35: {  	s10 =	sld [smem:$0x3FB3];
	_ =	sdelay $0x3  }
0x36: {  	p1 =	seq.s32 s10, $0x1;
	s10 =	sld [smem:$0x3FB4];
	_ =	sdelay $0x3  }
0x37: {  	[smem:$0x3FB4] =	sst s10  }
0x38: {  	s10 =	sld [smem:$0x3FB5]  }
0x39: {  	_ = 	snop;
	(pc) =	sbr.ind lr, $3  }
0x3a: {  	_ = 	snop  }
0x3b: {  	_ = 	snop  }
0x3c: {  	p2 =	seq.s32 s10, $0x1;
	s10 =	sld [smem:$0x3FB4]  }
0x3d: {  	_ =	shalt  }
0x3e: {  	_ =	shalt  }
0x3f: {  	_ =	shalt  }
0x40: {  	_ =	shalt  }
0x41: {  	_ =	shalt  }
0x42: {  	_ =	shalt  }
0x43: {  	_ =	shalt  }
0x44: {  	_ =	shalt  }
0x45: {  	_ =	shalt  }
0x46: {  	_ =	shalt  }
0x47: {  	_ =	shalt  }
0x48: {  	_ =	shalt  }
0x49: {  	_ =	shalt  }
0x4a: {  	_ =	shalt  }
0x4b: {  	_ =	shalt  }
0x4c: {  	_ =	shalt  }
0x4d: {  	_ =	shalt  }
0x4e: {  	_ =	shalt  }
0x4f: {  	_ =	shalt  }
0x50: {  	_ =	shalt  }
0x51: {  	_ =	shalt  }
0x52: {  	_ =	shalt  }
0x53: {  	_ =	shalt  }
0x54: {  	_ =	shalt  }
0x55: {  	_ =	shalt  }
0x56: {  	_ =	shalt  }
0x57: {  	_ =	shalt  }
0x58: {  	_ =	shalt  }
0x59: {  	_ =	shalt  }
0x5a: {  	_ =	shalt  }
0x5b: {  	_ =	shalt  }
0x5c: {  	_ =	shalt  }
0x5d: {  	_ =	shalt  }
0x5e: {  	_ =	shalt  }
0x5f: {  	_ =	shalt  }
0x60: {  	_ =	shalt  }
0x61: {  	_ =	shalt  }
0x62: {  	_ =	shalt  }
0x63: {  	_ =	shalt  }
0x64: {  	_ =	shalt  }
0x65: {  	_ =	shalt  }
0x66: {  	_ =	shalt  }
0x67: {  	_ =	shalt  }
0x68: {  	_ =	shalt  }
0x69: {  	_ =	shalt  }
0x6a: {  	_ =	shalt  }
0x6b: {  	_ =	shalt  }
0x6c: {  	_ =	shalt  }
0x6d: {  	_ =	shalt  }
0x6e: {  	_ =	shalt  }
0x6f: {  	_ =	shalt  }
0x70: {  	_ =	shalt  }
0x71: {  	_ =	shalt  }
0x72: {  	_ =	shalt  }
0x73: {  	_ =	shalt  }
0x74: {  	_ =	shalt  }
0x75: {  	_ =	shalt  }
0x76: {  	_ =	shalt  }
0x77: {  	_ =	shalt  }
0x78: {  	_ =	shalt  }
0x79: {  	_ =	shalt  }
0x7a: {  	_ =	shalt  }
0x7b: {  	_ =	shalt  }
0x7c: {  	_ =	shalt  }
0x7d: {  	_ =	shalt  }
0x7e: {  	_ =	shalt  }
0x7f: {  	_ =	shalt  }
0x80: {  	_ =	shalt  }
0x81: {  	_ =	shalt  }
0x82: {  	_ =	shalt  }
0x83: {  	_ =	shalt  }
0x84: {  	_ =	shalt  }
0x85: {  	_ =	shalt  }
0x86: {  	_ =	shalt  }
0x87: {  	_ =	shalt  }
.Lfunc_end0:
.L_simem_size_0:
called_computation_lowered:
.L_overlay_start_0:
0x88: {  	s2 =	sld [smem:$0x3FD9]  }
0x89: {  	s3 =	sld [smem:$0x3FFE];
	_ =	sdelay $0x1  }
0x8a: {  	s1 =	srdreg.scid  }
0x8b: {  	s0 =	sand.u32 $0x1, s1  }
0x8c: {  	s17 =	sshll.u32 s0, $0xA;
	s2 =	sadd.s32 s3, s2  }
0x8d: {  	s2 =	sadd.s32 s2, s17  }
0x8e: {  	[smem:$0x3FC0] =	sst s2  }
0x8f: {  	_ = 	snop  }
0x90: {  	s2 =	sld [smem:$0x3FD0];
	(tm) =	ssettm $0x1  }
0x91: {  	s18 =	sld [smem:$0x3FFB];
	_ =	sdelay $0x3  }
0x92: {  	_ =	strace s18  }
0x93: {  	s3 =	sld [smem:$0x3FFC];
	_ =	sdelay $0x3  }
0x94: {  	_ =	strace s3  }
0x95: {  	s3 =	sld [smem:$0x3FFD];
	_ =	sdelay $0x3  }
0x96: {  	_ =	strace s3  }
0x97: {  	_ =	strace $0x8FFFFFFF  }
0x98: {  	s19 =	sld [smem:$0x3FDB];
	_ =	sdelay $0x1  }
0x99: {  	s4 =	simm.s32 $_scs_section_size  }
0x9a: {  	s5 =	simm.s32 $_size__tile_overlayer_lowered;
	s6 =	simm.s32 $_tile_overlayer_lowered  }
0x9b: {  	s22 =	simm.s32 $0x1BFF;
	s21 =	sshll.u32 s6, $0x1;
	s3 =	sadd.s32 s4, s19  }
0x9c: {  	s7 =	simm.s32 $0x0;
	s20 =	sshll.u32 s5, $0x1;
	s5 =	sadd.s32 s21, s3  }
0x9d: {  	[timem:s7], [sflag:s22] =	dma.local [hbm:s5], s20  }
0x9e: {  	_ =	swait.ge [sflag:s22], s20  }
0x9f: {  	s4 =	ssub.s32 $0x0, s20;
	[sflag:s22] =	ssyncset.done $0x0  }
0xa0: {  	[sflag:s22] =	ssyncadd.s32 s4;
	_ =	sdelay $0x1  }
0xa1: {  	s23 =	simm.s32 $0x1B8B  }
0xa2: {  	_ =	swait.ge [sflag:s23], $0x1  }
0xa3: {  	[sflag:s23] =	ssyncset.done $0x0  }
0xa4: {  	s25 =	simm.s32 $0x1B8E;
	s24 =	sld [smem:$0x3FFE];
	[sflag:s23] =	ssyncadd.s32 $0xFFFFFFFF  }
0xa5: {  	s26 =	simm.s32 $execute0_lowered;
	[smem:$0x3FD2] =	sst s25  }
0xa6: {  	s5 =	sshll.u32 s26, $0x1;
	_ =	strace $0x80000046;
	[dreg:$0x1] =	wrdreg $0xFFFFFFFF  }
0xa7: {  	s28 =	simm.s32 $_size_execute0_lowered;
	s3 =	sadd.s32 s3, s5;
	[dreg:$0x0] =	wrdreg $0x0  }
0xa8: {  	s5 =	sshll.u32 s28, $0x1;
	[dreg:$0x2] =	wrdreg s3  }
0xa9: {  	[dreg:$0x3] =	wrdreg s5  }
0xaa: {  	[dreg:$0x4] =	wrdreg $0xC0  }
0xab: {  	_ =	task [dreg:s7], $0x5FFFF  }
0xac: {  	[dreg:$0x1] =	wrdreg $0xFFFFFFFF  }
0xad: {  	[dreg:$0x0] =	wrdreg $0x60  }
0xae: {  	[dreg:$0x2] =	wrdreg s2  }
0xaf: {  	[dreg:$0x3] =	wrdreg s24  }
0xb0: {  	[dreg:$0x4] =	wrdreg $0x38000  }
0xb1: {  	[dreg:$0x5] =	wrdreg $0x9  }
0xb2: {  	_ =	task.clear_ibuf [dreg:s7], $0x6FFFF;
	_ =	strace $0x90000046  }
0xb3: {  	s29 =	simm.s32 $0x9;
	_ =	strace $0x80000048  }
0xb4: {  	_ =	swait.ge [sflag:s29], $0x1  }
0xb5: {  	[sflag:s29] =	ssyncadd.s32 $0xFFFFFFFF  }
0xb6: {  	_ =	strace $0x90000048  }
0xb7: {  	_ =	sfence  }
0xb8: {  	s30 =	sld [smem:$0x0];
	_ =	sdelay $0x2  }
0xb9: {  	s31 =	sshll.u32 s1, $0xD;
	s1 =	sshrl.u32 s1, $0x2  }
0xba: {  	s3 =	sand.u32 $0x4000, s31;
	s1 =	sadd.s32 s1, s30  }
0xbb: {  	s0 =	sor.u32 s3, s0;
	s1 =	sshll.u32 s1, $0x11  }
0xbc: {  	s0 =	sor.u32 s1, s0  }
0xbd: {  	s0 =	sadd.s32 $0x8F2B, s0  }
0xbe: {  	[sflag:s0] =	ssyncadd.remote.s32 $0x1  }
0xbf: {  	_ =	sfence.sel $0xFFFF  }
0xc0: {  	[dreg:$0x0] =	wrdreg $0xFFFFFFFF;
	(pc) =	sbr.abs _section_cstart, $3  }
0xc1: {  	[dreg:$0x1] =	wrdreg $0xFFFFFFFF  }
0xc2: {  	_ =	task.clear_ibuf [dreg:s7], $0x2FFFF;
	_ =	strace $0x9FFFFFFF  }
0xc3: {  	(tm) =	ssettm $0x7FFFFFFF  }
tec
execute0_lowered:
.L_overlay_start_1:
0x0: {  	(tag) =	ssettag $0x1  }
0x1: {  	s4 =	rddreg [dreg:$0x0]  }
0x2: {  	s5 =	rddreg [dreg:$0x1];
	s1 =	srdreg.scid  }
0x3: {  	s0 =	stileid.u32;
	s2 =	rddreg [dreg:$0x2]  }
0x4: {  	s3 =	simm.s32 $0x0;
	s13 =	simm.s32 $0x3000;
	s14 =	simm.s32 $0x80  }
0x5: {  	s15 =	simm.s32 $0x2800;
	s16 =	simm.s32 $0x100;
	s17 =	simm.s32 $0x180  }
0x6: {  	s18 =	simm.s32 $0x200;
	s19 =	simm.s32 $0x280;
	s20 =	simm.s32 $0x300  }
0x7: {  	s21 =	simm.s32 $0x380;
	s22 =	simm.s32 $0x1;
	s7 =	smul.u32 $0x2800, s0  }
0x8: {  	s6 =	sand.u32 $0x1, s1;
	s1 =	rddreg [dreg:$0x3];
	s10 =	smul.u32 $0xA000, s0  }
0x9: {  	s23 =	simm.s32 $0x0;
	[smem:$0x7FF] =	sst s3;
	s8 =	smul.u32 $0x28000, s6  }
0xa: {  	_ =	strace $0x80000047;
	s9 =	sshll.u32 s6, $0x4;
	s6 =	ssub.s32 $0x2, s6  }
0xb: {  	s9 =	sor.u32 s0, s9;
	s11 =	sshrl.u32 s6, $0x1;
	s30 =	sshrl.u32 s10, $0x2  }
0xc: {  	s8 =	sadd.s32 s7, s8;
	s9 =	smul.u32 $0x500, s9;
	s31 =	sadd.s32 s30, s2  }
0xd: {  	s11 =	ssub.s32 s6, s11;
	s8 =	sshrl.u32 s8, $0x3;
	s6 =	sadd.s32 $0x800, s31  }
0xe: {  	s11 =	smax.u32 s11, $0x1;
	s12 =	sadd.s32 s8, s5;
	s4 =	sadd.s32 s4, s9  }
0xf: {  	s5 =	sadd.s32 s7, s2;
	s7 =	sadd.s32 $0x1000, s31;
	s8 =	sadd.s32 $0x1800, s31  }
0x10: {  	v0 =	vimm.f32 $1.000000000e+00;
	v1 =	vimm.f32 $0.0e+00;
	s9 =	sadd.s32 $0x2000, s31;
	s10 =	sadd.s32 $0x2200, s12;
	s12 =	simm.s32 $0x2  }
.LBB2_1:
0x11: {  	[tilespmem:s3], [sflag:$0x2] =	stream.linear.gather [hbm4b:s4+s3], $0x2800, $0x38;
	[tilespmem:$0x6000] =	vst v63  }
0x12: {  	_ =	swait.ge [sflag:s12], $0x2800  }
0x13: {  	[sflag:s12] =	ssyncset.done $0x0  }
0x14: {  	s24 =	simm.s32 $0x40;
	s25 =	simm.s32 $0x0;
	[sflag:s12] =	ssyncadd.s32 $0xFFFFD800  }
.LBB2_2:
0x15: {  	p0 =	sne.s32 s24, $0x1FC0;
	[tilespmem:s25+$0x2800] =	vst v0;
	s26 =	smov.u32 s24;
	s24 =	sadd.s32 $0x40, s24  }
.Ltmp0:
0x16: {  	[tilespmem:s25+$0x3000] =	vst v1;
	(pc) =	sbr.rel @p0 .LBB2_2-.Ltmp0, $2  }
0x17: {  	_ =	sdelay $0x2  }
0x18: {  	s25 =	sshra.s32 s26, $0x2  }
0x19: {  	[tilespmem:s25+$0x2800] =	vst v0  }
0x1a: {  	[tilespmem:s25+$0x3000] =	vst v1  }
0x1b: {  	[spmem:s5] =	stream.linear.scatter [tilespmem:s13], [sflag:$0x2], $0x800, $0x38;
	[tilespmem:$0x6000] =	vst v63  }
0x1c: {  	_ =	swait.ge [sflag:s12], $0x800  }
0x1d: {  	[sflag:s12] =	ssyncset.done $0x0  }
0x1e: {  	[sflag:s12] =	ssyncadd.s32 $0xFFFFF800  }
0x1f: {  	[spmem:s6] =	stream.linear.scatter [tilespmem:s13], [sflag:$0x2], $0x800, $0x38;
	[tilespmem:$0x6000] =	vst v63  }
0x20: {  	_ =	swait.ge [sflag:s12], $0x800  }
0x21: {  	[sflag:s12] =	ssyncset.done $0x0  }
0x22: {  	[sflag:s12] =	ssyncadd.s32 $0xFFFFF800  }
0x23: {  	[spmem:s7] =	stream.linear.scatter [tilespmem:s13], [sflag:$0x2], $0x800, $0x38;
	[tilespmem:$0x6000] =	vst v63  }
0x24: {  	_ =	swait.ge [sflag:s12], $0x800  }
0x25: {  	[sflag:s12] =	ssyncset.done $0x0  }
0x26: {  	[sflag:s12] =	ssyncadd.s32 $0xFFFFF800  }
0x27: {  	[spmem:s8] =	stream.linear.scatter [tilespmem:s13], [sflag:$0x2], $0x800, $0x38;
	[tilespmem:$0x6000] =	vst v63  }
0x28: {  	_ =	swait.ge [sflag:s12], $0x800  }
0x29: {  	[sflag:s12] =	ssyncset.done $0x0  }
0x2a: {  	[sflag:s12] =	ssyncadd.s32 $0xFFFFF800  }
0x2b: {  	[spmem:s9] =	stream.linear.scatter [tilespmem:s13], [sflag:$0x2], $0x800, $0x38;
	[tilespmem:$0x6000] =	vst v63  }
0x2c: {  	_ =	swait.ge [sflag:s12], $0x800  }
0x2d: {  	[sflag:s12] =	ssyncset.done $0x0  }
0x2e: {  	[sflag:s12] =	ssyncadd.s32 $0xFFFFF800  }
0x2f: {  	[bflag:$0x0] =	sbarrier.arrive $0xFFFF  }
0x30: {  	[spmem:s2] =	stream.indirect.scatter.add.f32 [tilespmem:s15], [sflag:$0x1], $0x10, s3, s14, $0xb8;
	[tilespmem:$0x6000] =	vst v63  }
0x31: {  	_ = 	snop  }
0x32: {  	[spmem:s2] =	stream.indirect.scatter.add.f32 [tilespmem:s15], [sflag:$0x1], $0x10, s14, s14, $0xb8;
	[tilespmem:$0x6000] =	vst v63  }
0x33: {  	_ = 	snop  }
0x34: {  	[spmem:s2] =	stream.indirect.scatter.add.f32 [tilespmem:s15], [sflag:$0x1], $0x10, s16, s14, $0xb8;
	[tilespmem:$0x6000] =	vst v63  }
0x35: {  	_ = 	snop  }
0x36: {  	[spmem:s2] =	stream.indirect.scatter.add.f32 [tilespmem:s15], [sflag:$0x1], $0x10, s17, s14, $0xb8;
	[tilespmem:$0x6000] =	vst v63  }
0x37: {  	_ = 	snop  }
0x38: {  	[spmem:s2] =	stream.indirect.scatter.add.f32 [tilespmem:s15], [sflag:$0x1], $0x10, s18, s14, $0xb8;
	[tilespmem:$0x6000] =	vst v63  }
0x39: {  	_ = 	snop  }
0x3a: {  	[spmem:s2] =	stream.indirect.scatter.add.f32 [tilespmem:s15], [sflag:$0x1], $0x10, s19, s14, $0xb8;
	[tilespmem:$0x6000] =	vst v63  }
0x3b: {  	_ = 	snop  }
0x3c: {  	[spmem:s2] =	stream.indirect.scatter.add.f32 [tilespmem:s15], [sflag:$0x1], $0x10, s20, s14, $0xb8;
	[tilespmem:$0x6000] =	vst v63  }
0x3d: {  	_ = 	snop  }
0x3e: {  	[spmem:s2] =	stream.indirect.scatter.add.f32 [tilespmem:s15], [sflag:$0x1], $0x10, s21, s14, $0xb8;
	[tilespmem:$0x6000] =	vst v63  }
0x3f: {  	_ =	swait.ge [sflag:s22], $0x800  }
0x40: {  	[sflag:s22] =	ssyncset.done $0x0  }
0x41: {  	s24 =	simm.s32 $0x1200;
	s25 =	simm.s32 $0x400;
	[sflag:s22] =	ssyncadd.s32 $0xFFFFF800  }
.LBB2_4:
0x42: {  	[spmem:s2] =	stream.indirect.scatter.add.f32 [tilespmem:s15], [sflag:$0x1], $0x10, s25, s14, $0xb8;
	[tilespmem:$0x6000] =	vst v63  }
0x43: {  	s25 =	smov.u32 s24;
	p0 =	sne.s32 s24, $0x9E00  }
.Ltmp1:
0x44: {  	s24 =	sadd.s32 $0x200, s24;
	(pc) =	sbr.rel @p0 .LBB2_4-.Ltmp1, $4  }
0x45: {  	_ = 	snop  }
0x46: {  	_ =	swait.ge [sflag:s22], $0x800  }
0x47: {  	[sflag:s22] =	ssyncset.done $0x0  }
0x48: {  	s25 =	sshra.s32 s25, $0x2;
	[sflag:s22] =	ssyncadd.s32 $0xFFFFF800  }
0x49: {  	[spmem:s2] =	stream.indirect.scatter.add.f32 [tilespmem:s15], [sflag:$0x1], $0x10, s25, s14, $0xb8;
	[tilespmem:$0x6000] =	vst v63  }
0x4a: {  	_ =	swait.ge [sflag:s22], $0x800  }
0x4b: {  	[sflag:s22] =	ssyncset.done $0x0  }
0x4c: {  	[sflag:s22] =	ssyncadd.s32 $0xFFFFF800  }
0x4d: {  	_ =	swait.ge [sflag:s22], $0x800  }
0x4e: {  	[sflag:s22] =	ssyncset.done $0x0  }
0x4f: {  	[sflag:s22] =	ssyncadd.s32 $0xFFFFF800  }
0x50: {  	_ =	swait.ge [sflag:s22], $0x800  }
0x51: {  	[sflag:s22] =	ssyncset.done $0x0  }
0x52: {  	[sflag:s22] =	ssyncadd.s32 $0xFFFFF800  }
0x53: {  	_ =	swait.ge [sflag:s22], $0x800  }
0x54: {  	[sflag:s22] =	ssyncset.done $0x0  }
0x55: {  	[sflag:s22] =	ssyncadd.s32 $0xFFFFF800  }
0x56: {  	_ =	swait.ge [sflag:s22], $0x800  }
0x57: {  	[sflag:s22] =	ssyncset.done $0x0  }
0x58: {  	[sflag:s22] =	ssyncadd.s32 $0xFFFFF800  }
0x59: {  	_ =	swait.ge [sflag:s22], $0x800  }
0x5a: {  	[sflag:s22] =	ssyncset.done $0x0  }
0x5b: {  	[sflag:s22] =	ssyncadd.s32 $0xFFFFF800  }
0x5c: {  	_ =	swait.ge [sflag:s22], $0x800  }
0x5d: {  	[sflag:s22] =	ssyncset.done $0x0  }
0x5e: {  	[sflag:s22] =	ssyncadd.s32 $0xFFFFF800  }
0x5f: {  	_ =	swait.ge [sflag:s22], $0x800  }
0x60: {  	s24 =	sshll.u32 s0, $0x6;
	s23 =	sadd.s32 $0x1, s23;
	[sflag:s22] =	ssyncset.done $0x0  }
0x61: {  	s31 =	sshrl.u32 s5, $0x3;
	p0 =	sne.s32 s23, s11;
	[sflag:s22] =	ssyncadd.s32 $0xFFFFF800  }
.Ltmp2:
0x62: {  	s24 =	sor.u32 $0x1C02, s24;
	[bflag:$0x0] =	sbarrier.arrive $0xFFFF;
	(pc) =	sbr.rel @p0 .LBB2_1-.Ltmp2, $4  }
0x63: {  	[hbm:s10], [sflag:s24] =	dma.local [spmem:s31], $0x500  }
0x64: {  	_ =	swait.ge [sflag:s12], $0x500  }
0x65: {  	[sflag:s12] =	ssyncset.done $0x0  }
0x66: {  	[sflag:s12] =	ssyncadd.s32 $0xFFFFFB00  }
0x67: {  	_ =	sfence.sel $0x180000  }
0x68: {  	[bflag:$0x0] =	sbarrier.arrive $0xFFFF  }
0x69: {  	p0 =	sne.s32 s0, $0x0;
	_ =	strace $0x90000047  }
0x6a: {  	s0 =	sadd.s32 @!p0 $0x100000, s1;
	[bflag:$0x2] =	sbarrier.arrive $0xFFFF  }
0x6b: {  	[sflag:s0] =	ssyncadd.tile.s32 @!p0 $0x1;
	_ =	shalt  }
.Lfunc_end2:
_tile_overlayer_lowered:
.L_overlay_start_2:
0x6c: {  	(tag) =	ssettag $0x2  }
0x6d: {  	s0 =	rddreg [dreg:$0x0];
	s2 =	stileid.u32  }
0x6e: {  	s1 =	rddreg [dreg:$0x1];
	p0 =	sne.s32 s2, $0x0  }
0x6f: {  	s3 =	rddreg [dreg:$0x2];
	[bflag:$0x3] =	sbarrier.arrive $0xFFFF;
	s2 =	simm.s32 @!p0 $0x1C02  }
0x70: {  	[timem:s3], [sflag:s2] =	dma.local @!p0 [hbm:s0], s1  }
0x71: {  	s0 =	simm.s32 @!p0 $0x2  }
0x72: {  	_ =	swait.ge @!p0 [sflag:s0], s1  }
0x73: {  	s1 =	ssub.s32 @!p0 $0x0, s1;
	[sflag:s0] =	ssyncset.done @!p0 $0x0  }
0x74: {  	[sflag:s0] =	ssyncadd.s32 @!p0 s1  }
0x75: {  	[bflag:$0x3] =	sbarrier.arrive $0xFFFF  }
0x76: {  	_ =	shalt  }

// kernel: kernel.13.cloned.1.call-start
scs
__scs_entry_jumppad:
0x0: {  	(pc) =	sbr.rel $0x88, $3  }
0x1: {  	(tag) =	ssettag $0x0;
	lr =	simm.s32 $0x1  }
0x2: {  	[smem:$0x3F99] =	sst lr;
	_ =	strace $0xD0000000  }
0x3: {  	_ = 	snop  }
0x4: {  	_ = 	snop  }
0x5: {  	_ = 	snop  }
0x6: {  	_ = 	snop  }
0x7: {  	_ = 	snop  }
__scs_overlays_trampoline_lowered:
0x8: {  	[smem:$0x3FA8] =	sst s0  }
0x9: {  	[smem:$0x3FA9] =	sst s1  }
0xa: {  	[smem:$0x3FAA] =	sst s2  }
0xb: {  	[smem:$0x3FAB] =	sst s3  }
0xc: {  	[smem:$0x3FAC] =	sst s4  }
0xd: {  	[smem:$0x3FAD] =	sst s5  }
0xe: {  	[smem:$0x3FAE] =	sst s6  }
0xf: {  	[smem:$0x3FAF] =	sst s7  }
0x10: {  	[smem:$0x3FB0] =	sst s8  }
0x11: {  	[smem:$0x3FB1] =	sst s9;
	s0 =	simm.s32 @!p0 $0x0  }
0x12: {  	s1 =	sld [smem:$0x3F97];
	s0 =	simm.s32 @p0 $0x1  }
0x13: {  	[smem:$0x3FB2] =	sst s0;
	s0 =	simm.s32 @!p1 $0x0  }
0x14: {  	s2 =	sld [smem:$0x3F96];
	s0 =	simm.s32 @p1 $0x1  }
0x15: {  	[smem:$0x3FB3] =	sst s0;
	s0 =	simm.s32 @!p2 $0x0  }
0x16: {  	s3 =	sld [smem:$0x3FDB];
	s0 =	simm.s32 @p2 $0x1  }
0x17: {  	s4 =	simm.s32 $0x1BF5;
	[smem:$0x3FB5] =	sst s0  }
0x18: {  	s0 =	sld [smem:$0x3F98];
	_ =	swait.ge [sflag:s4], $0x0  }
0x19: {  	s7 =	sld [smem:$0x3F99]  }
0x1a: {  	s8 =	sadd.s32 $0xFFFFE003, lr  }
0x1b: {  	s9 =	sadd.s32 $0xFFFFFEF7, lr;
	s5 =	simm.s32 $0xFFFFFFFF;
	p2 =	slt.u32 s8, $0xFFFFF086  }
0x1c: {  	p1 =	slt.u32 s9, $0xF7A;
	s5 =	simm.s32 @!p2 $0x0  }
0x1d: {  	s5 =	simm.s32 @p1 $0x1;
	p0 =	seq.s32 s7, s2  }
0x1e: {  	s7 =	smul.u32 @!p0 $0xF7A, s2;
	p2 =	seq.s32 @!p0 s5, $0x0  }
0x1f: {  	s9 =	smul.u32 $0xF7A, s1;
	s8 =	simm.s32 @!p0 $0x1BF5;
	p2 =	por !p2, p0  }
0x20: {  	[sflag:s8] =	ssyncset.s32 @!p0 $0xFFFFF086;
	s6 =	sadd.s32 @!p0 s3, s7;
	s7 =	simm.s32 @!p0 $0x108  }
0x21: {  	s3 =	sadd.s32 s3, s9;
	s6 =	sadd.s32 @!p0 $0x88, s6;
	s7 =	simm.s32 @p2 $0x1082  }
0x22: {  	[simem:s7], [sflag:s8] =	dma.local @!p0 [hbm:s6], $0xF7A  }
0x23: {  	s9 =	sor.u32 $0xD0000000, s2;
	s6 =	simm.s32 $0x108;
	_ =	swait.ge @!p0 [sflag:s8], $0x0  }
0x24: {  	s3 =	sadd.s32 $0x88, s3;
	s6 =	simm.s32 @!p1 $0x1082;
	[sflag:s4] =	ssyncset.s32 $0xFFFFF086  }
0x25: {  	[simem:s6], [sflag:s4] =	dma.local [hbm:s3], $0xF7A  }
0x26: {  	[smem:$0x3F99] =	sst s1;
	(tag) =	ssettag s2;
	_ =	strace s9  }
0x27: {  	s1 =	sld [smem:$0x3FA9]  }
0x28: {  	s2 =	sld [smem:$0x3FAA]  }
0x29: {  	s4 =	sld [smem:$0x3FAC]  }
0x2a: {  	p0 =	seq.s32 s5, $0x0;
	s5 =	sld [smem:$0x3FAD]  }
0x2b: {  	s6 =	sld [smem:$0x3FAE]  }
0x2c: {  	s7 =	sld [smem:$0x3FAF]  }
0x2d: {  	s3 =	simm.s32 $0x108;
	s8 =	sld [smem:$0x3FB0]  }
0x2e: {  	s3 =	simm.s32 @!p0 $0x1082;
	s9 =	sld [smem:$0x3FB1]  }
0x2f: {  	lr =	sadd.s32 s0, s3;
	s0 =	sld [smem:$0x3FA8]  }
0x30: {  	s3 =	sld [smem:$0x3FAB]  }
0x31: {  	[smem:$0x3FB4] =	sst s10  }
0x32: {  	s10 =	sld [smem:$0x3FB2];
	_ =	sdelay $0x3  }
0x33: {  	p0 =	seq.s32 s10, $0x1;
	s10 =	sld [smem:$0x3FB4];
	_ =	sdelay $0x3  }
0x34: {  	[smem:$0x3FB4] =	sst s10  }
0x35: {  	s10 =	sld [smem:$0x3FB3];
	_ =	sdelay $0x3  }
0x36: {  	p1 =	seq.s32 s10, $0x1;
	s10 =	sld [smem:$0x3FB4];
	_ =	sdelay $0x3  }
0x37: {  	[smem:$0x3FB4] =	sst s10  }
0x38: {  	s10 =	sld [smem:$0x3FB5]  }
0x39: {  	_ = 	snop;
	(pc) =	sbr.ind lr, $3  }
0x3a: {  	_ = 	snop  }
0x3b: {  	_ = 	snop  }
0x3c: {  	p2 =	seq.s32 s10, $0x1;
	s10 =	sld [smem:$0x3FB4]  }
0x3d: {  	_ =	shalt  }
0x3e: {  	_ =	shalt  }
0x3f: {  	_ =	shalt  }
0x40: {  	_ =	shalt  }
0x41: {  	_ =	shalt  }
0x42: {  	_ =	shalt  }
0x43: {  	_ =	shalt  }
0x44: {  	_ =	shalt  }
0x45: {  	_ =	shalt  }
0x46: {  	_ =	shalt  }
0x47: {  	_ =	shalt  }
0x48: {  	_ =	shalt  }
0x49: {  	_ =	shalt  }
0x4a: {  	_ =	shalt  }
0x4b: {  	_ =	shalt  }
0x4c: {  	_ =	shalt  }
0x4d: {  	_ =	shalt  }
0x4e: {  	_ =	shalt  }
0x4f: {  	_ =	shalt  }
0x50: {  	_ =	shalt  }
0x51: {  	_ =	shalt  }
0x52: {  	_ =	shalt  }
0x53: {  	_ =	shalt  }
0x54: {  	_ =	shalt  }
0x55: {  	_ =	shalt  }
0x56: {  	_ =	shalt  }
0x57: {  	_ =	shalt  }
0x58: {  	_ =	shalt  }
0x59: {  	_ =	shalt  }
0x5a: {  	_ =	shalt  }
0x5b: {  	_ =	shalt  }
0x5c: {  	_ =	shalt  }
0x5d: {  	_ =	shalt  }
0x5e: {  	_ =	shalt  }
0x5f: {  	_ =	shalt  }
0x60: {  	_ =	shalt  }
0x61: {  	_ =	shalt  }
0x62: {  	_ =	shalt  }
0x63: {  	_ =	shalt  }
0x64: {  	_ =	shalt  }
0x65: {  	_ =	shalt  }
0x66: {  	_ =	shalt  }
0x67: {  	_ =	shalt  }
0x68: {  	_ =	shalt  }
0x69: {  	_ =	shalt  }
0x6a: {  	_ =	shalt  }
0x6b: {  	_ =	shalt  }
0x6c: {  	_ =	shalt  }
0x6d: {  	_ =	shalt  }
0x6e: {  	_ =	shalt  }
0x6f: {  	_ =	shalt  }
0x70: {  	_ =	shalt  }
0x71: {  	_ =	shalt  }
0x72: {  	_ =	shalt  }
0x73: {  	_ =	shalt  }
0x74: {  	_ =	shalt  }
0x75: {  	_ =	shalt  }
0x76: {  	_ =	shalt  }
0x77: {  	_ =	shalt  }
0x78: {  	_ =	shalt  }
0x79: {  	_ =	shalt  }
0x7a: {  	_ =	shalt  }
0x7b: {  	_ =	shalt  }
0x7c: {  	_ =	shalt  }
0x7d: {  	_ =	shalt  }
0x7e: {  	_ =	shalt  }
0x7f: {  	_ =	shalt  }
0x80: {  	_ =	shalt  }
0x81: {  	_ =	shalt  }
0x82: {  	_ =	shalt  }
0x83: {  	_ =	shalt  }
0x84: {  	_ =	shalt  }
0x85: {  	_ =	shalt  }
0x86: {  	_ =	shalt  }
0x87: {  	_ =	shalt  }
.Lfunc_end0:
.L_simem_size_0:
called_computation.1_lowered:
.L_overlay_start_0:
0x88: {  	s2 =	sld [smem:$0x3FD9]  }
0x89: {  	s3 =	sld [smem:$0x3FFE];
	_ =	sdelay $0x1  }
0x8a: {  	s1 =	srdreg.scid  }
0x8b: {  	s0 =	sand.u32 $0x1, s1  }
0x8c: {  	s17 =	sshll.u32 s0, $0xA;
	s2 =	sadd.s32 s3, s2  }
0x8d: {  	s2 =	sadd.s32 s2, s17  }
0x8e: {  	[smem:$0x3FC0] =	sst s2  }
0x8f: {  	_ = 	snop  }
0x90: {  	s2 =	sld [smem:$0x3FD0];
	(tm) =	ssettm $0x1  }
0x91: {  	s18 =	sld [smem:$0x3FFB];
	_ =	sdelay $0x3  }
0x92: {  	_ =	strace s18  }
0x93: {  	s3 =	sld [smem:$0x3FFC];
	_ =	sdelay $0x3  }
0x94: {  	_ =	strace s3  }
0x95: {  	s3 =	sld [smem:$0x3FFD];
	_ =	sdelay $0x3  }
0x96: {  	_ =	strace s3  }
0x97: {  	_ =	strace $0x8FFFFFFF  }
0x98: {  	s19 =	sld [smem:$0x3FDB];
	_ =	sdelay $0x1  }
0x99: {  	s4 =	simm.s32 $_scs_section_size  }
0x9a: {  	s5 =	simm.s32 $_size__tile_overlayer_lowered;
	s6 =	simm.s32 $_tile_overlayer_lowered  }
0x9b: {  	s22 =	simm.s32 $0x1BFF;
	s21 =	sshll.u32 s6, $0x1;
	s3 =	sadd.s32 s4, s19  }
0x9c: {  	s7 =	simm.s32 $0x0;
	s20 =	sshll.u32 s5, $0x1;
	s5 =	sadd.s32 s21, s3  }
0x9d: {  	[timem:s7], [sflag:s22] =	dma.local [hbm:s5], s20  }
0x9e: {  	_ =	swait.ge [sflag:s22], s20  }
0x9f: {  	s4 =	ssub.s32 $0x0, s20;
	[sflag:s22] =	ssyncset.done $0x0  }
0xa0: {  	[sflag:s22] =	ssyncadd.s32 s4;
	_ =	sdelay $0x1  }
0xa1: {  	s23 =	simm.s32 $0x1B8B  }
0xa2: {  	_ =	swait.ge [sflag:s23], $0x1  }
0xa3: {  	[sflag:s23] =	ssyncset.done $0x0  }
0xa4: {  	s25 =	simm.s32 $0x1B8E;
	s24 =	sld [smem:$0x3FFE];
	[sflag:s23] =	ssyncadd.s32 $0xFFFFFFFF  }
0xa5: {  	s26 =	simm.s32 $execute0_lowered;
	[smem:$0x3FD2] =	sst s25  }
0xa6: {  	s5 =	sshll.u32 s26, $0x1;
	_ =	strace $0x80000049;
	[dreg:$0x1] =	wrdreg $0xFFFFFFFF  }
0xa7: {  	s28 =	simm.s32 $_size_execute0_lowered;
	s3 =	sadd.s32 s3, s5;
	[dreg:$0x0] =	wrdreg $0x0  }
0xa8: {  	s5 =	sshll.u32 s28, $0x1;
	[dreg:$0x2] =	wrdreg s3  }
0xa9: {  	[dreg:$0x3] =	wrdreg s5  }
0xaa: {  	[dreg:$0x4] =	wrdreg $0xC0  }
0xab: {  	_ =	task [dreg:s7], $0x5FFFF  }
0xac: {  	[dreg:$0x1] =	wrdreg $0xFFFFFFFF  }
0xad: {  	[dreg:$0x0] =	wrdreg $0x60  }
0xae: {  	[dreg:$0x2] =	wrdreg s24  }
0xaf: {  	[dreg:$0x3] =	wrdreg s2  }
0xb0: {  	[dreg:$0x4] =	wrdreg $0x120000  }
0xb1: {  	[dreg:$0x5] =	wrdreg $0x9  }
0xb2: {  	_ =	task.clear_ibuf [dreg:s7], $0x6FFFF;
	_ =	strace $0x90000049  }
0xb3: {  	s29 =	simm.s32 $0x9;
	_ =	strace $0x8000004B  }
0xb4: {  	_ =	swait.ge [sflag:s29], $0x1  }
0xb5: {  	[sflag:s29] =	ssyncadd.s32 $0xFFFFFFFF  }
0xb6: {  	_ =	strace $0x9000004B  }
0xb7: {  	_ =	sfence  }
0xb8: {  	s30 =	sld [smem:$0x0];
	_ =	sdelay $0x2  }
0xb9: {  	s31 =	sshll.u32 s1, $0xD;
	s1 =	sshrl.u32 s1, $0x2  }
0xba: {  	s3 =	sand.u32 $0x4000, s31;
	s1 =	sadd.s32 s1, s30  }
0xbb: {  	s0 =	sor.u32 s3, s0;
	s1 =	sshll.u32 s1, $0x11  }
0xbc: {  	s0 =	sor.u32 s1, s0  }
0xbd: {  	s0 =	sadd.s32 $0x8F2B, s0  }
0xbe: {  	[sflag:s0] =	ssyncadd.remote.s32 $0x1  }
0xbf: {  	_ =	sfence.sel $0xFFFF  }
0xc0: {  	[dreg:$0x0] =	wrdreg $0xFFFFFFFF;
	(pc) =	sbr.abs _section_cstart, $3  }
0xc1: {  	[dreg:$0x1] =	wrdreg $0xFFFFFFFF  }
0xc2: {  	_ =	task.clear_ibuf [dreg:s7], $0x2FFFF;
	_ =	strace $0x9FFFFFFF  }
0xc3: {  	(tm) =	ssettm $0x7FFFFFFF  }
tec
execute0_lowered:
.L_overlay_start_1:
0x0: {  	(tag) =	ssettag $0x1  }
0x1: {  	s3 =	rddreg [dreg:$0x0]  }
0x2: {  	s4 =	rddreg [dreg:$0x1]  }
0x3: {  	s6 =	rddreg [dreg:$0x2];
	s1 =	srdreg.scid  }
0x4: {  	s0 =	rddreg [dreg:$0x3];
	s2 =	simm.s32 $0x0;
	s15 =	simm.s32 $0xA000  }
0x5: {  	s16 =	simm.s32 $0x80;
	s17 =	simm.s32 $0xC000;
	s18 =	simm.s32 $0x100  }
0x6: {  	s19 =	simm.s32 $0xE000;
	s20 =	simm.s32 $0x180;
	s21 =	simm.s32 $0x10000  }
0x7: {  	s22 =	simm.s32 $0x1;
	s23 =	simm.s32 $0x2;
	s5 =	sand.u32 $0x1, s1  }
0x8: {  	s24 =	simm.s32 $0x3;
	s1 =	stileid.u32;
	s7 =	smul.u32 $0xA0000, s5  }
0x9: {  	s25 =	simm.s32 $0x4;
	s26 =	simm.s32 $0x0;
	s8 =	smul.u32 $0xA000, s1  }
0xa: {  	[smem:$0x7FF] =	sst s2;
	s28 =	smul.u32 $0xA00, s1;
	s5 =	ssub.s32 $0x2, s5  }
0xb: {  	_ =	strace $0x8000004A;
	s11 =	smul.u32 $0x28000, s1;
	s29 =	sshrl.u32 s5, $0x1  }
0xc: {  	s9 =	sshrl.u32 s7, $0x3;
	s7 =	sadd.s32 s8, s7;
	s12 =	sadd.s32 s28, s3  }
0xd: {  	v0 =	vimm.f32 $0.0e+00;
	v1 =	vlaneseq.u32;
	s14 =	ssub.s32 s5, s29;
	s30 =	sshrl.u32 s11, $0x2;
	s4 =	sadd.s32 s4, s28  }
0xe: {  	v2 =	vor.u32 $0xFFFFD800, v1;
	v3 =	vor.u32 $0x10, v1;
	v4 =	vor.u32 $0xFFFFD810, v1;
	s5 =	sadd.s32 s8, s6;
	s10 =	sadd.s32 s9, s3;
	s7 =	sshrl.u32 s7, $0x3  }
0xf: {  	v5 =	vor.u32 $0x20, v1;
	v6 =	vor.u32 $0xFFFFD820, v1;
	v7 =	vor.u32 $0x30, v1;
	s31 =	sadd.s32 s30, s6;
	s13 =	sadd.s32 s7, s3;
	s3 =	sadd.s32 $0xC200, s12  }
0x10: {  	v8 =	vor.u32 $0xFFFFD830, v1;
	v9 =	vor.u32 $0x40, v1;
	v10 =	vor.u32 $0xFFFFD840, v1;
	s6 =	sadd.s32 $0x2000, s31;
	s7 =	sadd.s32 $0x4000, s31;
	s8 =	sadd.s32 $0x6000, s31  }
0x11: {  	v11 =	vor.u32 $0x50, v1;
	v12 =	vor.u32 $0xFFFFD850, v1;
	v13 =	vor.u32 $0x60, v1;
	s9 =	sadd.s32 $0x8000, s31;
	s10 =	sadd.s32 $0x66200, s10;
	s12 =	smax.u32 s14, $0x1  }
0x12: {  	v14 =	vor.u32 $0xFFFFD860, v1;
	v15 =	vor.u32 $0x70, v1;
	v16 =	vor.u32 $0xFFFFD870, v1;
	s14 =	simm.s32 $0x5000;
	s11 =	sadd.s32 $0x8E200, s13;
	s13 =	simm.s32 $0x5  }
.LBB2_1:
0x13: {  	[tilespmem:s2], [sflag:$0x5] =	stream.linear.gather [hbm4b:s3+s2], $0x5000, $0x38;
	[tilespmem:$0x1C000] =	vst v63  }
0x14: {  	_ =	swait.ge [sflag:s13], $0x5000  }
0x15: {  	[sflag:s13] =	ssyncset.done $0x0  }
0x16: {  	[sflag:s13] =	ssyncadd.s32 $0xFFFFB000  }
0x17: {  	[tilespmem:s14], [sflag:$0x5] =	stream.linear.gather [hbm4b:s4+s2], $0x5000, $0x38;
	[tilespmem:$0x1C000] =	vst v63  }
0x18: {  	_ =	swait.ge [sflag:s13], $0x5000  }
0x19: {  	[sflag:s13] =	ssyncset.done $0x0  }
0x1a: {  	s29 =	simm.s32 $0x100;
	s28 =	simm.s32 $0x0;
	[sflag:s13] =	ssyncadd.s32 $0xFFFFB000  }
.LBB2_2:
0x1b: {  	p0 =	sne.s32 s29, $0x7F00;
	[tilespmem:s28+$0xA030] =	vst v0;
	s30 =	smov.u32 s29;
	s29 =	sadd.s32 $0x100, s29  }
.Ltmp0:
0x1c: {  	[tilespmem:s28+$0xA020] =	vst v0;
	(pc) =	sbr.rel @p0 .LBB2_2-.Ltmp0, $3  }
0x1d: {  	[tilespmem:s28+$0xA000] =	vst v0  }
0x1e: {  	[tilespmem:s28+$0xA010] =	vst v0;
	_ =	sdelay $0x1  }
0x1f: {  	s28 =	sshra.s32 s30, $0x2  }
0x20: {  	[tilespmem:s28+$0xA030] =	vst v0  }
0x21: {  	[tilespmem:s28+$0xA020] =	vst v0  }
0x22: {  	[tilespmem:s28+$0xA000] =	vst v0  }
0x23: {  	[tilespmem:s28+$0xA010] =	vst v0  }
0x24: {  	[spmem:s5] =	stream.linear.scatter [tilespmem:s15], [sflag:$0x5], $0x2000, $0x38;
	[tilespmem:$0x1C000] =	vst v63  }
0x25: {  	_ =	swait.ge [sflag:s13], $0x2000  }
0x26: {  	[sflag:s13] =	ssyncset.done $0x0  }
0x27: {  	[sflag:s13] =	ssyncadd.s32 $0xFFFFE000  }
0x28: {  	[spmem:s6] =	stream.linear.scatter [tilespmem:s15], [sflag:$0x5], $0x2000, $0x38;
	[tilespmem:$0x1C000] =	vst v63  }
0x29: {  	_ =	swait.ge [sflag:s13], $0x2000  }
0x2a: {  	[sflag:s13] =	ssyncset.done $0x0  }
0x2b: {  	[sflag:s13] =	ssyncadd.s32 $0xFFFFE000  }
0x2c: {  	[spmem:s7] =	stream.linear.scatter [tilespmem:s15], [sflag:$0x5], $0x2000, $0x38;
	[tilespmem:$0x1C000] =	vst v63  }
0x2d: {  	_ =	swait.ge [sflag:s13], $0x2000  }
0x2e: {  	[sflag:s13] =	ssyncset.done $0x0  }
0x2f: {  	[sflag:s13] =	ssyncadd.s32 $0xFFFFE000  }
0x30: {  	[spmem:s8] =	stream.linear.scatter [tilespmem:s15], [sflag:$0x5], $0x2000, $0x38;
	[tilespmem:$0x1C000] =	vst v63  }
0x31: {  	s29 =	simm.s32 $0x0;
	_ =	swait.ge [sflag:s13], $0x2000  }
0x32: {  	v17 =	vor.u32 s29, v1;
	v18 =	vadd.s32 s29, v2;
	[sflag:s13] =	ssyncset.done $0x0  }
0x33: {  	v19 =	vor.u32 s29, v3;
	v20 =	vadd.s32 s29, v4;
	v21 =	vor.u32 s29, v5;
	[sflag:s13] =	ssyncadd.s32 $0xFFFFE000  }
0x34: {  	v22 =	vadd.s32 s29, v6;
	v23 =	vor.u32 s29, v7;
	v24 =	vadd.s32 s29, v8;
	[spmem:s9] =	stream.linear.scatter [tilespmem:s15], [sflag:$0x5], $0x2000, $0x38;
	[tilespmem:$0x1C000] =	vst v63  }
0x35: {  	v25 =	vor.u32 s29, v9;
	v26 =	vadd.s32 s29, v10;
	v27 =	vor.u32 s29, v11;
	_ =	swait.ge [sflag:s13], $0x2000  }
0x36: {  	v28 =	vadd.s32 s29, v12;
	v29 =	vmov s29;
	v30 =	vor.u32 s29, v13;
	[sflag:s13] =	ssyncset.done $0x0  }
0x37: {  	v31 =	vadd.s32 s29, v16;
	vm0 =	vgt.u32 v29, $0x27FF;
	v29 =	vor.u32 s29, v15;
	[sflag:s13] =	ssyncadd.s32 $0xFFFFE000  }
0x38: {  	s28 =	simm.s32 $0x40;
	v32 =	vadd.s32 s29, v14;
	v17 =	vsel vm0, v18, v17;
	v18 =	vsel vm0, v31, v29;
	[bflag:$0x0] =	sbarrier.arrive $0xFFFF  }
0x39: {  	v20 =	vsel vm0, v20, v19;
	v29 =	vsel vm0, v22, v21;
	v31 =	vsel vm0, v24, v23;
	[tilespmem:s28+$0x30] =	vst v18  }
0x3a: {  	s29 =	simm.s32 $0x80;
	v33 =	vsel vm0, v26, v25;
	v34 =	vsel vm0, v28, v27;
	v21 =	vsel vm0, v32, v30;
	[tilespmem:s28+$0xFFFFFFC0] =	vst v17  }
0x3b: {  	v19 =	vadd.s32 s29, v2;
	v23 =	vadd.s32 s29, v4;
	v22 =	vadd.s32 s29, v6;
	[tilespmem:s28+$0xFFFFFFD0] =	vst v20  }
0x3c: {  	v24 =	vor.u32 s29, v7;
	v26 =	vadd.s32 s29, v8;
	v25 =	vor.u32 s29, v9;
	[tilespmem:s28+$0xFFFFFFE0] =	vst v29  }
0x3d: {  	v27 =	vor.u32 s29, v11;
	v28 =	vadd.s32 s29, v12;
	v32 =	vmov s29;
	[tilespmem:s28+$0xFFFFFFF0] =	vst v31  }
0x3e: {  	v30 =	vor.u32 s29, v13;
	v17 =	vor.u32 s29, v1;
	v18 =	vor.u32 s29, v3;
	[tilespmem:s28+$0x0] =	vst v33  }
0x3f: {  	s30 =	simm.s32 $0x100;
	v20 =	vor.u32 s29, v5;
	v29 =	vadd.s32 s29, v10;
	v31 =	vadd.s32 s29, v14;
	[tilespmem:s28+$0x10] =	vst v34  }
.LBB2_4:
0x40: {  	p0 =	sne.s32 s30, $0x4F80;
	vm0 =	vgt.u32 v32, $0x27FF;
	v32 =	vor.u32 s29, v15;
	v33 =	vadd.s32 s29, v16;
	[tilespmem:s28+$0x20] =	vst v21;
	s29 =	smov.u32 s30  }
0x41: {  	s28 =	sadd.s32 $0x80, s28;
	v17 =	vsel vm0, v19, v17;
	v23 =	vsel vm0, v23, v18;
	v18 =	vsel vm0, v33, v32  }
0x42: {  	v32 =	vsel vm0, v22, v20;
	v33 =	vsel vm0, v26, v24;
	v34 =	vsel vm0, v29, v25;
	[tilespmem:s28+$0x30] =	vst v18  }
0x43: {  	v35 =	vsel vm0, v28, v27;
	v21 =	vsel vm0, v31, v30;
	[tilespmem:s28+$0xFFFFFFC0] =	vst v17  }
.Ltmp1:
0x44: {  	v19 =	vadd.s32 s30, v2;
	v18 =	vor.u32 s30, v3;
	v17 =	vor.u32 s30, v1;
	[tilespmem:s28+$0xFFFFFFD0] =	vst v23;
	(pc) =	sbr.rel @p0 .LBB2_4-.Ltmp1, $4  }
0x45: {  	v20 =	vor.u32 s30, v5;
	v22 =	vadd.s32 s30, v6;
	v23 =	vadd.s32 s30, v4;
	[tilespmem:s28+$0xFFFFFFE0] =	vst v32  }
0x46: {  	v24 =	vor.u32 s30, v7;
	v26 =	vadd.s32 s30, v8;
	v25 =	vor.u32 s30, v9;
	[tilespmem:s28+$0xFFFFFFF0] =	vst v33  }
0x47: {  	v29 =	vadd.s32 s30, v10;
	v27 =	vor.u32 s30, v11;
	v28 =	vadd.s32 s30, v12;
	[tilespmem:s28+$0x0] =	vst v34  }
0x48: {  	v30 =	vor.u32 s29, v13;
	v31 =	vadd.s32 s29, v14;
	s30 =	sadd.s32 $0x80, s30;
	v32 =	vmov s29;
	[tilespmem:s28+$0x10] =	vst v35  }
0x49: {  	vm0 =	vgt.u32 v32, $0x27FF;
	v62 =	vor.u32 s29, v15;
	v33 =	vadd.s32 s29, v16  }
0x4a: {  	[tilespmem:s28+$0x20] =	vst v21;
	s28 =	sadd.s32 $0x80, s28;
	v63 =	vsel vm0, v33, v62  }
0x4b: {  	v17 =	vsel vm0, v19, v17;
	[tilespmem:s28+$0x30] =	vst v63  }
0x4c: {  	v18 =	vsel vm0, v23, v18;
	[tilespmem:s28+$0xFFFFFFC0] =	vst v17  }
0x4d: {  	v17 =	vsel vm0, v22, v20;
	[tilespmem:s28+$0xFFFFFFD0] =	vst v18  }
0x4e: {  	v18 =	vsel vm0, v26, v24;
	[tilespmem:s28+$0xFFFFFFE0] =	vst v17  }
0x4f: {  	v17 =	vsel vm0, v29, v25;
	[tilespmem:s28+$0xFFFFFFF0] =	vst v18  }
0x50: {  	v18 =	vsel vm0, v28, v27;
	[tilespmem:s28+$0x0] =	vst v17  }
0x51: {  	v17 =	vsel vm0, v31, v30;
	[tilespmem:s28+$0x10] =	vst v18  }
0x52: {  	[tilespmem:s28+$0x20] =	vst v17  }
0x53: {  	[tilespmem:s15], [sflag:$0x1] =	stream.indirect.gather [hbm4b:s10+s16], $0x40, s2, s16, $0xb8;
	[tilespmem:$0x1C000] =	vst v63  }
0x54: {  	_ = 	snop  }
0x55: {  	[tilespmem:s17], [sflag:$0x2] =	stream.indirect.gather [hbm4b:s10+s16], $0x40, s16, s16, $0xb8;
	[tilespmem:$0x1C000] =	vst v63  }
0x56: {  	_ = 	snop  }
0x57: {  	[tilespmem:s19], [sflag:$0x3] =	stream.indirect.gather [hbm4b:s10+s16], $0x40, s18, s16, $0xb8;
	[tilespmem:$0x1C000] =	vst v63  }
0x58: {  	_ = 	snop  }
0x59: {  	[tilespmem:s21], [sflag:$0x4] =	stream.indirect.gather [hbm4b:s10+s16], $0x40, s20, s16, $0xb8;
	[tilespmem:$0x1C000] =	vst v63  }
0x5a: {  	_ =	swait.ge [sflag:s22], $0x2000  }
0x5b: {  	[sflag:s22] =	ssyncset.done $0x0  }
0x5c: {  	[sflag:s22] =	ssyncadd.s32 $0xFFFFE000  }
0x5d: {  	_ =	swait.ge [sflag:s23], $0x2000  }
0x5e: {  	[sflag:s23] =	ssyncset.done $0x0  }
0x5f: {  	[sflag:s23] =	ssyncadd.s32 $0xFFFFE000  }
0x60: {  	_ =	swait.ge [sflag:s24], $0x2000  }
0x61: {  	[sflag:s24] =	ssyncset.done $0x0  }
0x62: {  	[sflag:s24] =	ssyncadd.s32 $0xFFFFE000  }
0x63: {  	_ =	swait.ge [sflag:s25], $0x2000  }
0x64: {  	[sflag:s25] =	ssyncset.done $0x0  }
0x65: {  	s28 =	simm.s32 $0x200;
	[sflag:s25] =	ssyncadd.s32 $0xFFFFE000  }
0x66: {  	[tilespmem:s15], [sflag:$0x1] =	stream.indirect.gather [hbm4b:s10+s16], $0x40, s28, s16, $0xb8;
	[tilespmem:$0x1C000] =	vst v63  }
0x67: {  	s28 =	simm.s32 $0x280  }
0x68: {  	[tilespmem:s17], [sflag:$0x2] =	stream.indirect.gather [hbm4b:s10+s16], $0x40, s28, s16, $0xb8;
	[tilespmem:$0x1C000] =	vst v63  }
0x69: {  	s28 =	simm.s32 $0x300  }
0x6a: {  	[tilespmem:s19], [sflag:$0x3] =	stream.indirect.gather [hbm4b:s10+s16], $0x40, s28, s16, $0xb8;
	[tilespmem:$0x1C000] =	vst v63  }
0x6b: {  	s29 =	simm.s32 $0x380;
	s28 =	simm.s32 $0xFFFED000  }
.LBB2_6:
0x6c: {  	[tilespmem:s21], [sflag:$0x4] =	stream.indirect.gather [hbm4b:s10+s16], $0x40, s29, s16, $0xb8;
	[tilespmem:$0x1C000] =	vst v63  }
0x6d: {  	s29 =	smov.u32 s28  }
0x6e: {  	p0 =	sne.s32 s28, $0xFFFFF800;
	s28 =	sadd.s32 $0x800, s28;
	_ =	swait.ge [sflag:s22], $0x2000  }
0x6f: {  	[sflag:s22] =	ssyncset.done $0x0  }
0x70: {  	[sflag:s22] =	ssyncadd.s32 $0xFFFFE000  }
0x71: {  	_ =	swait.ge [sflag:s23], $0x2000  }
0x72: {  	[sflag:s23] =	ssyncset.done $0x0  }
0x73: {  	[sflag:s23] =	ssyncadd.s32 $0xFFFFE000  }
0x74: {  	_ =	swait.ge [sflag:s24], $0x2000  }
0x75: {  	[sflag:s24] =	ssyncset.done $0x0  }
0x76: {  	[sflag:s24] =	ssyncadd.s32 $0xFFFFE000  }
0x77: {  	_ =	swait.ge [sflag:s25], $0x2000  }
0x78: {  	s29 =	sshra.s32 s29, $0x2;
	[sflag:s25] =	ssyncset.done $0x0  }
0x79: {  	s30 =	sadd.s32 $0x5000, s29;
	[sflag:s25] =	ssyncadd.s32 $0xFFFFE000  }
0x7a: {  	[tilespmem:s15], [sflag:$0x1] =	stream.indirect.gather [hbm4b:s10+s16], $0x40, s30, s16, $0xb8;
	[tilespmem:$0x1C000] =	vst v63  }
.Ltmp2:
0x7b: {  	s30 =	sadd.s32 $0x5080, s29;
	(pc) =	sbr.rel @p0 .LBB2_6-.Ltmp2, $4  }
0x7c: {  	[tilespmem:s17], [sflag:$0x2] =	stream.indirect.gather [hbm4b:s10+s16], $0x40, s30, s16, $0xb8;
	[tilespmem:$0x1C000] =	vst v63  }
0x7d: {  	s30 =	sadd.s32 $0x5100, s29  }
0x7e: {  	[tilespmem:s19], [sflag:$0x3] =	stream.indirect.gather [hbm4b:s10+s16], $0x40, s30, s16, $0xb8;
	[tilespmem:$0x1C000] =	vst v63  }
0x7f: {  	s29 =	sadd.s32 $0x5180, s29  }
0x80: {  	[tilespmem:s21], [sflag:$0x4] =	stream.indirect.gather [hbm4b:s10+s16], $0x40, s29, s16, $0xb8;
	[tilespmem:$0x1C000] =	vst v63  }
0x81: {  	_ =	swait.ge [sflag:s22], $0x2000  }
0x82: {  	[sflag:s22] =	ssyncset.done $0x0  }
0x83: {  	[sflag:s22] =	ssyncadd.s32 $0xFFFFE000  }
0x84: {  	_ =	swait.ge [sflag:s23], $0x2000  }
0x85: {  	[sflag:s23] =	ssyncset.done $0x0  }
0x86: {  	[sflag:s23] =	ssyncadd.s32 $0xFFFFE000  }
0x87: {  	_ =	swait.ge [sflag:s24], $0x2000  }
0x88: {  	[sflag:s24] =	ssyncset.done $0x0  }
0x89: {  	[sflag:s24] =	ssyncadd.s32 $0xFFFFE000  }
0x8a: {  	_ =	swait.ge [sflag:s25], $0x2000  }
0x8b: {  	s28 =	sshll.u32 s1, $0x6;
	s26 =	sadd.s32 $0x1, s26;
	[sflag:s25] =	ssyncset.done $0x0  }
0x8c: {  	s31 =	sshrl.u32 s5, $0x3;
	p0 =	sne.s32 s26, s12;
	[sflag:s25] =	ssyncadd.s32 $0xFFFFE000  }
.Ltmp3:
0x8d: {  	s28 =	sor.u32 $0x1C05, s28;
	[bflag:$0x0] =	sbarrier.arrive $0xFFFF;
	(pc) =	sbr.rel @p0 .LBB2_1-.Ltmp3, $4  }
0x8e: {  	[hbm:s11], [sflag:s28] =	dma.local [spmem:s31], $0x1400  }
0x8f: {  	_ =	swait.ge [sflag:s13], $0x1400  }
0x90: {  	[sflag:s13] =	ssyncset.done $0x0  }
0x91: {  	[sflag:s13] =	ssyncadd.s32 $0xFFFFEC00  }
0x92: {  	_ =	sfence.sel $0x180000  }
0x93: {  	[bflag:$0x0] =	sbarrier.arrive $0xFFFF  }
0x94: {  	p0 =	sne.s32 s1, $0x0;
	_ =	strace $0x9000004A  }
0x95: {  	s0 =	sadd.s32 @!p0 $0x100000, s0;
	[bflag:$0x2] =	sbarrier.arrive $0xFFFF  }
0x96: {  	[sflag:s0] =	ssyncadd.tile.s32 @!p0 $0x1;
	_ =	shalt  }
.Lfunc_end2:
_tile_overlayer_lowered:
.L_overlay_start_2:
0x97: {  	(tag) =	ssettag $0x2  }
0x98: {  	s0 =	rddreg [dreg:$0x0];
	s2 =	stileid.u32  }
0x99: {  	s1 =	rddreg [dreg:$0x1];
	p0 =	sne.s32 s2, $0x0  }
0x9a: {  	s3 =	rddreg [dreg:$0x2];
	[bflag:$0x3] =	sbarrier.arrive $0xFFFF;
	s2 =	simm.s32 @!p0 $0x1C05  }
0x9b: {  	[timem:s3], [sflag:s2] =	dma.local @!p0 [hbm:s0], s1  }
0x9c: {  	s0 =	simm.s32 @!p0 $0x5  }
0x9d: {  	_ =	swait.ge @!p0 [sflag:s0], s1  }
0x9e: {  	s1 =	ssub.s32 @!p0 $0x0, s1;
	[sflag:s0] =	ssyncset.done @!p0 $0x0  }
0x9f: {  	[sflag:s0] =	ssyncadd.s32 @!p0 s1  }
0xa0: {  	[bflag:$0x3] =	sbarrier.arrive $0xFFFF  }
0xa1: {  	_ =	shalt  }

// kernel: kernel.16.cloned.1.call-start
scs
__scs_entry_jumppad:
0x0: {  	(pc) =	sbr.rel $0x88, $3  }
0x1: {  	(tag) =	ssettag $0x0;
	lr =	simm.s32 $0x1  }
0x2: {  	[smem:$0x3F99] =	sst lr;
	_ =	strace $0xD0000000  }
0x3: {  	_ = 	snop  }
0x4: {  	_ = 	snop  }
0x5: {  	_ = 	snop  }
0x6: {  	_ = 	snop  }
0x7: {  	_ = 	snop  }
__scs_overlays_trampoline_lowered:
0x8: {  	[smem:$0x3FA8] =	sst s0  }
0x9: {  	[smem:$0x3FA9] =	sst s1  }
0xa: {  	[smem:$0x3FAA] =	sst s2  }
0xb: {  	[smem:$0x3FAB] =	sst s3  }
0xc: {  	[smem:$0x3FAC] =	sst s4  }
0xd: {  	[smem:$0x3FAD] =	sst s5  }
0xe: {  	[smem:$0x3FAE] =	sst s6  }
0xf: {  	[smem:$0x3FAF] =	sst s7  }
0x10: {  	[smem:$0x3FB0] =	sst s8  }
0x11: {  	[smem:$0x3FB1] =	sst s9;
	s0 =	simm.s32 @!p0 $0x0  }
0x12: {  	s1 =	sld [smem:$0x3F97];
	s0 =	simm.s32 @p0 $0x1  }
0x13: {  	[smem:$0x3FB2] =	sst s0;
	s0 =	simm.s32 @!p1 $0x0  }
0x14: {  	s2 =	sld [smem:$0x3F96];
	s0 =	simm.s32 @p1 $0x1  }
0x15: {  	[smem:$0x3FB3] =	sst s0;
	s0 =	simm.s32 @!p2 $0x0  }
0x16: {  	s3 =	sld [smem:$0x3FDB];
	s0 =	simm.s32 @p2 $0x1  }
0x17: {  	s4 =	simm.s32 $0x1BF5;
	[smem:$0x3FB5] =	sst s0  }
0x18: {  	s0 =	sld [smem:$0x3F98];
	_ =	swait.ge [sflag:s4], $0x0  }
0x19: {  	s7 =	sld [smem:$0x3F99]  }
0x1a: {  	s8 =	sadd.s32 $0xFFFFE003, lr  }
0x1b: {  	s9 =	sadd.s32 $0xFFFFFEF7, lr;
	s5 =	simm.s32 $0xFFFFFFFF;
	p2 =	slt.u32 s8, $0xFFFFF086  }
0x1c: {  	p1 =	slt.u32 s9, $0xF7A;
	s5 =	simm.s32 @!p2 $0x0  }
0x1d: {  	s5 =	simm.s32 @p1 $0x1;
	p0 =	seq.s32 s7, s2  }
0x1e: {  	s7 =	smul.u32 @!p0 $0xF7A, s2;
	p2 =	seq.s32 @!p0 s5, $0x0  }
0x1f: {  	s9 =	smul.u32 $0xF7A, s1;
	s8 =	simm.s32 @!p0 $0x1BF5;
	p2 =	por !p2, p0  }
0x20: {  	[sflag:s8] =	ssyncset.s32 @!p0 $0xFFFFF086;
	s6 =	sadd.s32 @!p0 s3, s7;
	s7 =	simm.s32 @!p0 $0x108  }
0x21: {  	s3 =	sadd.s32 s3, s9;
	s6 =	sadd.s32 @!p0 $0x88, s6;
	s7 =	simm.s32 @p2 $0x1082  }
0x22: {  	[simem:s7], [sflag:s8] =	dma.local @!p0 [hbm:s6], $0xF7A  }
0x23: {  	s9 =	sor.u32 $0xD0000000, s2;
	s6 =	simm.s32 $0x108;
	_ =	swait.ge @!p0 [sflag:s8], $0x0  }
0x24: {  	s3 =	sadd.s32 $0x88, s3;
	s6 =	simm.s32 @!p1 $0x1082;
	[sflag:s4] =	ssyncset.s32 $0xFFFFF086  }
0x25: {  	[simem:s6], [sflag:s4] =	dma.local [hbm:s3], $0xF7A  }
0x26: {  	[smem:$0x3F99] =	sst s1;
	(tag) =	ssettag s2;
	_ =	strace s9  }
0x27: {  	s1 =	sld [smem:$0x3FA9]  }
0x28: {  	s2 =	sld [smem:$0x3FAA]  }
0x29: {  	s4 =	sld [smem:$0x3FAC]  }
0x2a: {  	p0 =	seq.s32 s5, $0x0;
	s5 =	sld [smem:$0x3FAD]  }
0x2b: {  	s6 =	sld [smem:$0x3FAE]  }
0x2c: {  	s7 =	sld [smem:$0x3FAF]  }
0x2d: {  	s3 =	simm.s32 $0x108;
	s8 =	sld [smem:$0x3FB0]  }
0x2e: {  	s3 =	simm.s32 @!p0 $0x1082;
	s9 =	sld [smem:$0x3FB1]  }
0x2f: {  	lr =	sadd.s32 s0, s3;
	s0 =	sld [smem:$0x3FA8]  }
0x30: {  	s3 =	sld [smem:$0x3FAB]  }
0x31: {  	[smem:$0x3FB4] =	sst s10  }
0x32: {  	s10 =	sld [smem:$0x3FB2];
	_ =	sdelay $0x3  }
0x33: {  	p0 =	seq.s32 s10, $0x1;
	s10 =	sld [smem:$0x3FB4];
	_ =	sdelay $0x3  }
0x34: {  	[smem:$0x3FB4] =	sst s10  }
0x35: {  	s10 =	sld [smem:$0x3FB3];
	_ =	sdelay $0x3  }
0x36: {  	p1 =	seq.s32 s10, $0x1;
	s10 =	sld [smem:$0x3FB4];
	_ =	sdelay $0x3  }
0x37: {  	[smem:$0x3FB4] =	sst s10  }
0x38: {  	s10 =	sld [smem:$0x3FB5]  }
0x39: {  	_ = 	snop;
	(pc) =	sbr.ind lr, $3  }
0x3a: {  	_ = 	snop  }
0x3b: {  	_ = 	snop  }
0x3c: {  	p2 =	seq.s32 s10, $0x1;
	s10 =	sld [smem:$0x3FB4]  }
0x3d: {  	_ =	shalt  }
0x3e: {  	_ =	shalt  }
0x3f: {  	_ =	shalt  }
0x40: {  	_ =	shalt  }
0x41: {  	_ =	shalt  }
0x42: {  	_ =	shalt  }
0x43: {  	_ =	shalt  }
0x44: {  	_ =	shalt  }
0x45: {  	_ =	shalt  }
0x46: {  	_ =	shalt  }
0x47: {  	_ =	shalt  }
0x48: {  	_ =	shalt  }
0x49: {  	_ =	shalt  }
0x4a: {  	_ =	shalt  }
0x4b: {  	_ =	shalt  }
0x4c: {  	_ =	shalt  }
0x4d: {  	_ =	shalt  }
0x4e: {  	_ =	shalt  }
0x4f: {  	_ =	shalt  }
0x50: {  	_ =	shalt  }
0x51: {  	_ =	shalt  }
0x52: {  	_ =	shalt  }
0x53: {  	_ =	shalt  }
0x54: {  	_ =	shalt  }
0x55: {  	_ =	shalt  }
0x56: {  	_ =	shalt  }
0x57: {  	_ =	shalt  }
0x58: {  	_ =	shalt  }
0x59: {  	_ =	shalt  }
0x5a: {  	_ =	shalt  }
0x5b: {  	_ =	shalt  }
0x5c: {  	_ =	shalt  }
0x5d: {  	_ =	shalt  }
0x5e: {  	_ =	shalt  }
0x5f: {  	_ =	shalt  }
0x60: {  	_ =	shalt  }
0x61: {  	_ =	shalt  }
0x62: {  	_ =	shalt  }
0x63: {  	_ =	shalt  }
0x64: {  	_ =	shalt  }
0x65: {  	_ =	shalt  }
0x66: {  	_ =	shalt  }
0x67: {  	_ =	shalt  }
0x68: {  	_ =	shalt  }
0x69: {  	_ =	shalt  }
0x6a: {  	_ =	shalt  }
0x6b: {  	_ =	shalt  }
0x6c: {  	_ =	shalt  }
0x6d: {  	_ =	shalt  }
0x6e: {  	_ =	shalt  }
0x6f: {  	_ =	shalt  }
0x70: {  	_ =	shalt  }
0x71: {  	_ =	shalt  }
0x72: {  	_ =	shalt  }
0x73: {  	_ =	shalt  }
0x74: {  	_ =	shalt  }
0x75: {  	_ =	shalt  }
0x76: {  	_ =	shalt  }
0x77: {  	_ =	shalt  }
0x78: {  	_ =	shalt  }
0x79: {  	_ =	shalt  }
0x7a: {  	_ =	shalt  }
0x7b: {  	_ =	shalt  }
0x7c: {  	_ =	shalt  }
0x7d: {  	_ =	shalt  }
0x7e: {  	_ =	shalt  }
0x7f: {  	_ =	shalt  }
0x80: {  	_ =	shalt  }
0x81: {  	_ =	shalt  }
0x82: {  	_ =	shalt  }
0x83: {  	_ =	shalt  }
0x84: {  	_ =	shalt  }
0x85: {  	_ =	shalt  }
0x86: {  	_ =	shalt  }
0x87: {  	_ =	shalt  }
.Lfunc_end0:
.L_simem_size_0:
called_computation.2_lowered:
.L_overlay_start_0:
0x88: {  	s2 =	sld [smem:$0x3FD9]  }
0x89: {  	s3 =	sld [smem:$0x3FFE];
	_ =	sdelay $0x1  }
0x8a: {  	s1 =	srdreg.scid  }
0x8b: {  	s0 =	sand.u32 $0x1, s1  }
0x8c: {  	s17 =	sshll.u32 s0, $0xA;
	s2 =	sadd.s32 s3, s2  }
0x8d: {  	s2 =	sadd.s32 s2, s17  }
0x8e: {  	[smem:$0x3FC0] =	sst s2  }
0x8f: {  	_ = 	snop  }
0x90: {  	s2 =	sld [smem:$0x3FD0];
	(tm) =	ssettm $0x1  }
0x91: {  	s18 =	sld [smem:$0x3FFB];
	_ =	sdelay $0x3  }
0x92: {  	_ =	strace s18  }
0x93: {  	s3 =	sld [smem:$0x3FFC];
	_ =	sdelay $0x3  }
0x94: {  	_ =	strace s3  }
0x95: {  	s3 =	sld [smem:$0x3FFD];
	_ =	sdelay $0x3  }
0x96: {  	_ =	strace s3  }
0x97: {  	_ =	strace $0x8FFFFFFF  }
0x98: {  	s19 =	sld [smem:$0x3FDB];
	_ =	sdelay $0x1  }
0x99: {  	s4 =	simm.s32 $_scs_section_size  }
0x9a: {  	s5 =	simm.s32 $_size__tile_overlayer_lowered;
	s6 =	simm.s32 $_tile_overlayer_lowered  }
0x9b: {  	s22 =	simm.s32 $0x1BFF;
	s21 =	sshll.u32 s6, $0x1;
	s3 =	sadd.s32 s4, s19  }
0x9c: {  	s7 =	simm.s32 $0x0;
	s20 =	sshll.u32 s5, $0x1;
	s5 =	sadd.s32 s21, s3  }
0x9d: {  	[timem:s7], [sflag:s22] =	dma.local [hbm:s5], s20  }
0x9e: {  	_ =	swait.ge [sflag:s22], s20  }
0x9f: {  	s4 =	ssub.s32 $0x0, s20;
	[sflag:s22] =	ssyncset.done $0x0  }
0xa0: {  	[sflag:s22] =	ssyncadd.s32 s4;
	_ =	sdelay $0x1  }
0xa1: {  	s23 =	simm.s32 $0x1B8B  }
0xa2: {  	_ =	swait.ge [sflag:s23], $0x1  }
0xa3: {  	[sflag:s23] =	ssyncset.done $0x0  }
0xa4: {  	s25 =	simm.s32 $0x1B8E;
	s24 =	sld [smem:$0x3FFE];
	[sflag:s23] =	ssyncadd.s32 $0xFFFFFFFF  }
0xa5: {  	s26 =	simm.s32 $execute0_lowered;
	[smem:$0x3FD2] =	sst s25  }
0xa6: {  	s5 =	sshll.u32 s26, $0x1;
	_ =	strace $0x8000004C;
	[dreg:$0x1] =	wrdreg $0xFFFFFFFF  }
0xa7: {  	s28 =	simm.s32 $_size_execute0_lowered;
	s3 =	sadd.s32 s3, s5;
	[dreg:$0x0] =	wrdreg $0x0  }
0xa8: {  	s5 =	sshll.u32 s28, $0x1;
	[dreg:$0x2] =	wrdreg s3  }
0xa9: {  	[dreg:$0x3] =	wrdreg s5  }
0xaa: {  	[dreg:$0x4] =	wrdreg $0xC0  }
0xab: {  	_ =	task [dreg:s7], $0x5FFFF  }
0xac: {  	[dreg:$0x1] =	wrdreg $0xFFFFFFFF  }
0xad: {  	[dreg:$0x0] =	wrdreg $0x60  }
0xae: {  	[dreg:$0x2] =	wrdreg s24  }
0xaf: {  	[dreg:$0x3] =	wrdreg s2  }
0xb0: {  	[dreg:$0x4] =	wrdreg $0x120000  }
0xb1: {  	[dreg:$0x5] =	wrdreg $0x9  }
0xb2: {  	_ =	task.clear_ibuf [dreg:s7], $0x6FFFF;
	_ =	strace $0x9000004C  }
0xb3: {  	s29 =	simm.s32 $0x9;
	_ =	strace $0x8000004E  }
0xb4: {  	_ =	swait.ge [sflag:s29], $0x1  }
0xb5: {  	[sflag:s29] =	ssyncadd.s32 $0xFFFFFFFF  }
0xb6: {  	_ =	strace $0x9000004E  }
0xb7: {  	_ =	sfence  }
0xb8: {  	s30 =	sld [smem:$0x0];
	_ =	sdelay $0x2  }
0xb9: {  	s31 =	sshll.u32 s1, $0xD;
	s1 =	sshrl.u32 s1, $0x2  }
0xba: {  	s3 =	sand.u32 $0x4000, s31;
	s1 =	sadd.s32 s1, s30  }
0xbb: {  	s0 =	sor.u32 s3, s0;
	s1 =	sshll.u32 s1, $0x11  }
0xbc: {  	s0 =	sor.u32 s1, s0  }
0xbd: {  	s0 =	sadd.s32 $0x8F2B, s0  }
0xbe: {  	[sflag:s0] =	ssyncadd.remote.s32 $0x1  }
0xbf: {  	_ =	sfence.sel $0xFFFF  }
0xc0: {  	[dreg:$0x0] =	wrdreg $0xFFFFFFFF;
	(pc) =	sbr.abs _section_cstart, $3  }
0xc1: {  	[dreg:$0x1] =	wrdreg $0xFFFFFFFF  }
0xc2: {  	_ =	task.clear_ibuf [dreg:s7], $0x2FFFF;
	_ =	strace $0x9FFFFFFF  }
0xc3: {  	(tm) =	ssettm $0x7FFFFFFF  }
tec
execute0_lowered:
.L_overlay_start_1:
0x0: {  	(tag) =	ssettag $0x1  }
0x1: {  	s3 =	rddreg [dreg:$0x0]  }
0x2: {  	s4 =	rddreg [dreg:$0x1]  }
0x3: {  	s6 =	rddreg [dreg:$0x2];
	s1 =	srdreg.scid  }
0x4: {  	s0 =	rddreg [dreg:$0x3];
	s2 =	simm.s32 $0x0;
	s15 =	simm.s32 $0xA000  }
0x5: {  	s16 =	simm.s32 $0x80;
	s17 =	simm.s32 $0xC000;
	s18 =	simm.s32 $0x100  }
0x6: {  	s19 =	simm.s32 $0xE000;
	s20 =	simm.s32 $0x180;
	s21 =	simm.s32 $0x10000  }
0x7: {  	s22 =	simm.s32 $0x1;
	s23 =	simm.s32 $0x2;
	s5 =	sand.u32 $0x1, s1  }
0x8: {  	s24 =	simm.s32 $0x3;
	s1 =	stileid.u32;
	s7 =	smul.u32 $0xA0000, s5  }
0x9: {  	s25 =	simm.s32 $0x4;
	s26 =	simm.s32 $0x0;
	s8 =	smul.u32 $0xA000, s1  }
0xa: {  	[smem:$0x7FF] =	sst s2;
	s28 =	smul.u32 $0xA00, s1;
	s5 =	ssub.s32 $0x2, s5  }
0xb: {  	_ =	strace $0x8000004D;
	s11 =	smul.u32 $0x28000, s1;
	s29 =	sshrl.u32 s5, $0x1  }
0xc: {  	s9 =	sshrl.u32 s7, $0x3;
	s7 =	sadd.s32 s8, s7;
	s12 =	sadd.s32 s28, s3  }
0xd: {  	v0 =	vimm.f32 $0.0e+00;
	v1 =	vlaneseq.u32;
	s14 =	ssub.s32 s5, s29;
	s30 =	sshrl.u32 s11, $0x2;
	s4 =	sadd.s32 s4, s28  }
0xe: {  	v2 =	vor.u32 $0xFFFFD800, v1;
	v3 =	vor.u32 $0x10, v1;
	v4 =	vor.u32 $0xFFFFD810, v1;
	s5 =	sadd.s32 s8, s6;
	s10 =	sadd.s32 s9, s3;
	s7 =	sshrl.u32 s7, $0x3  }
0xf: {  	v5 =	vor.u32 $0x20, v1;
	v6 =	vor.u32 $0xFFFFD820, v1;
	v7 =	vor.u32 $0x30, v1;
	s31 =	sadd.s32 s30, s6;
	s13 =	sadd.s32 s7, s3;
	s3 =	sadd.s32 $0xC200, s12  }
0x10: {  	v8 =	vor.u32 $0xFFFFD830, v1;
	v9 =	vor.u32 $0x40, v1;
	v10 =	vor.u32 $0xFFFFD840, v1;
	s6 =	sadd.s32 $0x2000, s31;
	s7 =	sadd.s32 $0x4000, s31;
	s8 =	sadd.s32 $0x6000, s31  }
0x11: {  	v11 =	vor.u32 $0x50, v1;
	v12 =	vor.u32 $0xFFFFD850, v1;
	v13 =	vor.u32 $0x60, v1;
	s9 =	sadd.s32 $0x8000, s31;
	s10 =	sadd.s32 $0x66200, s10;
	s12 =	smax.u32 s14, $0x1  }
0x12: {  	v14 =	vor.u32 $0xFFFFD860, v1;
	v15 =	vor.u32 $0x70, v1;
	v16 =	vor.u32 $0xFFFFD870, v1;
	s14 =	simm.s32 $0x5000;
	s11 =	sadd.s32 $0x8E200, s13;
	s13 =	simm.s32 $0x5  }
.LBB2_1:
0x13: {  	[tilespmem:s2], [sflag:$0x5] =	stream.linear.gather [hbm4b:s3+s2], $0x5000, $0x38;
	[tilespmem:$0x1C000] =	vst v63  }
0x14: {  	_ =	swait.ge [sflag:s13], $0x5000  }
0x15: {  	[sflag:s13] =	ssyncset.done $0x0  }
0x16: {  	[sflag:s13] =	ssyncadd.s32 $0xFFFFB000  }
0x17: {  	[tilespmem:s14], [sflag:$0x5] =	stream.linear.gather [hbm4b:s4+s2], $0x5000, $0x38;
	[tilespmem:$0x1C000] =	vst v63  }
0x18: {  	_ =	swait.ge [sflag:s13], $0x5000  }
0x19: {  	[sflag:s13] =	ssyncset.done $0x0  }
0x1a: {  	s29 =	simm.s32 $0x100;
	s28 =	simm.s32 $0x0;
	[sflag:s13] =	ssyncadd.s32 $0xFFFFB000  }
.LBB2_2:
0x1b: {  	p0 =	sne.s32 s29, $0x7F00;
	[tilespmem:s28+$0xA030] =	vst v0;
	s30 =	smov.u32 s29;
	s29 =	sadd.s32 $0x100, s29  }
.Ltmp0:
0x1c: {  	[tilespmem:s28+$0xA020] =	vst v0;
	(pc) =	sbr.rel @p0 .LBB2_2-.Ltmp0, $3  }
0x1d: {  	[tilespmem:s28+$0xA000] =	vst v0  }
0x1e: {  	[tilespmem:s28+$0xA010] =	vst v0;
	_ =	sdelay $0x1  }
0x1f: {  	s28 =	sshra.s32 s30, $0x2  }
0x20: {  	[tilespmem:s28+$0xA030] =	vst v0  }
0x21: {  	[tilespmem:s28+$0xA020] =	vst v0  }
0x22: {  	[tilespmem:s28+$0xA000] =	vst v0  }
0x23: {  	[tilespmem:s28+$0xA010] =	vst v0  }
0x24: {  	[spmem:s5] =	stream.linear.scatter [tilespmem:s15], [sflag:$0x5], $0x2000, $0x38;
	[tilespmem:$0x1C000] =	vst v63  }
0x25: {  	_ =	swait.ge [sflag:s13], $0x2000  }
0x26: {  	[sflag:s13] =	ssyncset.done $0x0  }
0x27: {  	[sflag:s13] =	ssyncadd.s32 $0xFFFFE000  }
0x28: {  	[spmem:s6] =	stream.linear.scatter [tilespmem:s15], [sflag:$0x5], $0x2000, $0x38;
	[tilespmem:$0x1C000] =	vst v63  }
0x29: {  	_ =	swait.ge [sflag:s13], $0x2000  }
0x2a: {  	[sflag:s13] =	ssyncset.done $0x0  }
0x2b: {  	[sflag:s13] =	ssyncadd.s32 $0xFFFFE000  }
0x2c: {  	[spmem:s7] =	stream.linear.scatter [tilespmem:s15], [sflag:$0x5], $0x2000, $0x38;
	[tilespmem:$0x1C000] =	vst v63  }
0x2d: {  	_ =	swait.ge [sflag:s13], $0x2000  }
0x2e: {  	[sflag:s13] =	ssyncset.done $0x0  }
0x2f: {  	[sflag:s13] =	ssyncadd.s32 $0xFFFFE000  }
0x30: {  	[spmem:s8] =	stream.linear.scatter [tilespmem:s15], [sflag:$0x5], $0x2000, $0x38;
	[tilespmem:$0x1C000] =	vst v63  }
0x31: {  	s29 =	simm.s32 $0x0;
	_ =	swait.ge [sflag:s13], $0x2000  }
0x32: {  	v17 =	vor.u32 s29, v1;
	v18 =	vadd.s32 s29, v2;
	[sflag:s13] =	ssyncset.done $0x0  }
0x33: {  	v19 =	vor.u32 s29, v3;
	v20 =	vadd.s32 s29, v4;
	v21 =	vor.u32 s29, v5;
	[sflag:s13] =	ssyncadd.s32 $0xFFFFE000  }
0x34: {  	v22 =	vadd.s32 s29, v6;
	v23 =	vor.u32 s29, v7;
	v24 =	vadd.s32 s29, v8;
	[spmem:s9] =	stream.linear.scatter [tilespmem:s15], [sflag:$0x5], $0x2000, $0x38;
	[tilespmem:$0x1C000] =	vst v63  }
0x35: {  	v25 =	vor.u32 s29, v9;
	v26 =	vadd.s32 s29, v10;
	v27 =	vor.u32 s29, v11;
	_ =	swait.ge [sflag:s13], $0x2000  }
0x36: {  	v28 =	vadd.s32 s29, v12;
	v29 =	vmov s29;
	v30 =	vor.u32 s29, v13;
	[sflag:s13] =	ssyncset.done $0x0  }
0x37: {  	v31 =	vadd.s32 s29, v16;
	vm0 =	vgt.u32 v29, $0x27FF;
	v29 =	vor.u32 s29, v15;
	[sflag:s13] =	ssyncadd.s32 $0xFFFFE000  }
0x38: {  	s28 =	simm.s32 $0x40;
	v32 =	vadd.s32 s29, v14;
	v17 =	vsel vm0, v18, v17;
	v18 =	vsel vm0, v31, v29;
	[bflag:$0x0] =	sbarrier.arrive $0xFFFF  }
0x39: {  	v20 =	vsel vm0, v20, v19;
	v29 =	vsel vm0, v22, v21;
	v31 =	vsel vm0, v24, v23;
	[tilespmem:s28+$0x30] =	vst v18  }
0x3a: {  	s29 =	simm.s32 $0x80;
	v33 =	vsel vm0, v26, v25;
	v34 =	vsel vm0, v28, v27;
	v21 =	vsel vm0, v32, v30;
	[tilespmem:s28+$0xFFFFFFC0] =	vst v17  }
0x3b: {  	v19 =	vadd.s32 s29, v2;
	v23 =	vadd.s32 s29, v4;
	v22 =	vadd.s32 s29, v6;
	[tilespmem:s28+$0xFFFFFFD0] =	vst v20  }
0x3c: {  	v24 =	vor.u32 s29, v7;
	v26 =	vadd.s32 s29, v8;
	v25 =	vor.u32 s29, v9;
	[tilespmem:s28+$0xFFFFFFE0] =	vst v29  }
0x3d: {  	v27 =	vor.u32 s29, v11;
	v28 =	vadd.s32 s29, v12;
	v32 =	vmov s29;
	[tilespmem:s28+$0xFFFFFFF0] =	vst v31  }
0x3e: {  	v30 =	vor.u32 s29, v13;
	v17 =	vor.u32 s29, v1;
	v18 =	vor.u32 s29, v3;
	[tilespmem:s28+$0x0] =	vst v33  }
0x3f: {  	s30 =	simm.s32 $0x100;
	v20 =	vor.u32 s29, v5;
	v29 =	vadd.s32 s29, v10;
	v31 =	vadd.s32 s29, v14;
	[tilespmem:s28+$0x10] =	vst v34  }
.LBB2_4:
0x40: {  	p0 =	sne.s32 s30, $0x4F80;
	vm0 =	vgt.u32 v32, $0x27FF;
	v32 =	vor.u32 s29, v15;
	v33 =	vadd.s32 s29, v16;
	[tilespmem:s28+$0x20] =	vst v21;
	s29 =	smov.u32 s30  }
0x41: {  	s28 =	sadd.s32 $0x80, s28;
	v17 =	vsel vm0, v19, v17;
	v23 =	vsel vm0, v23, v18;
	v18 =	vsel vm0, v33, v32  }
0x42: {  	v32 =	vsel vm0, v22, v20;
	v33 =	vsel vm0, v26, v24;
	v34 =	vsel vm0, v29, v25;
	[tilespmem:s28+$0x30] =	vst v18  }
0x43: {  	v35 =	vsel vm0, v28, v27;
	v21 =	vsel vm0, v31, v30;
	[tilespmem:s28+$0xFFFFFFC0] =	vst v17  }
.Ltmp1:
0x44: {  	v19 =	vadd.s32 s30, v2;
	v18 =	vor.u32 s30, v3;
	v17 =	vor.u32 s30, v1;
	[tilespmem:s28+$0xFFFFFFD0] =	vst v23;
	(pc) =	sbr.rel @p0 .LBB2_4-.Ltmp1, $4  }
0x45: {  	v20 =	vor.u32 s30, v5;
	v22 =	vadd.s32 s30, v6;
	v23 =	vadd.s32 s30, v4;
	[tilespmem:s28+$0xFFFFFFE0] =	vst v32  }
0x46: {  	v24 =	vor.u32 s30, v7;
	v26 =	vadd.s32 s30, v8;
	v25 =	vor.u32 s30, v9;
	[tilespmem:s28+$0xFFFFFFF0] =	vst v33  }
0x47: {  	v29 =	vadd.s32 s30, v10;
	v27 =	vor.u32 s30, v11;
	v28 =	vadd.s32 s30, v12;
	[tilespmem:s28+$0x0] =	vst v34  }
0x48: {  	v30 =	vor.u32 s29, v13;
	v31 =	vadd.s32 s29, v14;
	s30 =	sadd.s32 $0x80, s30;
	v32 =	vmov s29;
	[tilespmem:s28+$0x10] =	vst v35  }
0x49: {  	vm0 =	vgt.u32 v32, $0x27FF;
	v62 =	vor.u32 s29, v15;
	v33 =	vadd.s32 s29, v16  }
0x4a: {  	[tilespmem:s28+$0x20] =	vst v21;
	s28 =	sadd.s32 $0x80, s28;
	v63 =	vsel vm0, v33, v62  }
0x4b: {  	v17 =	vsel vm0, v19, v17;
	[tilespmem:s28+$0x30] =	vst v63  }
0x4c: {  	v18 =	vsel vm0, v23, v18;
	[tilespmem:s28+$0xFFFFFFC0] =	vst v17  }
0x4d: {  	v17 =	vsel vm0, v22, v20;
	[tilespmem:s28+$0xFFFFFFD0] =	vst v18  }
0x4e: {  	v18 =	vsel vm0, v26, v24;
	[tilespmem:s28+$0xFFFFFFE0] =	vst v17  }
0x4f: {  	v17 =	vsel vm0, v29, v25;
	[tilespmem:s28+$0xFFFFFFF0] =	vst v18  }
0x50: {  	v18 =	vsel vm0, v28, v27;
	[tilespmem:s28+$0x0] =	vst v17  }
0x51: {  	v17 =	vsel vm0, v31, v30;
	[tilespmem:s28+$0x10] =	vst v18  }
0x52: {  	[tilespmem:s28+$0x20] =	vst v17  }
0x53: {  	[tilespmem:s15], [sflag:$0x1] =	stream.indirect.gather [hbm4b:s10+s16], $0x40, s2, s16, $0xb8;
	[tilespmem:$0x1C000] =	vst v63  }
0x54: {  	_ = 	snop  }
0x55: {  	[tilespmem:s17], [sflag:$0x2] =	stream.indirect.gather [hbm4b:s10+s16], $0x40, s16, s16, $0xb8;
	[tilespmem:$0x1C000] =	vst v63  }
0x56: {  	_ = 	snop  }
0x57: {  	[tilespmem:s19], [sflag:$0x3] =	stream.indirect.gather [hbm4b:s10+s16], $0x40, s18, s16, $0xb8;
	[tilespmem:$0x1C000] =	vst v63  }
0x58: {  	_ = 	snop  }
0x59: {  	[tilespmem:s21], [sflag:$0x4] =	stream.indirect.gather [hbm4b:s10+s16], $0x40, s20, s16, $0xb8;
	[tilespmem:$0x1C000] =	vst v63  }
0x5a: {  	_ =	swait.ge [sflag:s22], $0x2000  }
0x5b: {  	[sflag:s22] =	ssyncset.done $0x0  }
0x5c: {  	[sflag:s22] =	ssyncadd.s32 $0xFFFFE000  }
0x5d: {  	_ =	swait.ge [sflag:s23], $0x2000  }
0x5e: {  	[sflag:s23] =	ssyncset.done $0x0  }
0x5f: {  	[sflag:s23] =	ssyncadd.s32 $0xFFFFE000  }
0x60: {  	_ =	swait.ge [sflag:s24], $0x2000  }
0x61: {  	[sflag:s24] =	ssyncset.done $0x0  }
0x62: {  	[sflag:s24] =	ssyncadd.s32 $0xFFFFE000  }
0x63: {  	_ =	swait.ge [sflag:s25], $0x2000  }
0x64: {  	[sflag:s25] =	ssyncset.done $0x0  }
0x65: {  	s28 =	simm.s32 $0x200;
	[sflag:s25] =	ssyncadd.s32 $0xFFFFE000  }
0x66: {  	[tilespmem:s15], [sflag:$0x1] =	stream.indirect.gather [hbm4b:s10+s16], $0x40, s28, s16, $0xb8;
	[tilespmem:$0x1C000] =	vst v63  }
0x67: {  	s28 =	simm.s32 $0x280  }
0x68: {  	[tilespmem:s17], [sflag:$0x2] =	stream.indirect.gather [hbm4b:s10+s16], $0x40, s28, s16, $0xb8;
	[tilespmem:$0x1C000] =	vst v63  }
0x69: {  	s28 =	simm.s32 $0x300  }
0x6a: {  	[tilespmem:s19], [sflag:$0x3] =	stream.indirect.gather [hbm4b:s10+s16], $0x40, s28, s16, $0xb8;
	[tilespmem:$0x1C000] =	vst v63  }
0x6b: {  	s29 =	simm.s32 $0x380;
	s28 =	simm.s32 $0xFFFED000  }
.LBB2_6:
0x6c: {  	[tilespmem:s21], [sflag:$0x4] =	stream.indirect.gather [hbm4b:s10+s16], $0x40, s29, s16, $0xb8;
	[tilespmem:$0x1C000] =	vst v63  }
0x6d: {  	s29 =	smov.u32 s28  }
0x6e: {  	p0 =	sne.s32 s28, $0xFFFFF800;
	s28 =	sadd.s32 $0x800, s28;
	_ =	swait.ge [sflag:s22], $0x2000  }
0x6f: {  	[sflag:s22] =	ssyncset.done $0x0  }
0x70: {  	[sflag:s22] =	ssyncadd.s32 $0xFFFFE000  }
0x71: {  	_ =	swait.ge [sflag:s23], $0x2000  }
0x72: {  	[sflag:s23] =	ssyncset.done $0x0  }
0x73: {  	[sflag:s23] =	ssyncadd.s32 $0xFFFFE000  }
0x74: {  	_ =	swait.ge [sflag:s24], $0x2000  }
0x75: {  	[sflag:s24] =	ssyncset.done $0x0  }
0x76: {  	[sflag:s24] =	ssyncadd.s32 $0xFFFFE000  }
0x77: {  	_ =	swait.ge [sflag:s25], $0x2000  }
0x78: {  	s29 =	sshra.s32 s29, $0x2;
	[sflag:s25] =	ssyncset.done $0x0  }
0x79: {  	s30 =	sadd.s32 $0x5000, s29;
	[sflag:s25] =	ssyncadd.s32 $0xFFFFE000  }
0x7a: {  	[tilespmem:s15], [sflag:$0x1] =	stream.indirect.gather [hbm4b:s10+s16], $0x40, s30, s16, $0xb8;
	[tilespmem:$0x1C000] =	vst v63  }
.Ltmp2:
0x7b: {  	s30 =	sadd.s32 $0x5080, s29;
	(pc) =	sbr.rel @p0 .LBB2_6-.Ltmp2, $4  }
0x7c: {  	[tilespmem:s17], [sflag:$0x2] =	stream.indirect.gather [hbm4b:s10+s16], $0x40, s30, s16, $0xb8;
	[tilespmem:$0x1C000] =	vst v63  }
0x7d: {  	s30 =	sadd.s32 $0x5100, s29  }
0x7e: {  	[tilespmem:s19], [sflag:$0x3] =	stream.indirect.gather [hbm4b:s10+s16], $0x40, s30, s16, $0xb8;
	[tilespmem:$0x1C000] =	vst v63  }
0x7f: {  	s29 =	sadd.s32 $0x5180, s29  }
0x80: {  	[tilespmem:s21], [sflag:$0x4] =	stream.indirect.gather [hbm4b:s10+s16], $0x40, s29, s16, $0xb8;
	[tilespmem:$0x1C000] =	vst v63  }
0x81: {  	_ =	swait.ge [sflag:s22], $0x2000  }
0x82: {  	[sflag:s22] =	ssyncset.done $0x0  }
0x83: {  	[sflag:s22] =	ssyncadd.s32 $0xFFFFE000  }
0x84: {  	_ =	swait.ge [sflag:s23], $0x2000  }
0x85: {  	[sflag:s23] =	ssyncset.done $0x0  }
0x86: {  	[sflag:s23] =	ssyncadd.s32 $0xFFFFE000  }
0x87: {  	_ =	swait.ge [sflag:s24], $0x2000  }
0x88: {  	[sflag:s24] =	ssyncset.done $0x0  }
0x89: {  	[sflag:s24] =	ssyncadd.s32 $0xFFFFE000  }
0x8a: {  	_ =	swait.ge [sflag:s25], $0x2000  }
0x8b: {  	s28 =	sshll.u32 s1, $0x6;
	s26 =	sadd.s32 $0x1, s26;
	[sflag:s25] =	ssyncset.done $0x0  }
0x8c: {  	s31 =	sshrl.u32 s5, $0x3;
	p0 =	sne.s32 s26, s12;
	[sflag:s25] =	ssyncadd.s32 $0xFFFFE000  }
.Ltmp3:
0x8d: {  	s28 =	sor.u32 $0x1C05, s28;
	[bflag:$0x0] =	sbarrier.arrive $0xFFFF;
	(pc) =	sbr.rel @p0 .LBB2_1-.Ltmp3, $4  }
0x8e: {  	[hbm:s11], [sflag:s28] =	dma.local [spmem:s31], $0x1400  }
0x8f: {  	_ =	swait.ge [sflag:s13], $0x1400  }
0x90: {  	[sflag:s13] =	ssyncset.done $0x0  }
0x91: {  	[sflag:s13] =	ssyncadd.s32 $0xFFFFEC00  }
0x92: {  	_ =	sfence.sel $0x180000  }
0x93: {  	[bflag:$0x0] =	sbarrier.arrive $0xFFFF  }
0x94: {  	p0 =	sne.s32 s1, $0x0;
	_ =	strace $0x9000004D  }
0x95: {  	s0 =	sadd.s32 @!p0 $0x100000, s0;
	[bflag:$0x2] =	sbarrier.arrive $0xFFFF  }
0x96: {  	[sflag:s0] =	ssyncadd.tile.s32 @!p0 $0x1;
	_ =	shalt  }
.Lfunc_end2:
_tile_overlayer_lowered:
.L_overlay_start_2:
0x97: {  	(tag) =	ssettag $0x2  }
0x98: {  	s0 =	rddreg [dreg:$0x0];
	s2 =	stileid.u32  }
0x99: {  	s1 =	rddreg [dreg:$0x1];
	p0 =	sne.s32 s2, $0x0  }
0x9a: {  	s3 =	rddreg [dreg:$0x2];
	[bflag:$0x3] =	sbarrier.arrive $0xFFFF;
	s2 =	simm.s32 @!p0 $0x1C05  }
0x9b: {  	[timem:s3], [sflag:s2] =	dma.local @!p0 [hbm:s0], s1  }
0x9c: {  	s0 =	simm.s32 @!p0 $0x5  }
0x9d: {  	_ =	swait.ge @!p0 [sflag:s0], s1  }
0x9e: {  	s1 =	ssub.s32 @!p0 $0x0, s1;
	[sflag:s0] =	ssyncset.done @!p0 $0x0  }
0x9f: {  	[sflag:s0] =	ssyncadd.s32 @!p0 s1  }
0xa0: {  	[bflag:$0x3] =	sbarrier.arrive $0xFFFF  }
0xa1: {  	_ =	shalt  }

// kernel: kernel.19.cloned.1.call-start
scs
__scs_entry_jumppad:
0x0: {  	(pc) =	sbr.rel $0x88, $3  }
0x1: {  	(tag) =	ssettag $0x0;
	lr =	simm.s32 $0x1  }
0x2: {  	[smem:$0x3F99] =	sst lr;
	_ =	strace $0xD0000000  }
0x3: {  	_ = 	snop  }
0x4: {  	_ = 	snop  }
0x5: {  	_ = 	snop  }
0x6: {  	_ = 	snop  }
0x7: {  	_ = 	snop  }
__scs_overlays_trampoline_lowered:
0x8: {  	[smem:$0x3FA8] =	sst s0  }
0x9: {  	[smem:$0x3FA9] =	sst s1  }
0xa: {  	[smem:$0x3FAA] =	sst s2  }
0xb: {  	[smem:$0x3FAB] =	sst s3  }
0xc: {  	[smem:$0x3FAC] =	sst s4  }
0xd: {  	[smem:$0x3FAD] =	sst s5  }
0xe: {  	[smem:$0x3FAE] =	sst s6  }
0xf: {  	[smem:$0x3FAF] =	sst s7  }
0x10: {  	[smem:$0x3FB0] =	sst s8  }
0x11: {  	[smem:$0x3FB1] =	sst s9;
	s0 =	simm.s32 @!p0 $0x0  }
0x12: {  	s1 =	sld [smem:$0x3F97];
	s0 =	simm.s32 @p0 $0x1  }
0x13: {  	[smem:$0x3FB2] =	sst s0;
	s0 =	simm.s32 @!p1 $0x0  }
0x14: {  	s2 =	sld [smem:$0x3F96];
	s0 =	simm.s32 @p1 $0x1  }
0x15: {  	[smem:$0x3FB3] =	sst s0;
	s0 =	simm.s32 @!p2 $0x0  }
0x16: {  	s3 =	sld [smem:$0x3FDB];
	s0 =	simm.s32 @p2 $0x1  }
0x17: {  	s4 =	simm.s32 $0x1BF5;
	[smem:$0x3FB5] =	sst s0  }
0x18: {  	s0 =	sld [smem:$0x3F98];
	_ =	swait.ge [sflag:s4], $0x0  }
0x19: {  	s7 =	sld [smem:$0x3F99]  }
0x1a: {  	s8 =	sadd.s32 $0xFFFFE003, lr  }
0x1b: {  	s9 =	sadd.s32 $0xFFFFFEF7, lr;
	s5 =	simm.s32 $0xFFFFFFFF;
	p2 =	slt.u32 s8, $0xFFFFF086  }
0x1c: {  	p1 =	slt.u32 s9, $0xF7A;
	s5 =	simm.s32 @!p2 $0x0  }
0x1d: {  	s5 =	simm.s32 @p1 $0x1;
	p0 =	seq.s32 s7, s2  }
0x1e: {  	s7 =	smul.u32 @!p0 $0xF7A, s2;
	p2 =	seq.s32 @!p0 s5, $0x0  }
0x1f: {  	s9 =	smul.u32 $0xF7A, s1;
	s8 =	simm.s32 @!p0 $0x1BF5;
	p2 =	por !p2, p0  }
0x20: {  	[sflag:s8] =	ssyncset.s32 @!p0 $0xFFFFF086;
	s6 =	sadd.s32 @!p0 s3, s7;
	s7 =	simm.s32 @!p0 $0x108  }
0x21: {  	s3 =	sadd.s32 s3, s9;
	s6 =	sadd.s32 @!p0 $0x88, s6;
	s7 =	simm.s32 @p2 $0x1082  }
0x22: {  	[simem:s7], [sflag:s8] =	dma.local @!p0 [hbm:s6], $0xF7A  }
0x23: {  	s9 =	sor.u32 $0xD0000000, s2;
	s6 =	simm.s32 $0x108;
	_ =	swait.ge @!p0 [sflag:s8], $0x0  }
0x24: {  	s3 =	sadd.s32 $0x88, s3;
	s6 =	simm.s32 @!p1 $0x1082;
	[sflag:s4] =	ssyncset.s32 $0xFFFFF086  }
0x25: {  	[simem:s6], [sflag:s4] =	dma.local [hbm:s3], $0xF7A  }
0x26: {  	[smem:$0x3F99] =	sst s1;
	(tag) =	ssettag s2;
	_ =	strace s9  }
0x27: {  	s1 =	sld [smem:$0x3FA9]  }
0x28: {  	s2 =	sld [smem:$0x3FAA]  }
0x29: {  	s4 =	sld [smem:$0x3FAC]  }
0x2a: {  	p0 =	seq.s32 s5, $0x0;
	s5 =	sld [smem:$0x3FAD]  }
0x2b: {  	s6 =	sld [smem:$0x3FAE]  }
0x2c: {  	s7 =	sld [smem:$0x3FAF]  }
0x2d: {  	s3 =	simm.s32 $0x108;
	s8 =	sld [smem:$0x3FB0]  }
0x2e: {  	s3 =	simm.s32 @!p0 $0x1082;
	s9 =	sld [smem:$0x3FB1]  }
0x2f: {  	lr =	sadd.s32 s0, s3;
	s0 =	sld [smem:$0x3FA8]  }
0x30: {  	s3 =	sld [smem:$0x3FAB]  }
0x31: {  	[smem:$0x3FB4] =	sst s10  }
0x32: {  	s10 =	sld [smem:$0x3FB2];
	_ =	sdelay $0x3  }
0x33: {  	p0 =	seq.s32 s10, $0x1;
	s10 =	sld [smem:$0x3FB4];
	_ =	sdelay $0x3  }
0x34: {  	[smem:$0x3FB4] =	sst s10  }
0x35: {  	s10 =	sld [smem:$0x3FB3];
	_ =	sdelay $0x3  }
0x36: {  	p1 =	seq.s32 s10, $0x1;
	s10 =	sld [smem:$0x3FB4];
	_ =	sdelay $0x3  }
0x37: {  	[smem:$0x3FB4] =	sst s10  }
0x38: {  	s10 =	sld [smem:$0x3FB5]  }
0x39: {  	_ = 	snop;
	(pc) =	sbr.ind lr, $3  }
0x3a: {  	_ = 	snop  }
0x3b: {  	_ = 	snop  }
0x3c: {  	p2 =	seq.s32 s10, $0x1;
	s10 =	sld [smem:$0x3FB4]  }
0x3d: {  	_ =	shalt  }
0x3e: {  	_ =	shalt  }
0x3f: {  	_ =	shalt  }
0x40: {  	_ =	shalt  }
0x41: {  	_ =	shalt  }
0x42: {  	_ =	shalt  }
0x43: {  	_ =	shalt  }
0x44: {  	_ =	shalt  }
0x45: {  	_ =	shalt  }
0x46: {  	_ =	shalt  }
0x47: {  	_ =	shalt  }
0x48: {  	_ =	shalt  }
0x49: {  	_ =	shalt  }
0x4a: {  	_ =	shalt  }
0x4b: {  	_ =	shalt  }
0x4c: {  	_ =	shalt  }
0x4d: {  	_ =	shalt  }
0x4e: {  	_ =	shalt  }
0x4f: {  	_ =	shalt  }
0x50: {  	_ =	shalt  }
0x51: {  	_ =	shalt  }
0x52: {  	_ =	shalt  }
0x53: {  	_ =	shalt  }
0x54: {  	_ =	shalt  }
0x55: {  	_ =	shalt  }
0x56: {  	_ =	shalt  }
0x57: {  	_ =	shalt  }
0x58: {  	_ =	shalt  }
0x59: {  	_ =	shalt  }
0x5a: {  	_ =	shalt  }
0x5b: {  	_ =	shalt  }
0x5c: {  	_ =	shalt  }
0x5d: {  	_ =	shalt  }
0x5e: {  	_ =	shalt  }
0x5f: {  	_ =	shalt  }
0x60: {  	_ =	shalt  }
0x61: {  	_ =	shalt  }
0x62: {  	_ =	shalt  }
0x63: {  	_ =	shalt  }
0x64: {  	_ =	shalt  }
0x65: {  	_ =	shalt  }
0x66: {  	_ =	shalt  }
0x67: {  	_ =	shalt  }
0x68: {  	_ =	shalt  }
0x69: {  	_ =	shalt  }
0x6a: {  	_ =	shalt  }
0x6b: {  	_ =	shalt  }
0x6c: {  	_ =	shalt  }
0x6d: {  	_ =	shalt  }
0x6e: {  	_ =	shalt  }
0x6f: {  	_ =	shalt  }
0x70: {  	_ =	shalt  }
0x71: {  	_ =	shalt  }
0x72: {  	_ =	shalt  }
0x73: {  	_ =	shalt  }
0x74: {  	_ =	shalt  }
0x75: {  	_ =	shalt  }
0x76: {  	_ =	shalt  }
0x77: {  	_ =	shalt  }
0x78: {  	_ =	shalt  }
0x79: {  	_ =	shalt  }
0x7a: {  	_ =	shalt  }
0x7b: {  	_ =	shalt  }
0x7c: {  	_ =	shalt  }
0x7d: {  	_ =	shalt  }
0x7e: {  	_ =	shalt  }
0x7f: {  	_ =	shalt  }
0x80: {  	_ =	shalt  }
0x81: {  	_ =	shalt  }
0x82: {  	_ =	shalt  }
0x83: {  	_ =	shalt  }
0x84: {  	_ =	shalt  }
0x85: {  	_ =	shalt  }
0x86: {  	_ =	shalt  }
0x87: {  	_ =	shalt  }
.Lfunc_end0:
.L_simem_size_0:
called_computation.3_lowered:
.L_overlay_start_0:
0x88: {  	s2 =	sld [smem:$0x3FD9]  }
0x89: {  	s3 =	sld [smem:$0x3FFE];
	_ =	sdelay $0x1  }
0x8a: {  	s1 =	srdreg.scid  }
0x8b: {  	s0 =	sand.u32 $0x1, s1  }
0x8c: {  	s17 =	sshll.u32 s0, $0xA;
	s2 =	sadd.s32 s3, s2  }
0x8d: {  	s2 =	sadd.s32 s2, s17  }
0x8e: {  	[smem:$0x3FC0] =	sst s2  }
0x8f: {  	_ = 	snop  }
0x90: {  	s2 =	sld [smem:$0x3FD0];
	(tm) =	ssettm $0x1  }
0x91: {  	s18 =	sld [smem:$0x3FFB];
	_ =	sdelay $0x3  }
0x92: {  	_ =	strace s18  }
0x93: {  	s3 =	sld [smem:$0x3FFC];
	_ =	sdelay $0x3  }
0x94: {  	_ =	strace s3  }
0x95: {  	s3 =	sld [smem:$0x3FFD];
	_ =	sdelay $0x3  }
0x96: {  	_ =	strace s3  }
0x97: {  	_ =	strace $0x8FFFFFFF  }
0x98: {  	s19 =	sld [smem:$0x3FDB];
	_ =	sdelay $0x1  }
0x99: {  	s4 =	simm.s32 $_scs_section_size  }
0x9a: {  	s5 =	simm.s32 $_size__tile_overlayer_lowered;
	s6 =	simm.s32 $_tile_overlayer_lowered  }
0x9b: {  	s22 =	simm.s32 $0x1BFF;
	s21 =	sshll.u32 s6, $0x1;
	s3 =	sadd.s32 s4, s19  }
0x9c: {  	s7 =	simm.s32 $0x0;
	s20 =	sshll.u32 s5, $0x1;
	s5 =	sadd.s32 s21, s3  }
0x9d: {  	[timem:s7], [sflag:s22] =	dma.local [hbm:s5], s20  }
0x9e: {  	_ =	swait.ge [sflag:s22], s20  }
0x9f: {  	s4 =	ssub.s32 $0x0, s20;
	[sflag:s22] =	ssyncset.done $0x0  }
0xa0: {  	[sflag:s22] =	ssyncadd.s32 s4;
	_ =	sdelay $0x1  }
0xa1: {  	s23 =	simm.s32 $0x1B8B  }
0xa2: {  	_ =	swait.ge [sflag:s23], $0x1  }
0xa3: {  	[sflag:s23] =	ssyncset.done $0x0  }
0xa4: {  	s25 =	simm.s32 $0x1B8E;
	s24 =	sld [smem:$0x3FFE];
	[sflag:s23] =	ssyncadd.s32 $0xFFFFFFFF  }
0xa5: {  	s26 =	simm.s32 $execute0_lowered;
	[smem:$0x3FD2] =	sst s25  }
0xa6: {  	s5 =	sshll.u32 s26, $0x1;
	_ =	strace $0x8000004F;
	[dreg:$0x1] =	wrdreg $0xFFFFFFFF  }
0xa7: {  	s28 =	simm.s32 $_size_execute0_lowered;
	s3 =	sadd.s32 s3, s5;
	[dreg:$0x0] =	wrdreg $0x0  }
0xa8: {  	s5 =	sshll.u32 s28, $0x1;
	[dreg:$0x2] =	wrdreg s3  }
0xa9: {  	[dreg:$0x3] =	wrdreg s5  }
0xaa: {  	[dreg:$0x4] =	wrdreg $0xC0  }
0xab: {  	_ =	task [dreg:s7], $0x5FFFF  }
0xac: {  	[dreg:$0x1] =	wrdreg $0xFFFFFFFF  }
0xad: {  	[dreg:$0x0] =	wrdreg $0x60  }
0xae: {  	[dreg:$0x2] =	wrdreg s24  }
0xaf: {  	[dreg:$0x3] =	wrdreg s2  }
0xb0: {  	[dreg:$0x4] =	wrdreg $0x120000  }
0xb1: {  	[dreg:$0x5] =	wrdreg $0x9  }
0xb2: {  	_ =	task.clear_ibuf [dreg:s7], $0x6FFFF;
	_ =	strace $0x9000004F  }
0xb3: {  	s29 =	simm.s32 $0x9;
	_ =	strace $0x80000051  }
0xb4: {  	_ =	swait.ge [sflag:s29], $0x1  }
0xb5: {  	[sflag:s29] =	ssyncadd.s32 $0xFFFFFFFF  }
0xb6: {  	_ =	strace $0x90000051  }
0xb7: {  	_ =	sfence  }
0xb8: {  	s30 =	sld [smem:$0x0];
	_ =	sdelay $0x2  }
0xb9: {  	s31 =	sshll.u32 s1, $0xD;
	s1 =	sshrl.u32 s1, $0x2  }
0xba: {  	s3 =	sand.u32 $0x4000, s31;
	s1 =	sadd.s32 s1, s30  }
0xbb: {  	s0 =	sor.u32 s3, s0;
	s1 =	sshll.u32 s1, $0x11  }
0xbc: {  	s0 =	sor.u32 s1, s0  }
0xbd: {  	s0 =	sadd.s32 $0x8F2B, s0  }
0xbe: {  	[sflag:s0] =	ssyncadd.remote.s32 $0x1  }
0xbf: {  	_ =	sfence.sel $0xFFFF  }
0xc0: {  	[dreg:$0x0] =	wrdreg $0xFFFFFFFF;
	(pc) =	sbr.abs _section_cstart, $3  }
0xc1: {  	[dreg:$0x1] =	wrdreg $0xFFFFFFFF  }
0xc2: {  	_ =	task.clear_ibuf [dreg:s7], $0x2FFFF;
	_ =	strace $0x9FFFFFFF  }
0xc3: {  	(tm) =	ssettm $0x7FFFFFFF  }
tec
execute0_lowered:
.L_overlay_start_1:
0x0: {  	(tag) =	ssettag $0x1  }
0x1: {  	s3 =	rddreg [dreg:$0x0]  }
0x2: {  	s4 =	rddreg [dreg:$0x1]  }
0x3: {  	s6 =	rddreg [dreg:$0x2];
	s1 =	srdreg.scid  }
0x4: {  	s0 =	rddreg [dreg:$0x3];
	s2 =	simm.s32 $0x0;
	s15 =	simm.s32 $0xA000  }
0x5: {  	s16 =	simm.s32 $0x80;
	s17 =	simm.s32 $0xC000;
	s18 =	simm.s32 $0x100  }
0x6: {  	s19 =	simm.s32 $0xE000;
	s20 =	simm.s32 $0x180;
	s21 =	simm.s32 $0x10000  }
0x7: {  	s22 =	simm.s32 $0x1;
	s23 =	simm.s32 $0x2;
	s5 =	sand.u32 $0x1, s1  }
0x8: {  	s24 =	simm.s32 $0x3;
	s1 =	stileid.u32;
	s7 =	smul.u32 $0xA0000, s5  }
0x9: {  	s25 =	simm.s32 $0x4;
	s26 =	simm.s32 $0x0;
	s8 =	smul.u32 $0xA000, s1  }
0xa: {  	[smem:$0x7FF] =	sst s2;
	s28 =	smul.u32 $0xA00, s1;
	s5 =	ssub.s32 $0x2, s5  }
0xb: {  	_ =	strace $0x80000050;
	s11 =	smul.u32 $0x28000, s1;
	s29 =	sshrl.u32 s5, $0x1  }
0xc: {  	s9 =	sshrl.u32 s7, $0x3;
	s7 =	sadd.s32 s8, s7;
	s12 =	sadd.s32 s28, s3  }
0xd: {  	v0 =	vimm.f32 $0.0e+00;
	v1 =	vlaneseq.u32;
	s14 =	ssub.s32 s5, s29;
	s30 =	sshrl.u32 s11, $0x2;
	s4 =	sadd.s32 s4, s28  }
0xe: {  	v2 =	vor.u32 $0xFFFFD800, v1;
	v3 =	vor.u32 $0x10, v1;
	v4 =	vor.u32 $0xFFFFD810, v1;
	s5 =	sadd.s32 s8, s6;
	s10 =	sadd.s32 s9, s3;
	s7 =	sshrl.u32 s7, $0x3  }
0xf: {  	v5 =	vor.u32 $0x20, v1;
	v6 =	vor.u32 $0xFFFFD820, v1;
	v7 =	vor.u32 $0x30, v1;
	s31 =	sadd.s32 s30, s6;
	s13 =	sadd.s32 s7, s3;
	s3 =	sadd.s32 $0xC200, s12  }
0x10: {  	v8 =	vor.u32 $0xFFFFD830, v1;
	v9 =	vor.u32 $0x40, v1;
	v10 =	vor.u32 $0xFFFFD840, v1;
	s6 =	sadd.s32 $0x2000, s31;
	s7 =	sadd.s32 $0x4000, s31;
	s8 =	sadd.s32 $0x6000, s31  }
0x11: {  	v11 =	vor.u32 $0x50, v1;
	v12 =	vor.u32 $0xFFFFD850, v1;
	v13 =	vor.u32 $0x60, v1;
	s9 =	sadd.s32 $0x8000, s31;
	s10 =	sadd.s32 $0x16200, s10;
	s12 =	smax.u32 s14, $0x1  }
0x12: {  	v14 =	vor.u32 $0xFFFFD860, v1;
	v15 =	vor.u32 $0x70, v1;
	v16 =	vor.u32 $0xFFFFD870, v1;
	s14 =	simm.s32 $0x5000;
	s11 =	sadd.s32 $0x3E200, s13;
	s13 =	simm.s32 $0x5  }
.LBB2_1:
0x13: {  	[tilespmem:s2], [sflag:$0x5] =	stream.linear.gather [hbm4b:s3+s2], $0x5000, $0x38;
	[tilespmem:$0x1C000] =	vst v63  }
0x14: {  	_ =	swait.ge [sflag:s13], $0x5000  }
0x15: {  	[sflag:s13] =	ssyncset.done $0x0  }
0x16: {  	[sflag:s13] =	ssyncadd.s32 $0xFFFFB000  }
0x17: {  	[tilespmem:s14], [sflag:$0x5] =	stream.linear.gather [hbm4b:s4+s2], $0x5000, $0x38;
	[tilespmem:$0x1C000] =	vst v63  }
0x18: {  	_ =	swait.ge [sflag:s13], $0x5000  }
0x19: {  	[sflag:s13] =	ssyncset.done $0x0  }
0x1a: {  	s29 =	simm.s32 $0x100;
	s28 =	simm.s32 $0x0;
	[sflag:s13] =	ssyncadd.s32 $0xFFFFB000  }
.LBB2_2:
0x1b: {  	p0 =	sne.s32 s29, $0x7F00;
	[tilespmem:s28+$0xA030] =	vst v0;
	s30 =	smov.u32 s29;
	s29 =	sadd.s32 $0x100, s29  }
.Ltmp0:
0x1c: {  	[tilespmem:s28+$0xA020] =	vst v0;
	(pc) =	sbr.rel @p0 .LBB2_2-.Ltmp0, $3  }
0x1d: {  	[tilespmem:s28+$0xA000] =	vst v0  }
0x1e: {  	[tilespmem:s28+$0xA010] =	vst v0;
	_ =	sdelay $0x1  }
0x1f: {  	s28 =	sshra.s32 s30, $0x2  }
0x20: {  	[tilespmem:s28+$0xA030] =	vst v0  }
0x21: {  	[tilespmem:s28+$0xA020] =	vst v0  }
0x22: {  	[tilespmem:s28+$0xA000] =	vst v0  }
0x23: {  	[tilespmem:s28+$0xA010] =	vst v0  }
0x24: {  	[spmem:s5] =	stream.linear.scatter [tilespmem:s15], [sflag:$0x5], $0x2000, $0x38;
	[tilespmem:$0x1C000] =	vst v63  }
0x25: {  	_ =	swait.ge [sflag:s13], $0x2000  }
0x26: {  	[sflag:s13] =	ssyncset.done $0x0  }
0x27: {  	[sflag:s13] =	ssyncadd.s32 $0xFFFFE000  }
0x28: {  	[spmem:s6] =	stream.linear.scatter [tilespmem:s15], [sflag:$0x5], $0x2000, $0x38;
	[tilespmem:$0x1C000] =	vst v63  }
0x29: {  	_ =	swait.ge [sflag:s13], $0x2000  }
0x2a: {  	[sflag:s13] =	ssyncset.done $0x0  }
0x2b: {  	[sflag:s13] =	ssyncadd.s32 $0xFFFFE000  }
0x2c: {  	[spmem:s7] =	stream.linear.scatter [tilespmem:s15], [sflag:$0x5], $0x2000, $0x38;
	[tilespmem:$0x1C000] =	vst v63  }
0x2d: {  	_ =	swait.ge [sflag:s13], $0x2000  }
0x2e: {  	[sflag:s13] =	ssyncset.done $0x0  }
0x2f: {  	[sflag:s13] =	ssyncadd.s32 $0xFFFFE000  }
0x30: {  	[spmem:s8] =	stream.linear.scatter [tilespmem:s15], [sflag:$0x5], $0x2000, $0x38;
	[tilespmem:$0x1C000] =	vst v63  }
0x31: {  	s29 =	simm.s32 $0x0;
	_ =	swait.ge [sflag:s13], $0x2000  }
0x32: {  	v17 =	vor.u32 s29, v1;
	v18 =	vadd.s32 s29, v2;
	[sflag:s13] =	ssyncset.done $0x0  }
0x33: {  	v19 =	vor.u32 s29, v3;
	v20 =	vadd.s32 s29, v4;
	v21 =	vor.u32 s29, v5;
	[sflag:s13] =	ssyncadd.s32 $0xFFFFE000  }
0x34: {  	v22 =	vadd.s32 s29, v6;
	v23 =	vor.u32 s29, v7;
	v24 =	vadd.s32 s29, v8;
	[spmem:s9] =	stream.linear.scatter [tilespmem:s15], [sflag:$0x5], $0x2000, $0x38;
	[tilespmem:$0x1C000] =	vst v63  }
0x35: {  	v25 =	vor.u32 s29, v9;
	v26 =	vadd.s32 s29, v10;
	v27 =	vor.u32 s29, v11;
	_ =	swait.ge [sflag:s13], $0x2000  }
0x36: {  	v28 =	vadd.s32 s29, v12;
	v29 =	vmov s29;
	v30 =	vor.u32 s29, v13;
	[sflag:s13] =	ssyncset.done $0x0  }
0x37: {  	v31 =	vadd.s32 s29, v16;
	vm0 =	vgt.u32 v29, $0x27FF;
	v29 =	vor.u32 s29, v15;
	[sflag:s13] =	ssyncadd.s32 $0xFFFFE000  }
0x38: {  	s28 =	simm.s32 $0x40;
	v32 =	vadd.s32 s29, v14;
	v17 =	vsel vm0, v18, v17;
	v18 =	vsel vm0, v31, v29;
	[bflag:$0x0] =	sbarrier.arrive $0xFFFF  }
0x39: {  	v20 =	vsel vm0, v20, v19;
	v29 =	vsel vm0, v22, v21;
	v31 =	vsel vm0, v24, v23;
	[tilespmem:s28+$0x30] =	vst v18  }
0x3a: {  	s29 =	simm.s32 $0x80;
	v33 =	vsel vm0, v26, v25;
	v34 =	vsel vm0, v28, v27;
	v21 =	vsel vm0, v32, v30;
	[tilespmem:s28+$0xFFFFFFC0] =	vst v17  }
0x3b: {  	v19 =	vadd.s32 s29, v2;
	v23 =	vadd.s32 s29, v4;
	v22 =	vadd.s32 s29, v6;
	[tilespmem:s28+$0xFFFFFFD0] =	vst v20  }
0x3c: {  	v24 =	vor.u32 s29, v7;
	v26 =	vadd.s32 s29, v8;
	v25 =	vor.u32 s29, v9;
	[tilespmem:s28+$0xFFFFFFE0] =	vst v29  }
0x3d: {  	v27 =	vor.u32 s29, v11;
	v28 =	vadd.s32 s29, v12;
	v32 =	vmov s29;
	[tilespmem:s28+$0xFFFFFFF0] =	vst v31  }
0x3e: {  	v30 =	vor.u32 s29, v13;
	v17 =	vor.u32 s29, v1;
	v18 =	vor.u32 s29, v3;
	[tilespmem:s28+$0x0] =	vst v33  }
0x3f: {  	s30 =	simm.s32 $0x100;
	v20 =	vor.u32 s29, v5;
	v29 =	vadd.s32 s29, v10;
	v31 =	vadd.s32 s29, v14;
	[tilespmem:s28+$0x10] =	vst v34  }
.LBB2_4:
0x40: {  	p0 =	sne.s32 s30, $0x4F80;
	vm0 =	vgt.u32 v32, $0x27FF;
	v32 =	vor.u32 s29, v15;
	v33 =	vadd.s32 s29, v16;
	[tilespmem:s28+$0x20] =	vst v21;
	s29 =	smov.u32 s30  }
0x41: {  	s28 =	sadd.s32 $0x80, s28;
	v17 =	vsel vm0, v19, v17;
	v23 =	vsel vm0, v23, v18;
	v18 =	vsel vm0, v33, v32  }
0x42: {  	v32 =	vsel vm0, v22, v20;
	v33 =	vsel vm0, v26, v24;
	v34 =	vsel vm0, v29, v25;
	[tilespmem:s28+$0x30] =	vst v18  }
0x43: {  	v35 =	vsel vm0, v28, v27;
	v21 =	vsel vm0, v31, v30;
	[tilespmem:s28+$0xFFFFFFC0] =	vst v17  }
.Ltmp1:
0x44: {  	v19 =	vadd.s32 s30, v2;
	v18 =	vor.u32 s30, v3;
	v17 =	vor.u32 s30, v1;
	[tilespmem:s28+$0xFFFFFFD0] =	vst v23;
	(pc) =	sbr.rel @p0 .LBB2_4-.Ltmp1, $4  }
0x45: {  	v20 =	vor.u32 s30, v5;
	v22 =	vadd.s32 s30, v6;
	v23 =	vadd.s32 s30, v4;
	[tilespmem:s28+$0xFFFFFFE0] =	vst v32  }
0x46: {  	v24 =	vor.u32 s30, v7;
	v26 =	vadd.s32 s30, v8;
	v25 =	vor.u32 s30, v9;
	[tilespmem:s28+$0xFFFFFFF0] =	vst v33  }
0x47: {  	v29 =	vadd.s32 s30, v10;
	v27 =	vor.u32 s30, v11;
	v28 =	vadd.s32 s30, v12;
	[tilespmem:s28+$0x0] =	vst v34  }
0x48: {  	v30 =	vor.u32 s29, v13;
	v31 =	vadd.s32 s29, v14;
	s30 =	sadd.s32 $0x80, s30;
	v32 =	vmov s29;
	[tilespmem:s28+$0x10] =	vst v35  }
0x49: {  	vm0 =	vgt.u32 v32, $0x27FF;
	v62 =	vor.u32 s29, v15;
	v33 =	vadd.s32 s29, v16  }
0x4a: {  	[tilespmem:s28+$0x20] =	vst v21;
	s28 =	sadd.s32 $0x80, s28;
	v63 =	vsel vm0, v33, v62  }
0x4b: {  	v17 =	vsel vm0, v19, v17;
	[tilespmem:s28+$0x30] =	vst v63  }
0x4c: {  	v18 =	vsel vm0, v23, v18;
	[tilespmem:s28+$0xFFFFFFC0] =	vst v17  }
0x4d: {  	v17 =	vsel vm0, v22, v20;
	[tilespmem:s28+$0xFFFFFFD0] =	vst v18  }
0x4e: {  	v18 =	vsel vm0, v26, v24;
	[tilespmem:s28+$0xFFFFFFE0] =	vst v17  }
0x4f: {  	v17 =	vsel vm0, v29, v25;
	[tilespmem:s28+$0xFFFFFFF0] =	vst v18  }
0x50: {  	v18 =	vsel vm0, v28, v27;
	[tilespmem:s28+$0x0] =	vst v17  }
0x51: {  	v17 =	vsel vm0, v31, v30;
	[tilespmem:s28+$0x10] =	vst v18  }
0x52: {  	[tilespmem:s28+$0x20] =	vst v17  }
0x53: {  	[tilespmem:s15], [sflag:$0x1] =	stream.indirect.gather [hbm4b:s10+s16], $0x40, s2, s16, $0xb8;
	[tilespmem:$0x1C000] =	vst v63  }
0x54: {  	_ = 	snop  }
0x55: {  	[tilespmem:s17], [sflag:$0x2] =	stream.indirect.gather [hbm4b:s10+s16], $0x40, s16, s16, $0xb8;
	[tilespmem:$0x1C000] =	vst v63  }
0x56: {  	_ = 	snop  }
0x57: {  	[tilespmem:s19], [sflag:$0x3] =	stream.indirect.gather [hbm4b:s10+s16], $0x40, s18, s16, $0xb8;
	[tilespmem:$0x1C000] =	vst v63  }
0x58: {  	_ = 	snop  }
0x59: {  	[tilespmem:s21], [sflag:$0x4] =	stream.indirect.gather [hbm4b:s10+s16], $0x40, s20, s16, $0xb8;
	[tilespmem:$0x1C000] =	vst v63  }
0x5a: {  	_ =	swait.ge [sflag:s22], $0x2000  }
0x5b: {  	[sflag:s22] =	ssyncset.done $0x0  }
0x5c: {  	[sflag:s22] =	ssyncadd.s32 $0xFFFFE000  }
0x5d: {  	_ =	swait.ge [sflag:s23], $0x2000  }
0x5e: {  	[sflag:s23] =	ssyncset.done $0x0  }
0x5f: {  	[sflag:s23] =	ssyncadd.s32 $0xFFFFE000  }
0x60: {  	_ =	swait.ge [sflag:s24], $0x2000  }
0x61: {  	[sflag:s24] =	ssyncset.done $0x0  }
0x62: {  	[sflag:s24] =	ssyncadd.s32 $0xFFFFE000  }
0x63: {  	_ =	swait.ge [sflag:s25], $0x2000  }
0x64: {  	[sflag:s25] =	ssyncset.done $0x0  }
0x65: {  	s28 =	simm.s32 $0x200;
	[sflag:s25] =	ssyncadd.s32 $0xFFFFE000  }
0x66: {  	[tilespmem:s15], [sflag:$0x1] =	stream.indirect.gather [hbm4b:s10+s16], $0x40, s28, s16, $0xb8;
	[tilespmem:$0x1C000] =	vst v63  }
0x67: {  	s28 =	simm.s32 $0x280  }
0x68: {  	[tilespmem:s17], [sflag:$0x2] =	stream.indirect.gather [hbm4b:s10+s16], $0x40, s28, s16, $0xb8;
	[tilespmem:$0x1C000] =	vst v63  }
0x69: {  	s28 =	simm.s32 $0x300  }
0x6a: {  	[tilespmem:s19], [sflag:$0x3] =	stream.indirect.gather [hbm4b:s10+s16], $0x40, s28, s16, $0xb8;
	[tilespmem:$0x1C000] =	vst v63  }
0x6b: {  	s29 =	simm.s32 $0x380;
	s28 =	simm.s32 $0xFFFED000  }
.LBB2_6:
0x6c: {  	[tilespmem:s21], [sflag:$0x4] =	stream.indirect.gather [hbm4b:s10+s16], $0x40, s29, s16, $0xb8;
	[tilespmem:$0x1C000] =	vst v63  }
0x6d: {  	s29 =	smov.u32 s28  }
0x6e: {  	p0 =	sne.s32 s28, $0xFFFFF800;
	s28 =	sadd.s32 $0x800, s28;
	_ =	swait.ge [sflag:s22], $0x2000  }
0x6f: {  	[sflag:s22] =	ssyncset.done $0x0  }
0x70: {  	[sflag:s22] =	ssyncadd.s32 $0xFFFFE000  }
0x71: {  	_ =	swait.ge [sflag:s23], $0x2000  }
0x72: {  	[sflag:s23] =	ssyncset.done $0x0  }
0x73: {  	[sflag:s23] =	ssyncadd.s32 $0xFFFFE000  }
0x74: {  	_ =	swait.ge [sflag:s24], $0x2000  }
0x75: {  	[sflag:s24] =	ssyncset.done $0x0  }
0x76: {  	[sflag:s24] =	ssyncadd.s32 $0xFFFFE000  }
0x77: {  	_ =	swait.ge [sflag:s25], $0x2000  }
0x78: {  	s29 =	sshra.s32 s29, $0x2;
	[sflag:s25] =	ssyncset.done $0x0  }
0x79: {  	s30 =	sadd.s32 $0x5000, s29;
	[sflag:s25] =	ssyncadd.s32 $0xFFFFE000  }
0x7a: {  	[tilespmem:s15], [sflag:$0x1] =	stream.indirect.gather [hbm4b:s10+s16], $0x40, s30, s16, $0xb8;
	[tilespmem:$0x1C000] =	vst v63  }
.Ltmp2:
0x7b: {  	s30 =	sadd.s32 $0x5080, s29;
	(pc) =	sbr.rel @p0 .LBB2_6-.Ltmp2, $4  }
0x7c: {  	[tilespmem:s17], [sflag:$0x2] =	stream.indirect.gather [hbm4b:s10+s16], $0x40, s30, s16, $0xb8;
	[tilespmem:$0x1C000] =	vst v63  }
0x7d: {  	s30 =	sadd.s32 $0x5100, s29  }
0x7e: {  	[tilespmem:s19], [sflag:$0x3] =	stream.indirect.gather [hbm4b:s10+s16], $0x40, s30, s16, $0xb8;
	[tilespmem:$0x1C000] =	vst v63  }
0x7f: {  	s29 =	sadd.s32 $0x5180, s29  }
0x80: {  	[tilespmem:s21], [sflag:$0x4] =	stream.indirect.gather [hbm4b:s10+s16], $0x40, s29, s16, $0xb8;
	[tilespmem:$0x1C000] =	vst v63  }
0x81: {  	_ =	swait.ge [sflag:s22], $0x2000  }
0x82: {  	[sflag:s22] =	ssyncset.done $0x0  }
0x83: {  	[sflag:s22] =	ssyncadd.s32 $0xFFFFE000  }
0x84: {  	_ =	swait.ge [sflag:s23], $0x2000  }
0x85: {  	[sflag:s23] =	ssyncset.done $0x0  }
0x86: {  	[sflag:s23] =	ssyncadd.s32 $0xFFFFE000  }
0x87: {  	_ =	swait.ge [sflag:s24], $0x2000  }
0x88: {  	[sflag:s24] =	ssyncset.done $0x0  }
0x89: {  	[sflag:s24] =	ssyncadd.s32 $0xFFFFE000  }
0x8a: {  	_ =	swait.ge [sflag:s25], $0x2000  }
0x8b: {  	s28 =	sshll.u32 s1, $0x6;
	s26 =	sadd.s32 $0x1, s26;
	[sflag:s25] =	ssyncset.done $0x0  }
0x8c: {  	s31 =	sshrl.u32 s5, $0x3;
	p0 =	sne.s32 s26, s12;
	[sflag:s25] =	ssyncadd.s32 $0xFFFFE000  }
.Ltmp3:
0x8d: {  	s28 =	sor.u32 $0x1C05, s28;
	[bflag:$0x0] =	sbarrier.arrive $0xFFFF;
	(pc) =	sbr.rel @p0 .LBB2_1-.Ltmp3, $4  }
0x8e: {  	[hbm:s11], [sflag:s28] =	dma.local [spmem:s31], $0x1400  }
0x8f: {  	_ =	swait.ge [sflag:s13], $0x1400  }
0x90: {  	[sflag:s13] =	ssyncset.done $0x0  }
0x91: {  	[sflag:s13] =	ssyncadd.s32 $0xFFFFEC00  }
0x92: {  	_ =	sfence.sel $0x180000  }
0x93: {  	[bflag:$0x0] =	sbarrier.arrive $0xFFFF  }
0x94: {  	p0 =	sne.s32 s1, $0x0;
	_ =	strace $0x90000050  }
0x95: {  	s0 =	sadd.s32 @!p0 $0x100000, s0;
	[bflag:$0x2] =	sbarrier.arrive $0xFFFF  }
0x96: {  	[sflag:s0] =	ssyncadd.tile.s32 @!p0 $0x1;
	_ =	shalt  }
.Lfunc_end2:
_tile_overlayer_lowered:
.L_overlay_start_2:
0x97: {  	(tag) =	ssettag $0x2  }
0x98: {  	s0 =	rddreg [dreg:$0x0];
	s2 =	stileid.u32  }
0x99: {  	s1 =	rddreg [dreg:$0x1];
	p0 =	sne.s32 s2, $0x0  }
0x9a: {  	s3 =	rddreg [dreg:$0x2];
	[bflag:$0x3] =	sbarrier.arrive $0xFFFF;
	s2 =	simm.s32 @!p0 $0x1C05  }
0x9b: {  	[timem:s3], [sflag:s2] =	dma.local @!p0 [hbm:s0], s1  }
0x9c: {  	s0 =	simm.s32 @!p0 $0x5  }
0x9d: {  	_ =	swait.ge @!p0 [sflag:s0], s1  }
0x9e: {  	s1 =	ssub.s32 @!p0 $0x0, s1;
	[sflag:s0] =	ssyncset.done @!p0 $0x0  }
0x9f: {  	[sflag:s0] =	ssyncadd.s32 @!p0 s1  }
0xa0: {  	[bflag:$0x3] =	sbarrier.arrive $0xFFFF  }
0xa1: {  	_ =	shalt  }

</sc_bundles>
